<compile_context>
chip_gen: v7x
topology: tpu7x:2x2x1
jax: 0.10.2.dev20260603
libtpu: 0.0.44.dev20260713+nightly
codegen_flags: <defaults>
</compile_context>

<pallas_src>
import functools

import jax
import jax.numpy as jnp
from jax import lax
from jax.experimental import pallas as pl
from jax.experimental.pallas import tpu as pltpu
from jax.experimental.pallas import tpu_sc as plsc

BATCH = 4
SEQ = 4096
CHAN = 1024
KTOP = 64
LANES = 16
NTILES = 32
CGROUPS = CHAN // LANES
NGROUPS = BATCH * CGROUPS
GROUPS_PER_TILE = NGROUPS // NTILES
CAND_CAP = 2048

_MESH = plsc.VectorSubcoreMesh(core_axis_name="c", subcore_axis_name="s")


@functools.partial(
    pl.kernel,
    out_type=jax.ShapeDtypeStruct((BATCH, KTOP, CHAN), jnp.float32),
    mesh=_MESH,
    compiler_params=pltpu.CompilerParams(
        use_tc_tiling_on_sc=False, needs_layout_passes=False
    ),
    scratch_types=[
        pltpu.VMEM((SEQ // 2, LANES), jnp.float32),
        pltpu.VMEM((SEQ // 2, LANES), jnp.float32),
        pltpu.VMEM((CAND_CAP, LANES), jnp.int32),
        pltpu.VMEM((256, LANES), jnp.int32),
        pltpu.VMEM((2 * KTOP, LANES), jnp.float32),
        pltpu.SemaphoreType.DMA,
        pltpu.SemaphoreType.DMA,
        pltpu.SemaphoreType.DMA,
    ],
)
def _kmax_sc(
    x_hbm, out_hbm, data_a, data_b, cand_v, hist_v, outb_v, sem_a, sem_b, sem_o
):
    wid = lax.axis_index("s") * 2 + lax.axis_index("c")
    lane = lax.iota(jnp.int32, LANES)
    zeros = jnp.zeros((LANES,), jnp.int32)
    ones = jnp.ones((LANES,), jnp.int32)

    def _zero_hist(j, c):
        hist_v[j] = zeros
        return c

    lax.fori_loop(0, 256, _zero_hist, 0)

    def _key(vec_f32):
        bits = lax.bitcast_convert_type(vec_f32, jnp.int32)
        return jnp.where(bits < 0, bits ^ 0x7FFFFFFF, bits)

    def _scan_hist(need):
        init = (zeros, jnp.zeros((LANES,), jnp.bool_), zeros, zeros)

        @plsc.parallel_loop(0, 256, unroll=8, carry=init)
        def body(t, st):
            cum, fnd, bsel, cbef = st
            j = 255 - t
            h = hist_v[j]
            hist_v[j] = zeros
            cum_new = cum + h
            newly = jnp.logical_and(jnp.logical_not(fnd), cum_new >= need)
            bsel = jnp.where(newly, j, bsel)
            cbef = jnp.where(newly, cum, cbef)
            fnd = jnp.logical_or(fnd, newly)
            return cum_new, fnd, bsel, cbef

        _, fnd, bsel, cbef = body
        return bsel, cbef, fnd

    def _addr(g):
        gid = jnp.minimum(g * NTILES + wid, NGROUPS - 1)
        return gid // CGROUPS, (gid % CGROUPS) * LANES

    def _half_copy(g, half, data_ref, sem):
        b, c0 = _addr(g)
        return pltpu.make_async_copy(
            x_hbm.at[b, pl.ds(half * (SEQ // 2), SEQ // 2), pl.ds(c0, LANES)],
            data_ref,
            sem,
        )

    def _half_start(g, half, data_ref, sem):
        b, c0 = _addr(g)
        q = SEQ // 4
        for sub in range(2):
            pltpu.make_async_copy(
                x_hbm.at[
                    b,
                    pl.ds(half * (SEQ // 2) + sub * q, q),
                    pl.ds(c0, LANES),
                ],
                data_ref.at[pl.ds(sub * q, q)],
                sem,
            ).start()

    _half_start(0, 0, data_a, sem_a)
    _half_start(0, 1, data_b, sem_b)

    def _out_copy(g):
        b, c0 = _addr(g)
        off = (g % 2) * KTOP
        return pltpu.make_async_copy(
            outb_v.at[pl.ds(off, KTOP)],
            out_hbm.at[b, :, pl.ds(c0, LANES)],
            sem_o,
        )

    def group_body(g, bguess):
        b, c0 = _addr(g)

        @pl.when(g >= 2)
        def _():
            _out_copy(g - 2).wait()

        kbase = jnp.maximum(bguess - 128, 0) << 24
        flo = lax.bitcast_convert_type(kbase, jnp.float32)

        def fused(data_ref, cnt0):
            @plsc.parallel_loop(0, SEQ // 2, unroll=8, carry=cnt0)
            def body(i, cnt):
                x = data_ref[i]
                m_cand = x >= flo
                slot = jnp.minimum(cnt, CAND_CAP - 1)
                plsc.store_scatter(
                    cand_v,
                    [slot, lane],
                    lax.bitcast_convert_type(x, jnp.int32),
                    mask=m_cand,
                )
                return cnt + m_cand.astype(jnp.int32)

            return body

        _half_copy(g, 0, data_a, sem_a).wait()
        cnt = fused(data_a, zeros)
        _half_copy(g, 1, data_b, sem_b).wait()
        cnt = fused(data_b, cnt)

        def candhist(cnt_in):
            ncand0 = ((jnp.max(cnt_in) + 7) // 8) * 8

            def body(i):
                raw = cand_v[i]
                key = jnp.where(raw < 0, raw ^ 0x7FFFFFFF, raw)
                cand_v[i] = key
                valid = i < cnt_in
                su = (key >> 24) + 128
                plsc.addupdate_scatter(hist_v, [su, lane], ones, mask=valid)

            plsc.parallel_loop(0, ncand0, unroll=8)(body)

        candhist(cnt)
        need = jnp.full((LANES,), KTOP, jnp.int32)
        b0, cbef, fnd = _scan_hist(need)

        guess_ok = jnp.logical_and(jnp.all(fnd), jnp.max(cnt) < CAND_CAP)

        def fallback():
            def histpass(data_ref):
                @plsc.parallel_loop(0, SEQ // 2, unroll=8)
                def body(i):
                    su = (_key(data_ref[i]) >> 24) + 128
                    plsc.addupdate_scatter(hist_v, [su, lane], ones)

            histpass(data_a)
            histpass(data_b)
            b0f, cbeff, _ = _scan_hist(need)

            def one(data_ref, cnt0):
                @plsc.parallel_loop(0, SEQ // 2, unroll=8, carry=cnt0)
                def body(i, cnt):
                    key = _key(data_ref[i])
                    m_cand = ((key >> 24) + 128) >= b0f
                    slot = jnp.minimum(cnt, CAND_CAP - 1)
                    plsc.store_scatter(cand_v, [slot, lane], key, mask=m_cand)
                    return cnt + m_cand.astype(jnp.int32)

                return body

            return one(data_b, one(data_a, zeros)), b0f, cbeff

        cnt, b0, cbef = lax.cond(
            guess_ok, lambda: (cnt, b0, cbef), fallback
        )
        prefix = jnp.full((LANES,), -128, jnp.int32) + b0
        need = need - cbef
        _half_start(g + 1, 0, data_a, sem_a)
        _half_start(g + 1, 1, data_b, sem_b)

        base1 = prefix * 256
        ncand = ((jnp.max(cnt) + 7) // 8) * 8

        def lvl1(i):
            key = cand_v[i]
            valid = i < cnt
            su1 = (key >> 16) - base1
            match = jnp.logical_and(
                valid, jnp.logical_and(su1 >= 0, su1 < 256)
            )
            suc = jnp.clip(su1, 0, 255)
            plsc.addupdate_scatter(hist_v, [suc, lane], ones, mask=match)

        plsc.parallel_loop(0, ncand, unroll=8)(lvl1)
        b1, cbef, _ = _scan_hist(need)
        prefix = base1 + b1
        need = need - cbef
        nrows = ncand

        for shift in (8, 0):
            base = prefix * 256

            def lvlN(i, shift=shift, base=base):
                key = cand_v[i]
                valid = i < cnt
                su = (key >> shift) - base
                match = jnp.logical_and(
                    valid, jnp.logical_and(su >= 0, su < 256)
                )
                suc = jnp.clip(su, 0, 255)
                plsc.addupdate_scatter(hist_v, [suc, lane], ones, mask=match)

            plsc.parallel_loop(0, nrows, unroll=8)(lvlN)
            bN, cbef, _ = _scan_hist(need)
            prefix = base + bN
            need = need - cbef

        tkey = prefix
        rneed = need
        out_off = jnp.full((LANES,), (g % 2) * KTOP, jnp.int32)

        @plsc.parallel_loop(0, nrows, unroll=8, carry=(zeros, zeros))
        def outp(i, st):
            cnt2, eqc = st
            key = cand_v[i]
            valid = i < cnt
            gt = jnp.logical_and(valid, key > tkey)
            eq = jnp.logical_and(valid, key == tkey)
            sel = jnp.logical_or(gt, jnp.logical_and(eq, eqc < rneed))
            val = jnp.where(key < 0, key ^ 0x7FFFFFFF, key)
            plsc.store_scatter(
                outb_v,
                [cnt2 + out_off, lane],
                lax.bitcast_convert_type(val, jnp.float32),
                mask=sel,
            )
            return cnt2 + sel.astype(jnp.int32), eqc + eq.astype(jnp.int32)
        _out_copy(g).start()
        return b0

    lax.fori_loop(
        0, GROUPS_PER_TILE, group_body, jnp.full((LANES,), 192, jnp.int32)
    )

    _out_copy(GROUPS_PER_TILE - 2).wait()
    _out_copy(GROUPS_PER_TILE - 1).wait()

    _half_copy(GROUPS_PER_TILE, 0, data_a, sem_a).wait()
    _half_copy(GROUPS_PER_TILE, 1, data_b, sem_b).wait()


def kernel(x):
    return _kmax_sc(x)

# --- scband reference (transcript-rebuilt; emitter-appended) ---
"""Pipeline reference for scband-kmax-pooling1-d-11295763988974 (READ-ONLY COPY).

The authoritative reference and input builder live on the scoring server;
editing this copy changes nothing except your own understanding.
"""

import jax, jax.numpy as jnp
import numpy as np

K = 64


def setup_inputs(seed: int = 0) -> dict:
    key = jax.random.key(seed)
    x = jax.random.normal(key, (4, 4096, 1024), dtype=jnp.float32)
    return {"x": x}


def kmax_pooling(x, dim, k):
    # Faithful port of the common torch kmax_pooling:
    #   index = x.topk(k, dim=dim)[1].sort(dim=dim)[0]
    #   return x.gather(dim, index)
    xt = jnp.moveaxis(x, dim, -1)
    _, idx = jax.lax.top_k(xt, k)
    idx = jnp.sort(idx, axis=-1)  # preserve original sequence order
    out = jnp.take_along_axis(xt, idx, axis=-1)
    return jnp.moveaxis(out, -1, dim)


def reference(x):
    return kmax_pooling(x, 1, K)

if __name__ == "__main__":
    import jax
    _d = setup_inputs()
    print(jax.jit(kernel)(*tuple(_d.values())))

</pallas_src>

<mosaic_0001>
#map = affine_map<(d0, d1) -> (0, 0, 0)>
module attributes {stable_mosaic.version = 14 : i64} {
  func.func @_kmax_sc(%arg0: i32, %arg1: i32, %arg2: memref<4x4096x1024xf32, #tpu.memory_space<hbm>>, %arg3: memref<4x64x1024xf32, #tpu.memory_space<hbm>>, %arg4: memref<2048x16xf32, #tpu.memory_space<vmem>>, %arg5: memref<2048x16xf32, #tpu.memory_space<vmem>>, %arg6: memref<2048x16xi32, #tpu.memory_space<vmem>>, %arg7: memref<256x16xi32, #tpu.memory_space<vmem>>, %arg8: memref<128x16xf32, #tpu.memory_space<vmem>>, %arg9: memref<!tpu.dma_semaphore, #tpu.memory_space<semaphore_mem>>, %arg10: memref<!tpu.dma_semaphore, #tpu.memory_space<semaphore_mem>>, %arg11: memref<!tpu.dma_semaphore, #tpu.memory_space<semaphore_mem>>) attributes {dimension_semantics = [#tpu.dimension_semantics<core_parallel>, #tpu.dimension_semantics<subcore_parallel>], iteration_bounds = array<i64: 2, 16>, scalar_prefetch = 0 : i64, scratch_operands = 8 : i64, tpu.core_type = #tpu.core_type<sc_vector_subcore>, window_params = [{transform_indices = #map}, {transform_indices = #map}]} {
    %mul3A = arith.constant 2 : i32
    %mul3A_0 = arith.muli %arg1, %mul3A : i32
    %add3A = arith.addi %mul3A_0, %arg0 : i32
    %iota3A = tpu.iota {dimensions = array<i32: 0>} : vector<16xi32>
    %broadcast_in_dim3A = arith.constant 0 : i32
    %broadcast_in_dim3A_1 = vector.broadcast %broadcast_in_dim3A : i32 to vector<16xi32>
    %broadcast_in_dim3A_2 = arith.constant 1 : i32
    %broadcast_in_dim3A_3 = vector.broadcast %broadcast_in_dim3A_2 : i32 to vector<16xi32>
    %scan3A = arith.constant 0 : i32
    %scan3A_4 = arith.constant 0 : i32
    %scan3A_5 = arith.constant 256 : i32
    %scan3A_6 = arith.addi %scan3A_4, %scan3A_5 : i32
    %scan3A_7 = arith.constant 1 : i32
    scf.for %scan3A_364 = %scan3A_4 to %scan3A_6 step %scan3A_7  : i32 {
      %swap3A = arith.index_cast %scan3A_364 : i32 to index
      %swap3A_365 = arith.constant 0 : index
      %swap3A_366 = tpu.vector_load %arg7[%swap3A, %swap3A_365] {strides = array<i32>} : memref<256x16xi32, #tpu.memory_space<vmem>>, vector<16xi32>,
      tpu.vector_store %arg7[%swap3A, %swap3A_365], %broadcast_in_dim3A_1 {strides = array<i32>} : memref<256x16xi32, #tpu.memory_space<vmem>>, vector<16xi32>,
    }
    %scan3A_8 = arith.constant 256 : i32
    %add3A_9 = arith.constant 0 : i32
    %add3A_10 = arith.addi %add3A_9, %add3A : i32
    %min3A = arith.constant 255 : i32
    %min3A_11 = arith.minsi %add3A_10, %min3A : i32
    %jit3A = arith.constant 64 : i32
    %div3A = arith.divsi %min3A_11, %jit3A : i32
    %sign3A = arith.constant 0 : i32
    %sign3A_12 = arith.cmpi sgt, %min3A_11, %sign3A : i32
    %sign3A_13 = arith.extui %sign3A_12 : i1 to i32
    %sign3A_14 = arith.constant 0 : i32
    %sign3A_15 = arith.cmpi slt, %min3A_11, %sign3A_14 : i32
    %sign3A_16 = arith.extui %sign3A_15 : i1 to i32
    %sign3A_17 = arith.subi %sign3A_13, %sign3A_16 : i32
    %sign3A_18 = arith.constant 0 : i32
    %sign3A_19 = arith.cmpi sgt, %jit3A, %sign3A_18 : i32
    %sign3A_20 = arith.extui %sign3A_19 : i1 to i32
    %sign3A_21 = arith.constant 0 : i32
    %sign3A_22 = arith.cmpi slt, %jit3A, %sign3A_21 : i32
    %sign3A_23 = arith.extui %sign3A_22 : i1 to i32
    %sign3A_24 = arith.subi %sign3A_20, %sign3A_23 : i32
    %ne3A = arith.cmpi ne, %sign3A_17, %sign3A_24 : i32
    %rem3A = arith.remsi %min3A_11, %jit3A : i32
    %ne3A_25 = arith.constant 0 : i32
    %ne3A_26 = arith.cmpi ne, %rem3A, %ne3A_25 : i32
    %and3A = arith.andi %ne3A, %ne3A_26 : i1
    %sub3A = arith.constant 1 : i32
    %sub3A_27 = arith.subi %div3A, %sub3A : i32
    %select_n3A = arith.select %and3A, %sub3A_27, %div3A : i32
    %jit3A_28 = arith.constant 64 : i32
    %eq3A = arith.constant 0 : i32
    %eq3A_29 = arith.cmpi eq, %jit3A_28, %eq3A : i32
    %jit3A_30 = arith.constant 1 : i32
    %select_n3A_31 = arith.select %eq3A_29, %jit3A_30, %jit3A_28 : i32
    %rem3A_32 = arith.remsi %min3A_11, %select_n3A_31 : i32
    %ne3A_33 = arith.constant 0 : i32
    %ne3A_34 = arith.cmpi ne, %rem3A_32, %ne3A_33 : i32
    %lt3A = arith.constant 0 : i32
    %lt3A_35 = arith.cmpi slt, %rem3A_32, %lt3A : i32
    %lt3A_36 = arith.constant 0 : i32
    %lt3A_37 = arith.cmpi slt, %select_n3A_31, %lt3A_36 : i32
    %ne3A_38 = arith.xori %lt3A_35, %lt3A_37 : i1
    %and3A_39 = arith.andi %ne3A_38, %ne3A_34 : i1
    %add3A_40 = arith.addi %rem3A_32, %select_n3A_31 : i32
    %select_n3A_41 = arith.select %and3A_39, %add3A_40, %rem3A_32 : i32
    %mul3A_42 = arith.constant 16 : i32
    %mul3A_43 = arith.muli %select_n3A_41, %mul3A_42 : i32
    %dma_start3A = arith.constant 0 : i32
    %dma_start3A_44 = arith.constant 0 : i32
    %dma_start3A_45 = tpu.memref_slice %arg4[%dma_start3A, %dma_start3A_44] : memref<2048x16xf32, #tpu.memory_space<vmem>> -> memref<1024x16xf32, #tpu.memory_space<vmem>>
    %dma_start3A_46 = arith.constant 0 : i32
    %dma_start3A_47 = tpu.memref_slice %arg2[%select_n3A, %dma_start3A_46, %mul3A_43] : memref<4x4096x1024xf32, #tpu.memory_space<hbm>> -> memref<1x1024x16xf32, #tpu.memory_space<hbm>>
    %dma_start3A_48 = tpu.memref_squeeze %dma_start3A_47 : memref<1x1024x16xf32, #tpu.memory_space<hbm>> -> memref<1024x16xf32, #tpu.memory_space<hbm>>
    %dma_start3A_49 = arith.constant 0 : i32
    %dma_start3A_50 = arith.constant 0 : i32
    %dma_start3A_51 = tpu.memref_slice %arg4[%dma_start3A_49, %dma_start3A_50] : memref<2048x16xf32, #tpu.memory_space<vmem>> -> memref<1024x16xf32, #tpu.memory_space<vmem>>
    %dma_start3A_52 = arith.constant 0 : i32
    %dma_start3A_53 = tpu.memref_slice %arg2[%select_n3A, %dma_start3A_52, %mul3A_43] : memref<4x4096x1024xf32, #tpu.memory_space<hbm>> -> memref<1x1024x16xf32, #tpu.memory_space<hbm>>
    %dma_start3A_54 = tpu.memref_squeeze %dma_start3A_53 : memref<1x1024x16xf32, #tpu.memory_space<hbm>> -> memref<1024x16xf32, #tpu.memory_space<hbm>>
    tpu.enqueue_dma source(%dma_start3A_54 : memref<1024x16xf32, #tpu.memory_space<hbm>>) target(%dma_start3A_51 : memref<1024x16xf32, #tpu.memory_space<vmem>>) target_semaphore(%arg9 : memref<!tpu.dma_semaphore, #tpu.memory_space<semaphore_mem>>)
    %dma_start3A_55 = arith.constant 1024 : i32
    %dma_start3A_56 = arith.constant 0 : i32
    %dma_start3A_57 = tpu.memref_slice %arg4[%dma_start3A_55, %dma_start3A_56] : memref<2048x16xf32, #tpu.memory_space<vmem>> -> memref<1024x16xf32, #tpu.memory_space<vmem>>
    %dma_start3A_58 = arith.constant 1024 : i32
    %dma_start3A_59 = tpu.memref_slice %arg2[%select_n3A, %dma_start3A_58, %mul3A_43] : memref<4x4096x1024xf32, #tpu.memory_space<hbm>> -> memref<1x1024x16xf32, #tpu.memory_space<hbm>>
    %dma_start3A_60 = tpu.memref_squeeze %dma_start3A_59 : memref<1x1024x16xf32, #tpu.memory_space<hbm>> -> memref<1024x16xf32, #tpu.memory_space<hbm>>
    %dma_start3A_61 = arith.constant 1024 : i32
    %dma_start3A_62 = arith.constant 0 : i32
    %dma_start3A_63 = tpu.memref_slice %arg4[%dma_start3A_61, %dma_start3A_62] : memref<2048x16xf32, #tpu.memory_space<vmem>> -> memref<1024x16xf32, #tpu.memory_space<vmem>>
    %dma_start3A_64 = arith.constant 1024 : i32
    %dma_start3A_65 = tpu.memref_slice %arg2[%select_n3A, %dma_start3A_64, %mul3A_43] : memref<4x4096x1024xf32, #tpu.memory_space<hbm>> -> memref<1x1024x16xf32, #tpu.memory_space<hbm>>
    %dma_start3A_66 = tpu.memref_squeeze %dma_start3A_65 : memref<1x1024x16xf32, #tpu.memory_space<hbm>> -> memref<1024x16xf32, #tpu.memory_space<hbm>>
    tpu.enqueue_dma source(%dma_start3A_66 : memref<1024x16xf32, #tpu.memory_space<hbm>>) target(%dma_start3A_63 : memref<1024x16xf32, #tpu.memory_space<vmem>>) target_semaphore(%arg9 : memref<!tpu.dma_semaphore, #tpu.memory_space<semaphore_mem>>)
    %add3A_67 = arith.constant 0 : i32
    %add3A_68 = arith.addi %add3A_67, %add3A : i32
    %min3A_69 = arith.constant 255 : i32
    %min3A_70 = arith.minsi %add3A_68, %min3A_69 : i32
    %jit3A_71 = arith.constant 64 : i32
    %div3A_72 = arith.divsi %min3A_70, %jit3A_71 : i32
    %sign3A_73 = arith.constant 0 : i32
    %sign3A_74 = arith.cmpi sgt, %min3A_70, %sign3A_73 : i32
    %sign3A_75 = arith.extui %sign3A_74 : i1 to i32
    %sign3A_76 = arith.constant 0 : i32
    %sign3A_77 = arith.cmpi slt, %min3A_70, %sign3A_76 : i32
    %sign3A_78 = arith.extui %sign3A_77 : i1 to i32
    %sign3A_79 = arith.subi %sign3A_75, %sign3A_78 : i32
    %sign3A_80 = arith.constant 0 : i32
    %sign3A_81 = arith.cmpi sgt, %jit3A_71, %sign3A_80 : i32
    %sign3A_82 = arith.extui %sign3A_81 : i1 to i32
    %sign3A_83 = arith.constant 0 : i32
    %sign3A_84 = arith.cmpi slt, %jit3A_71, %sign3A_83 : i32
    %sign3A_85 = arith.extui %sign3A_84 : i1 to i32
    %sign3A_86 = arith.subi %sign3A_82, %sign3A_85 : i32
    %ne3A_87 = arith.cmpi ne, %sign3A_79, %sign3A_86 : i32
    %rem3A_88 = arith.remsi %min3A_70, %jit3A_71 : i32
    %ne3A_89 = arith.constant 0 : i32
    %ne3A_90 = arith.cmpi ne, %rem3A_88, %ne3A_89 : i32
    %and3A_91 = arith.andi %ne3A_87, %ne3A_90 : i1
    %sub3A_92 = arith.constant 1 : i32
    %sub3A_93 = arith.subi %div3A_72, %sub3A_92 : i32
    %select_n3A_94 = arith.select %and3A_91, %sub3A_93, %div3A_72 : i32
    %jit3A_95 = arith.constant 64 : i32
    %eq3A_96 = arith.constant 0 : i32
    %eq3A_97 = arith.cmpi eq, %jit3A_95, %eq3A_96 : i32
    %jit3A_98 = arith.constant 1 : i32
    %select_n3A_99 = arith.select %eq3A_97, %jit3A_98, %jit3A_95 : i32
    %rem3A_100 = arith.remsi %min3A_70, %select_n3A_99 : i32
    %ne3A_101 = arith.constant 0 : i32
    %ne3A_102 = arith.cmpi ne, %rem3A_100, %ne3A_101 : i32
    %lt3A_103 = arith.constant 0 : i32
    %lt3A_104 = arith.cmpi slt, %rem3A_100, %lt3A_103 : i32
    %lt3A_105 = arith.constant 0 : i32
    %lt3A_106 = arith.cmpi slt, %select_n3A_99, %lt3A_105 : i32
    %ne3A_107 = arith.xori %lt3A_104, %lt3A_106 : i1
    %and3A_108 = arith.andi %ne3A_107, %ne3A_102 : i1
    %add3A_109 = arith.addi %rem3A_100, %select_n3A_99 : i32
    %select_n3A_110 = arith.select %and3A_108, %add3A_109, %rem3A_100 : i32
    %mul3A_111 = arith.constant 16 : i32
    %mul3A_112 = arith.muli %select_n3A_110, %mul3A_111 : i32
    %dma_start3A_113 = arith.constant 0 : i32
    %dma_start3A_114 = arith.constant 0 : i32
    %dma_start3A_115 = tpu.memref_slice %arg5[%dma_start3A_113, %dma_start3A_114] : memref<2048x16xf32, #tpu.memory_space<vmem>> -> memref<1024x16xf32, #tpu.memory_space<vmem>>
    %dma_start3A_116 = arith.constant 2048 : i32
    %dma_start3A_117 = tpu.memref_slice %arg2[%select_n3A_94, %dma_start3A_116, %mul3A_112] : memref<4x4096x1024xf32, #tpu.memory_space<hbm>> -> memref<1x1024x16xf32, #tpu.memory_space<hbm>>
    %dma_start3A_118 = tpu.memref_squeeze %dma_start3A_117 : memref<1x1024x16xf32, #tpu.memory_space<hbm>> -> memref<1024x16xf32, #tpu.memory_space<hbm>>
    %dma_start3A_119 = arith.constant 0 : i32
    %dma_start3A_120 = arith.constant 0 : i32
    %dma_start3A_121 = tpu.memref_slice %arg5[%dma_start3A_119, %dma_start3A_120] : memref<2048x16xf32, #tpu.memory_space<vmem>> -> memref<1024x16xf32, #tpu.memory_space<vmem>>
    %dma_start3A_122 = arith.constant 2048 : i32
    %dma_start3A_123 = tpu.memref_slice %arg2[%select_n3A_94, %dma_start3A_122, %mul3A_112] : memref<4x4096x1024xf32, #tpu.memory_space<hbm>> -> memref<1x1024x16xf32, #tpu.memory_space<hbm>>
    %dma_start3A_124 = tpu.memref_squeeze %dma_start3A_123 : memref<1x1024x16xf32, #tpu.memory_space<hbm>> -> memref<1024x16xf32, #tpu.memory_space<hbm>>
    tpu.enqueue_dma source(%dma_start3A_124 : memref<1024x16xf32, #tpu.memory_space<hbm>>) target(%dma_start3A_121 : memref<1024x16xf32, #tpu.memory_space<vmem>>) target_semaphore(%arg10 : memref<!tpu.dma_semaphore, #tpu.memory_space<semaphore_mem>>)
    %dma_start3A_125 = arith.constant 1024 : i32
    %dma_start3A_126 = arith.constant 0 : i32
    %dma_start3A_127 = tpu.memref_slice %arg5[%dma_start3A_125, %dma_start3A_126] : memref<2048x16xf32, #tpu.memory_space<vmem>> -> memref<1024x16xf32, #tpu.memory_space<vmem>>
    %dma_start3A_128 = arith.constant 3072 : i32
    %dma_start3A_129 = tpu.memref_slice %arg2[%select_n3A_94, %dma_start3A_128, %mul3A_112] : memref<4x4096x1024xf32, #tpu.memory_space<hbm>> -> memref<1x1024x16xf32, #tpu.memory_space<hbm>>
    %dma_start3A_130 = tpu.memref_squeeze %dma_start3A_129 : memref<1x1024x16xf32, #tpu.memory_space<hbm>> -> memref<1024x16xf32, #tpu.memory_space<hbm>>
    %dma_start3A_131 = arith.constant 1024 : i32
    %dma_start3A_132 = arith.constant 0 : i32
    %dma_start3A_133 = tpu.memref_slice %arg5[%dma_start3A_131, %dma_start3A_132] : memref<2048x16xf32, #tpu.memory_space<vmem>> -> memref<1024x16xf32, #tpu.memory_space<vmem>>
    %dma_start3A_134 = arith.constant 3072 : i32
    %dma_start3A_135 = tpu.memref_slice %arg2[%select_n3A_94, %dma_start3A_134, %mul3A_112] : memref<4x4096x1024xf32, #tpu.memory_space<hbm>> -> memref<1x1024x16xf32, #tpu.memory_space<hbm>>
    %dma_start3A_136 = tpu.memref_squeeze %dma_start3A_135 : memref<1x1024x16xf32, #tpu.memory_space<hbm>> -> memref<1024x16xf32, #tpu.memory_space<hbm>>
    tpu.enqueue_dma source(%dma_start3A_136 : memref<1024x16xf32, #tpu.memory_space<hbm>>) target(%dma_start3A_133 : memref<1024x16xf32, #tpu.memory_space<vmem>>) target_semaphore(%arg10 : memref<!tpu.dma_semaphore, #tpu.memory_space<semaphore_mem>>)
    %broadcast_in_dim3A_137 = arith.constant 192 : i32
    %broadcast_in_dim3A_138 = vector.broadcast %broadcast_in_dim3A_137 : i32 to vector<16xi32>
    %scan3A_139 = arith.constant 0 : i32
    %scan3A_140 = arith.constant 8 : i32
    %scan3A_141 = arith.addi %scan3A_139, %scan3A_140 : i32
    %scan3A_142 = arith.constant 1 : i32
    %scan3A_143 = scf.for %scan3A_364 = %scan3A_139 to %scan3A_141 step %scan3A_142 iter_args(%scan3A_365 = %broadcast_in_dim3A_138) -> (vector<16xi32>)  : i32 {
      %mul3A_366 = arith.constant 32 : i32
      %mul3A_367 = arith.muli %scan3A_364, %mul3A_366 : i32
      %add3A_368 = arith.addi %mul3A_367, %add3A : i32
      %min3A_369 = arith.constant 255 : i32
      %min3A_370 = arith.minsi %add3A_368, %min3A_369 : i32
      %jit3A_371 = arith.constant 64 : i32
      %div3A_372 = arith.divsi %min3A_370, %jit3A_371 : i32
      %sign3A_373 = arith.constant 0 : i32
      %sign3A_374 = arith.cmpi sgt, %min3A_370, %sign3A_373 : i32
      %sign3A_375 = arith.extui %sign3A_374 : i1 to i32
      %sign3A_376 = arith.constant 0 : i32
      %sign3A_377 = arith.cmpi slt, %min3A_370, %sign3A_376 : i32
      %sign3A_378 = arith.extui %sign3A_377 : i1 to i32
      %sign3A_379 = arith.subi %sign3A_375, %sign3A_378 : i32
      %sign3A_380 = arith.constant 0 : i32
      %sign3A_381 = arith.cmpi sgt, %jit3A_371, %sign3A_380 : i32
      %sign3A_382 = arith.extui %sign3A_381 : i1 to i32
      %sign3A_383 = arith.constant 0 : i32
      %sign3A_384 = arith.cmpi slt, %jit3A_371, %sign3A_383 : i32
      %sign3A_385 = arith.extui %sign3A_384 : i1 to i32
      %sign3A_386 = arith.subi %sign3A_382, %sign3A_385 : i32
      %ne3A_387 = arith.cmpi ne, %sign3A_379, %sign3A_386 : i32
      %rem3A_388 = arith.remsi %min3A_370, %jit3A_371 : i32
      %ne3A_389 = arith.constant 0 : i32
      %ne3A_390 = arith.cmpi ne, %rem3A_388, %ne3A_389 : i32
      %and3A_391 = arith.andi %ne3A_387, %ne3A_390 : i1
      %sub3A_392 = arith.constant 1 : i32
      %sub3A_393 = arith.subi %div3A_372, %sub3A_392 : i32
      %select_n3A_394 = arith.select %and3A_391, %sub3A_393, %div3A_372 : i32
      %jit3A_395 = arith.constant 64 : i32
      %eq3A_396 = arith.constant 0 : i32
      %eq3A_397 = arith.cmpi eq, %jit3A_395, %eq3A_396 : i32
      %jit3A_398 = arith.constant 1 : i32
      %select_n3A_399 = arith.select %eq3A_397, %jit3A_398, %jit3A_395 : i32
      %rem3A_400 = arith.remsi %min3A_370, %select_n3A_399 : i32
      %ne3A_401 = arith.constant 0 : i32
      %ne3A_402 = arith.cmpi ne, %rem3A_400, %ne3A_401 : i32
      %lt3A_403 = arith.constant 0 : i32
      %lt3A_404 = arith.cmpi slt, %rem3A_400, %lt3A_403 : i32
      %lt3A_405 = arith.constant 0 : i32
      %lt3A_406 = arith.cmpi slt, %select_n3A_399, %lt3A_405 : i32
      %ne3A_407 = arith.xori %lt3A_404, %lt3A_406 : i1
      %and3A_408 = arith.andi %ne3A_407, %ne3A_402 : i1
      %add3A_409 = arith.addi %rem3A_400, %select_n3A_399 : i32
      %select_n3A_410 = arith.select %and3A_408, %add3A_409, %rem3A_400 : i32
      %mul3A_411 = arith.constant 16 : i32
      %mul3A_412 = arith.muli %select_n3A_410, %mul3A_411 : i32
      %ge3A = arith.constant 2 : i32
      %ge3A_413 = arith.cmpi sge, %scan3A_364, %ge3A : i32
      %convert_element_type3A = arith.extui %ge3A_413 : i1 to i32
      %cond3A = arith.constant 0 : i32
      %cond3A_414 = arith.cmpi ne, %convert_element_type3A, %cond3A : i32
      scf.if %cond3A_414 {
        %sub3A_927 = arith.constant 2 : i32
        %sub3A_928 = arith.subi %scan3A_364, %sub3A_927 : i32
        %mul3A_929 = arith.constant 32 : i32
        %mul3A_930 = arith.muli %sub3A_928, %mul3A_929 : i32
        %add3A_931 = arith.addi %mul3A_930, %add3A : i32
        %min3A_932 = arith.constant 255 : i32
        %min3A_933 = arith.minsi %add3A_931, %min3A_932 : i32
        %jit3A_934 = arith.constant 64 : i32
        %div3A_935 = arith.divsi %min3A_933, %jit3A_934 : i32
        %sign3A_936 = arith.constant 0 : i32
        %sign3A_937 = arith.cmpi sgt, %min3A_933, %sign3A_936 : i32
        %sign3A_938 = arith.extui %sign3A_937 : i1 to i32
        %sign3A_939 = arith.constant 0 : i32
        %sign3A_940 = arith.cmpi slt, %min3A_933, %sign3A_939 : i32
        %sign3A_941 = arith.extui %sign3A_940 : i1 to i32
        %sign3A_942 = arith.subi %sign3A_938, %sign3A_941 : i32
        %sign3A_943 = arith.constant 0 : i32
        %sign3A_944 = arith.cmpi sgt, %jit3A_934, %sign3A_943 : i32
        %sign3A_945 = arith.extui %sign3A_944 : i1 to i32
        %sign3A_946 = arith.constant 0 : i32
        %sign3A_947 = arith.cmpi slt, %jit3A_934, %sign3A_946 : i32
        %sign3A_948 = arith.extui %sign3A_947 : i1 to i32
        %sign3A_949 = arith.subi %sign3A_945, %sign3A_948 : i32
        %ne3A_950 = arith.cmpi ne, %sign3A_942, %sign3A_949 : i32
        %rem3A_951 = arith.remsi %min3A_933, %jit3A_934 : i32
        %ne3A_952 = arith.constant 0 : i32
        %ne3A_953 = arith.cmpi ne, %rem3A_951, %ne3A_952 : i32
        %and3A_954 = arith.andi %ne3A_950, %ne3A_953 : i1
        %sub3A_955 = arith.constant 1 : i32
        %sub3A_956 = arith.subi %div3A_935, %sub3A_955 : i32
        %select_n3A_957 = arith.select %and3A_954, %sub3A_956, %div3A_935 : i32
        %jit3A_958 = arith.constant 64 : i32
        %eq3A_959 = arith.constant 0 : i32
        %eq3A_960 = arith.cmpi eq, %jit3A_958, %eq3A_959 : i32
        %jit3A_961 = arith.constant 1 : i32
        %select_n3A_962 = arith.select %eq3A_960, %jit3A_961, %jit3A_958 : i32
        %rem3A_963 = arith.remsi %min3A_933, %select_n3A_962 : i32
        %ne3A_964 = arith.constant 0 : i32
        %ne3A_965 = arith.cmpi ne, %rem3A_963, %ne3A_964 : i32
        %lt3A_966 = arith.constant 0 : i32
        %lt3A_967 = arith.cmpi slt, %rem3A_963, %lt3A_966 : i32
        %lt3A_968 = arith.constant 0 : i32
        %lt3A_969 = arith.cmpi slt, %select_n3A_962, %lt3A_968 : i32
        %ne3A_970 = arith.xori %lt3A_967, %lt3A_969 : i1
        %and3A_971 = arith.andi %ne3A_970, %ne3A_965 : i1
        %add3A_972 = arith.addi %rem3A_963, %select_n3A_962 : i32
        %select_n3A_973 = arith.select %and3A_971, %add3A_972, %rem3A_963 : i32
        %mul3A_974 = arith.constant 16 : i32
        %mul3A_975 = arith.muli %select_n3A_973, %mul3A_974 : i32
        %jit3A_976 = arith.constant 2 : i32
        %eq3A_977 = arith.constant 0 : i32
        %eq3A_978 = arith.cmpi eq, %jit3A_976, %eq3A_977 : i32
        %jit3A_979 = arith.constant 1 : i32
        %select_n3A_980 = arith.select %eq3A_978, %jit3A_979, %jit3A_976 : i32
        %rem3A_981 = arith.remsi %sub3A_928, %select_n3A_980 : i32
        %ne3A_982 = arith.constant 0 : i32
        %ne3A_983 = arith.cmpi ne, %rem3A_981, %ne3A_982 : i32
        %lt3A_984 = arith.constant 0 : i32
        %lt3A_985 = arith.cmpi slt, %rem3A_981, %lt3A_984 : i32
        %lt3A_986 = arith.constant 0 : i32
        %lt3A_987 = arith.cmpi slt, %select_n3A_980, %lt3A_986 : i32
        %ne3A_988 = arith.xori %lt3A_985, %lt3A_987 : i1
        %and3A_989 = arith.andi %ne3A_988, %ne3A_983 : i1
        %add3A_990 = arith.addi %rem3A_981, %select_n3A_980 : i32
        %select_n3A_991 = arith.select %and3A_989, %add3A_990, %rem3A_981 : i32
        %mul3A_992 = arith.constant 64 : i32
        %mul3A_993 = arith.muli %select_n3A_991, %mul3A_992 : i32
        %dma_wait3A_994 = arith.constant 0 : i32
        %dma_wait3A_995 = tpu.memref_slice %arg8[%mul3A_993, %dma_wait3A_994] : memref<128x16xf32, #tpu.memory_space<vmem>> -> memref<64x16xf32, #tpu.memory_space<vmem>>
        %dma_wait3A_996 = arith.constant 0 : i32
        %dma_wait3A_997 = tpu.memref_slice %arg3[%select_n3A_957, %dma_wait3A_996, %mul3A_975] : memref<4x64x1024xf32, #tpu.memory_space<hbm>> -> memref<1x64x16xf32, #tpu.memory_space<hbm>>
        %dma_wait3A_998 = tpu.memref_squeeze %dma_wait3A_997 : memref<1x64x16xf32, #tpu.memory_space<hbm>> -> memref<64x16xf32, #tpu.memory_space<hbm>>
        %dma_wait3A_999 = arith.constant 0 : i32
        %dma_wait3A_1000 = tpu.memref_slice %arg3[%select_n3A_957, %dma_wait3A_999, %mul3A_975] : memref<4x64x1024xf32, #tpu.memory_space<hbm>> -> memref<1x64x16xf32, #tpu.memory_space<hbm>>
        %dma_wait3A_1001 = tpu.memref_squeeze %dma_wait3A_1000 : memref<1x64x16xf32, #tpu.memory_space<hbm>> -> memref<64x16xf32, #tpu.memory_space<hbm>>
        %dma_wait3A_1002 = arith.constant 0 : i32
        %dma_wait3A_1003 = tpu.memref_slice %arg8[%mul3A_993, %dma_wait3A_1002] : memref<128x16xf32, #tpu.memory_space<vmem>> -> memref<64x16xf32, #tpu.memory_space<vmem>>
        tpu.wait_dma2 semaphore(%arg11 : memref<!tpu.dma_semaphore, #tpu.memory_space<semaphore_mem>>) src(%dma_wait3A_1003 : memref<64x16xf32, #tpu.memory_space<vmem>>) dst(%dma_wait3A_1001 : memref<64x16xf32, #tpu.memory_space<hbm>>)
      } else {
      }
      %sub3A_415 = arith.constant 128 : i32
      %sub3A_416 = vector.broadcast %sub3A_415 : i32 to vector<16xi32>
      %sub3A_417 = arith.subi %scan3A_365, %sub3A_416 : vector<16xi32>
      %max3A = arith.constant 0 : i32
      %max3A_418 = vector.broadcast %max3A : i32 to vector<16xi32>
      %max3A_419 = arith.maxsi %sub3A_417, %max3A_418 : vector<16xi32>
      %shift_left3A = arith.constant 24 : i32
      %shift_left3A_420 = vector.broadcast %shift_left3A : i32 to vector<16xi32>
      %shift_left3A_421 = arith.shli %max3A_419, %shift_left3A_420 : vector<16xi32>
      %bitcast_convert_type3A = tpu.bitcast %shift_left3A_421 : vector<16xi32> -> vector<16xf32>
      %mul3A_422 = arith.constant 32 : i32
      %mul3A_423 = arith.muli %scan3A_364, %mul3A_422 : i32
      %add3A_424 = arith.addi %mul3A_423, %add3A : i32
      %min3A_425 = arith.constant 255 : i32
      %min3A_426 = arith.minsi %add3A_424, %min3A_425 : i32
      %jit3A_427 = arith.constant 64 : i32
      %div3A_428 = arith.divsi %min3A_426, %jit3A_427 : i32
      %sign3A_429 = arith.constant 0 : i32
      %sign3A_430 = arith.cmpi sgt, %min3A_426, %sign3A_429 : i32
      %sign3A_431 = arith.extui %sign3A_430 : i1 to i32
      %sign3A_432 = arith.constant 0 : i32
      %sign3A_433 = arith.cmpi slt, %min3A_426, %sign3A_432 : i32
      %sign3A_434 = arith.extui %sign3A_433 : i1 to i32
      %sign3A_435 = arith.subi %sign3A_431, %sign3A_434 : i32
      %sign3A_436 = arith.constant 0 : i32
      %sign3A_437 = arith.cmpi sgt, %jit3A_427, %sign3A_436 : i32
      %sign3A_438 = arith.extui %sign3A_437 : i1 to i32
      %sign3A_439 = arith.constant 0 : i32
      %sign3A_440 = arith.cmpi slt, %jit3A_427, %sign3A_439 : i32
      %sign3A_441 = arith.extui %sign3A_440 : i1 to i32
      %sign3A_442 = arith.subi %sign3A_438, %sign3A_441 : i32
      %ne3A_443 = arith.cmpi ne, %sign3A_435, %sign3A_442 : i32
      %rem3A_444 = arith.remsi %min3A_426, %jit3A_427 : i32
      %ne3A_445 = arith.constant 0 : i32
      %ne3A_446 = arith.cmpi ne, %rem3A_444, %ne3A_445 : i32
      %and3A_447 = arith.andi %ne3A_443, %ne3A_446 : i1
      %sub3A_448 = arith.constant 1 : i32
      %sub3A_449 = arith.subi %div3A_428, %sub3A_448 : i32
      %select_n3A_450 = arith.select %and3A_447, %sub3A_449, %div3A_428 : i32
      %jit3A_451 = arith.constant 64 : i32
      %eq3A_452 = arith.constant 0 : i32
      %eq3A_453 = arith.cmpi eq, %jit3A_451, %eq3A_452 : i32
      %jit3A_454 = arith.constant 1 : i32
      %select_n3A_455 = arith.select %eq3A_453, %jit3A_454, %jit3A_451 : i32
      %rem3A_456 = arith.remsi %min3A_426, %select_n3A_455 : i32
      %ne3A_457 = arith.constant 0 : i32
      %ne3A_458 = arith.cmpi ne, %rem3A_456, %ne3A_457 : i32
      %lt3A_459 = arith.constant 0 : i32
      %lt3A_460 = arith.cmpi slt, %rem3A_456, %lt3A_459 : i32
      %lt3A_461 = arith.constant 0 : i32
      %lt3A_462 = arith.cmpi slt, %select_n3A_455, %lt3A_461 : i32
      %ne3A_463 = arith.xori %lt3A_460, %lt3A_462 : i1
      %and3A_464 = arith.andi %ne3A_463, %ne3A_458 : i1
      %add3A_465 = arith.addi %rem3A_456, %select_n3A_455 : i32
      %select_n3A_466 = arith.select %and3A_464, %add3A_465, %rem3A_456 : i32
      %mul3A_467 = arith.constant 16 : i32
      %mul3A_468 = arith.muli %select_n3A_466, %mul3A_467 : i32
      %dma_wait3A_469 = arith.constant 0 : i32
      %dma_wait3A_470 = tpu.memref_slice %arg2[%select_n3A_450, %dma_wait3A_469, %mul3A_468] : memref<4x4096x1024xf32, #tpu.memory_space<hbm>> -> memref<1x2048x16xf32, #tpu.memory_space<hbm>>
      %dma_wait3A_471 = tpu.memref_squeeze %dma_wait3A_470 : memref<1x2048x16xf32, #tpu.memory_space<hbm>> -> memref<2048x16xf32, #tpu.memory_space<hbm>>
      %dma_wait3A_472 = arith.constant 0 : i32
      %dma_wait3A_473 = tpu.memref_slice %arg2[%select_n3A_450, %dma_wait3A_472, %mul3A_468] : memref<4x4096x1024xf32, #tpu.memory_space<hbm>> -> memref<1x2048x16xf32, #tpu.memory_space<hbm>>
      %dma_wait3A_474 = tpu.memref_squeeze %dma_wait3A_473 : memref<1x2048x16xf32, #tpu.memory_space<hbm>> -> memref<2048x16xf32, #tpu.memory_space<hbm>>
      tpu.wait_dma2 semaphore(%arg9 : memref<!tpu.dma_semaphore, #tpu.memory_space<semaphore_mem>>) src(%dma_wait3A_474 : memref<2048x16xf32, #tpu.memory_space<hbm>>) dst(%arg4 : memref<2048x16xf32, #tpu.memory_space<vmem>>)
      %parallel_loop3A = arith.constant 0 : i32
      %parallel_loop3A_475 = arith.constant 2048 : i32
      %parallel_loop3A_476 = arith.constant 1 : i32
      %parallel_loop3A_477 = scf.for %parallel_loop3A_927 = %parallel_loop3A to %parallel_loop3A_475 step %parallel_loop3A_476 iter_args(%parallel_loop3A_928 = %broadcast_in_dim3A_1) -> (vector<16xi32>)  : i32 {
        %parallel_loop3A_929 = arith.index_cast %parallel_loop3A_927 : i32 to index
        %parallel_loop3A_930 = arith.constant 0 : index
        %parallel_loop3A_931 = tpu.vector_load %arg4[%parallel_loop3A_929, %parallel_loop3A_930] {strides = array<i32>} : memref<2048x16xf32, #tpu.memory_space<vmem>>, vector<16xf32>,
        %parallel_loop3A_932 = arith.cmpf oge, %parallel_loop3A_931, %bitcast_convert_type3A : vector<16xf32>
        %parallel_loop3A_933 = arith.constant 2047 : i32
        %parallel_loop3A_934 = vector.broadcast %parallel_loop3A_933 : i32 to vector<16xi32>
        %parallel_loop3A_935 = arith.minsi %parallel_loop3A_928, %parallel_loop3A_934 : vector<16xi32>
        %parallel_loop3A_936 = tpu.bitcast %parallel_loop3A_931 : vector<16xf32> -> vector<16xi32>
        tpu.vector_store_idx %arg6[%parallel_loop3A_935, %iota3A], %parallel_loop3A_936 masked %parallel_loop3A_932 : memref<2048x16xi32, #tpu.memory_space<vmem>>[vector<16xi32>, vector<16xi32>], vector<16xi32>, vector<16xi1>
        %parallel_loop3A_937 = arith.extui %parallel_loop3A_932 : vector<16xi1> to vector<16xi32>
        %parallel_loop3A_938 = arith.addi %parallel_loop3A_928, %parallel_loop3A_937 : vector<16xi32>
        scf.yield %parallel_loop3A_938 : vector<16xi32>
      } {sc.loop_unroll_factor = 8 : i64, sc.parallel_access}
      %mul3A_478 = arith.constant 32 : i32
      %mul3A_479 = arith.muli %scan3A_364, %mul3A_478 : i32
      %add3A_480 = arith.addi %mul3A_479, %add3A : i32
      %min3A_481 = arith.constant 255 : i32
      %min3A_482 = arith.minsi %add3A_480, %min3A_481 : i32
      %jit3A_483 = arith.constant 64 : i32
      %div3A_484 = arith.divsi %min3A_482, %jit3A_483 : i32
      %sign3A_485 = arith.constant 0 : i32
      %sign3A_486 = arith.cmpi sgt, %min3A_482, %sign3A_485 : i32
      %sign3A_487 = arith.extui %sign3A_486 : i1 to i32
      %sign3A_488 = arith.constant 0 : i32
      %sign3A_489 = arith.cmpi slt, %min3A_482, %sign3A_488 : i32
      %sign3A_490 = arith.extui %sign3A_489 : i1 to i32
      %sign3A_491 = arith.subi %sign3A_487, %sign3A_490 : i32
      %sign3A_492 = arith.constant 0 : i32
      %sign3A_493 = arith.cmpi sgt, %jit3A_483, %sign3A_492 : i32
      %sign3A_494 = arith.extui %sign3A_493 : i1 to i32
      %sign3A_495 = arith.constant 0 : i32
      %sign3A_496 = arith.cmpi slt, %jit3A_483, %sign3A_495 : i32
      %sign3A_497 = arith.extui %sign3A_496 : i1 to i32
      %sign3A_498 = arith.subi %sign3A_494, %sign3A_497 : i32
      %ne3A_499 = arith.cmpi ne, %sign3A_491, %sign3A_498 : i32
      %rem3A_500 = arith.remsi %min3A_482, %jit3A_483 : i32
      %ne3A_501 = arith.constant 0 : i32
      %ne3A_502 = arith.cmpi ne, %rem3A_500, %ne3A_501 : i32
      %and3A_503 = arith.andi %ne3A_499, %ne3A_502 : i1
      %sub3A_504 = arith.constant 1 : i32
      %sub3A_505 = arith.subi %div3A_484, %sub3A_504 : i32
      %select_n3A_506 = arith.select %and3A_503, %sub3A_505, %div3A_484 : i32
      %jit3A_507 = arith.constant 64 : i32
      %eq3A_508 = arith.constant 0 : i32
      %eq3A_509 = arith.cmpi eq, %jit3A_507, %eq3A_508 : i32
      %jit3A_510 = arith.constant 1 : i32
      %select_n3A_511 = arith.select %eq3A_509, %jit3A_510, %jit3A_507 : i32
      %rem3A_512 = arith.remsi %min3A_482, %select_n3A_511 : i32
      %ne3A_513 = arith.constant 0 : i32
      %ne3A_514 = arith.cmpi ne, %rem3A_512, %ne3A_513 : i32
      %lt3A_515 = arith.constant 0 : i32
      %lt3A_516 = arith.cmpi slt, %rem3A_512, %lt3A_515 : i32
      %lt3A_517 = arith.constant 0 : i32
      %lt3A_518 = arith.cmpi slt, %select_n3A_511, %lt3A_517 : i32
      %ne3A_519 = arith.xori %lt3A_516, %lt3A_518 : i1
      %and3A_520 = arith.andi %ne3A_519, %ne3A_514 : i1
      %add3A_521 = arith.addi %rem3A_512, %select_n3A_511 : i32
      %select_n3A_522 = arith.select %and3A_520, %add3A_521, %rem3A_512 : i32
      %mul3A_523 = arith.constant 16 : i32
      %mul3A_524 = arith.muli %select_n3A_522, %mul3A_523 : i32
      %dma_wait3A_525 = arith.constant 2048 : i32
      %dma_wait3A_526 = tpu.memref_slice %arg2[%select_n3A_506, %dma_wait3A_525, %mul3A_524] : memref<4x4096x1024xf32, #tpu.memory_space<hbm>> -> memref<1x2048x16xf32, #tpu.memory_space<hbm>>
      %dma_wait3A_527 = tpu.memref_squeeze %dma_wait3A_526 : memref<1x2048x16xf32, #tpu.memory_space<hbm>> -> memref<2048x16xf32, #tpu.memory_space<hbm>>
      %dma_wait3A_528 = arith.constant 2048 : i32
      %dma_wait3A_529 = tpu.memref_slice %arg2[%select_n3A_506, %dma_wait3A_528, %mul3A_524] : memref<4x4096x1024xf32, #tpu.memory_space<hbm>> -> memref<1x2048x16xf32, #tpu.memory_space<hbm>>
      %dma_wait3A_530 = tpu.memref_squeeze %dma_wait3A_529 : memref<1x2048x16xf32, #tpu.memory_space<hbm>> -> memref<2048x16xf32, #tpu.memory_space<hbm>>
      tpu.wait_dma2 semaphore(%arg10 : memref<!tpu.dma_semaphore, #tpu.memory_space<semaphore_mem>>) src(%dma_wait3A_530 : memref<2048x16xf32, #tpu.memory_space<hbm>>) dst(%arg5 : memref<2048x16xf32, #tpu.memory_space<vmem>>)
      %parallel_loop3A_531 = arith.constant 0 : i32
      %parallel_loop3A_532 = arith.constant 2048 : i32
      %parallel_loop3A_533 = arith.constant 1 : i32
      %parallel_loop3A_534 = scf.for %parallel_loop3A_927 = %parallel_loop3A_531 to %parallel_loop3A_532 step %parallel_loop3A_533 iter_args(%parallel_loop3A_928 = %parallel_loop3A_477) -> (vector<16xi32>)  : i32 {
        %parallel_loop3A_929 = arith.index_cast %parallel_loop3A_927 : i32 to index
        %parallel_loop3A_930 = arith.constant 0 : index
        %parallel_loop3A_931 = tpu.vector_load %arg5[%parallel_loop3A_929, %parallel_loop3A_930] {strides = array<i32>} : memref<2048x16xf32, #tpu.memory_space<vmem>>, vector<16xf32>,
        %parallel_loop3A_932 = arith.cmpf oge, %parallel_loop3A_931, %bitcast_convert_type3A : vector<16xf32>
        %parallel_loop3A_933 = arith.constant 2047 : i32
        %parallel_loop3A_934 = vector.broadcast %parallel_loop3A_933 : i32 to vector<16xi32>
        %parallel_loop3A_935 = arith.minsi %parallel_loop3A_928, %parallel_loop3A_934 : vector<16xi32>
        %parallel_loop3A_936 = tpu.bitcast %parallel_loop3A_931 : vector<16xf32> -> vector<16xi32>
        tpu.vector_store_idx %arg6[%parallel_loop3A_935, %iota3A], %parallel_loop3A_936 masked %parallel_loop3A_932 : memref<2048x16xi32, #tpu.memory_space<vmem>>[vector<16xi32>, vector<16xi32>], vector<16xi32>, vector<16xi1>
        %parallel_loop3A_937 = arith.extui %parallel_loop3A_932 : vector<16xi1> to vector<16xi32>
        %parallel_loop3A_938 = arith.addi %parallel_loop3A_928, %parallel_loop3A_937 : vector<16xi32>
        scf.yield %parallel_loop3A_938 : vector<16xi32>
      } {sc.loop_unroll_factor = 8 : i64, sc.parallel_access}
      %reduce_max3A = arith.constant true
      %reduce_max3A_535 = vector.broadcast %reduce_max3A : i1 to vector<16xi1>
      %reduce_max3A_536 = arith.constant -2147483648 : i32
      %reduce_max3A_537 = vector.broadcast %reduce_max3A_536 : i32 to vector<16xi32>
      %reduce_max3A_538 = arith.xori %parallel_loop3A_534, %reduce_max3A_537 : vector<16xi32>
      %reduce_max3A_539 = tpu.scan <max>, %reduce_max3A_538 masked %reduce_max3A_535 : vector<16xi32>, vector<16xi1> -> vector<16xi32>
      %reduce_max3A_540 = arith.xori %reduce_max3A_539, %reduce_max3A_537 : vector<16xi32>
      %reduce_max3A_541 = vector.extract %reduce_max3A_540[15] : i32 from vector<16xi32>
      %add3A_542 = arith.constant 7 : i32
      %add3A_543 = arith.addi %reduce_max3A_541, %add3A_542 : i32
      %jit3A_544 = arith.constant 8 : i32
      %div3A_545 = arith.divsi %add3A_543, %jit3A_544 : i32
      %sign3A_546 = arith.constant 0 : i32
      %sign3A_547 = arith.cmpi sgt, %add3A_543, %sign3A_546 : i32
      %sign3A_548 = arith.extui %sign3A_547 : i1 to i32
      %sign3A_549 = arith.constant 0 : i32
      %sign3A_550 = arith.cmpi slt, %add3A_543, %sign3A_549 : i32
      %sign3A_551 = arith.extui %sign3A_550 : i1 to i32
      %sign3A_552 = arith.subi %sign3A_548, %sign3A_551 : i32
      %sign3A_553 = arith.constant 0 : i32
      %sign3A_554 = arith.cmpi sgt, %jit3A_544, %sign3A_553 : i32
      %sign3A_555 = arith.extui %sign3A_554 : i1 to i32
      %sign3A_556 = arith.constant 0 : i32
      %sign3A_557 = arith.cmpi slt, %jit3A_544, %sign3A_556 : i32
      %sign3A_558 = arith.extui %sign3A_557 : i1 to i32
      %sign3A_559 = arith.subi %sign3A_555, %sign3A_558 : i32
      %ne3A_560 = arith.cmpi ne, %sign3A_552, %sign3A_559 : i32
      %rem3A_561 = arith.remsi %add3A_543, %jit3A_544 : i32
      %ne3A_562 = arith.constant 0 : i32
      %ne3A_563 = arith.cmpi ne, %rem3A_561, %ne3A_562 : i32
      %and3A_564 = arith.andi %ne3A_560, %ne3A_563 : i1
      %sub3A_565 = arith.constant 1 : i32
      %sub3A_566 = arith.subi %div3A_545, %sub3A_565 : i32
      %select_n3A_567 = arith.select %and3A_564, %sub3A_566, %div3A_545 : i32
      %mul3A_568 = arith.constant 8 : i32
      %mul3A_569 = arith.muli %select_n3A_567, %mul3A_568 : i32
      %parallel_loop3A_570 = arith.constant 0 : i32
      %parallel_loop3A_571 = arith.constant 1 : i32
      scf.for %parallel_loop3A_927 = %parallel_loop3A_570 to %mul3A_569 step %parallel_loop3A_571  : i32 {
        %parallel_loop3A_928 = arith.index_cast %parallel_loop3A_927 : i32 to index
        %parallel_loop3A_929 = arith.constant 0 : index
        %parallel_loop3A_930 = tpu.vector_load %arg6[%parallel_loop3A_928, %parallel_loop3A_929] {strides = array<i32>} : memref<2048x16xi32, #tpu.memory_space<vmem>>, vector<16xi32>,
        %parallel_loop3A_931 = arith.constant 0 : i32
        %parallel_loop3A_932 = vector.broadcast %parallel_loop3A_931 : i32 to vector<16xi32>
        %parallel_loop3A_933 = arith.cmpi slt, %parallel_loop3A_930, %parallel_loop3A_932 : vector<16xi32>
        %parallel_loop3A_934 = arith.constant 2147483647 : i32
        %parallel_loop3A_935 = vector.broadcast %parallel_loop3A_934 : i32 to vector<16xi32>
        %parallel_loop3A_936 = arith.xori %parallel_loop3A_930, %parallel_loop3A_935 : vector<16xi32>
        %parallel_loop3A_937 = arith.select %parallel_loop3A_933, %parallel_loop3A_936, %parallel_loop3A_930 : vector<16xi1>, vector<16xi32>
        %parallel_loop3A_938 = arith.index_cast %parallel_loop3A_927 : i32 to index
        %parallel_loop3A_939 = arith.constant 0 : index
        %parallel_loop3A_940 = tpu.vector_load %arg6[%parallel_loop3A_938, %parallel_loop3A_939] {strides = array<i32>} : memref<2048x16xi32, #tpu.memory_space<vmem>>, vector<16xi32>,
        tpu.vector_store %arg6[%parallel_loop3A_938, %parallel_loop3A_939], %parallel_loop3A_937 {strides = array<i32>} : memref<2048x16xi32, #tpu.memory_space<vmem>>, vector<16xi32>,
        %parallel_loop3A_941 = vector.broadcast %parallel_loop3A_927 : i32 to vector<16xi32>
        %parallel_loop3A_942 = arith.cmpi slt, %parallel_loop3A_941, %parallel_loop3A_534 : vector<16xi32>
        %parallel_loop3A_943 = arith.constant 24 : i32
        %parallel_loop3A_944 = vector.broadcast %parallel_loop3A_943 : i32 to vector<16xi32>
        %parallel_loop3A_945 = arith.shrsi %parallel_loop3A_937, %parallel_loop3A_944 : vector<16xi32>
        %parallel_loop3A_946 = arith.constant 128 : i32
        %parallel_loop3A_947 = vector.broadcast %parallel_loop3A_946 : i32 to vector<16xi32>
        %parallel_loop3A_948 = arith.addi %parallel_loop3A_945, %parallel_loop3A_947 : vector<16xi32>
        tpu.vector_store_idx %arg7[%parallel_loop3A_948, %iota3A], %broadcast_in_dim3A_3 masked %parallel_loop3A_942 {add = true} : memref<256x16xi32, #tpu.memory_space<vmem>>[vector<16xi32>, vector<16xi32>], vector<16xi32>, vector<16xi1>
      } {sc.loop_unroll_factor = 8 : i64, sc.parallel_access}
      %broadcast_in_dim3A_572 = arith.constant 64 : i32
      %broadcast_in_dim3A_573 = vector.broadcast %broadcast_in_dim3A_572 : i32 to vector<16xi32>
      %broadcast_in_dim3A_574 = arith.constant false
      %broadcast_in_dim3A_575 = vector.broadcast %broadcast_in_dim3A_574 : i1 to vector<16xi1>
      %parallel_loop3A_576 = arith.constant 0 : i32
      %parallel_loop3A_577 = arith.constant 256 : i32
      %parallel_loop3A_578 = arith.constant 1 : i32
      %parallel_loop3A_579:4 = scf.for %parallel_loop3A_927 = %parallel_loop3A_576 to %parallel_loop3A_577 step %parallel_loop3A_578 iter_args(%parallel_loop3A_928 = %broadcast_in_dim3A_1, %parallel_loop3A_929 = %broadcast_in_dim3A_575, %parallel_loop3A_930 = %broadcast_in_dim3A_1, %parallel_loop3A_931 = %broadcast_in_dim3A_1) -> (vector<16xi32>, vector<16xi1>, vector<16xi32>, vector<16xi32>)  : i32 {
        %parallel_loop3A_932 = arith.constant 255 : i32
        %parallel_loop3A_933 = arith.subi %parallel_loop3A_932, %parallel_loop3A_927 : i32
        %parallel_loop3A_934 = arith.index_cast %parallel_loop3A_933 : i32 to index
        %parallel_loop3A_935 = arith.constant 0 : index
        %parallel_loop3A_936 = tpu.vector_load %arg7[%parallel_loop3A_934, %parallel_loop3A_935] {strides = array<i32>} : memref<256x16xi32, #tpu.memory_space<vmem>>, vector<16xi32>,
        %parallel_loop3A_937 = arith.index_cast %parallel_loop3A_933 : i32 to index
        %parallel_loop3A_938 = arith.constant 0 : index
        %parallel_loop3A_939 = tpu.vector_load %arg7[%parallel_loop3A_937, %parallel_loop3A_938] {strides = array<i32>} : memref<256x16xi32, #tpu.memory_space<vmem>>, vector<16xi32>,
        tpu.vector_store %arg7[%parallel_loop3A_937, %parallel_loop3A_938], %broadcast_in_dim3A_1 {strides = array<i32>} : memref<256x16xi32, #tpu.memory_space<vmem>>, vector<16xi32>,
        %parallel_loop3A_940 = arith.addi %parallel_loop3A_928, %parallel_loop3A_936 : vector<16xi32>
        %parallel_loop3A_941 = arith.constant dense<true> : vector<16xi1>
        %parallel_loop3A_942 = arith.xori %parallel_loop3A_929, %parallel_loop3A_941 : vector<16xi1>
        %parallel_loop3A_943 = arith.cmpi sge, %parallel_loop3A_940, %broadcast_in_dim3A_573 : vector<16xi32>
        %parallel_loop3A_944 = arith.andi %parallel_loop3A_942, %parallel_loop3A_943 : vector<16xi1>
        %parallel_loop3A_945 = vector.broadcast %parallel_loop3A_933 : i32 to vector<16xi32>
        %parallel_loop3A_946 = arith.select %parallel_loop3A_944, %parallel_loop3A_945, %parallel_loop3A_930 : vector<16xi1>, vector<16xi32>
        %parallel_loop3A_947 = arith.select %parallel_loop3A_944, %parallel_loop3A_928, %parallel_loop3A_931 : vector<16xi1>, vector<16xi32>
        %parallel_loop3A_948 = arith.ori %parallel_loop3A_929, %parallel_loop3A_944 : vector<16xi1>
        scf.yield %parallel_loop3A_940, %parallel_loop3A_948, %parallel_loop3A_946, %parallel_loop3A_947 : vector<16xi32>, vector<16xi1>, vector<16xi32>, vector<16xi32>
      } {sc.loop_unroll_factor = 8 : i64, sc.parallel_access}
      %reduce_and3A = arith.constant 1.000000e+00 : f32
      %reduce_and3A_580 = arith.constant 0.000000e+00 : f32
      %reduce_and3A_581 = vector.broadcast %reduce_and3A : f32 to vector<16xf32>
      %reduce_and3A_582 = vector.broadcast %reduce_and3A_580 : f32 to vector<16xf32>
      %reduce_and3A_583 = arith.select %parallel_loop3A_579#1, %reduce_and3A_581, %reduce_and3A_582 : vector<16xi1>, vector<16xf32>
      %reduce_and3A_584 = arith.constant true
      %reduce_and3A_585 = vector.broadcast %reduce_and3A_584 : i1 to vector<16xi1>
      %reduce_and3A_586 = tpu.scan <min>, %reduce_and3A_583 masked %reduce_and3A_585 : vector<16xf32>, vector<16xi1> -> vector<16xf32>
      %reduce_and3A_587 = vector.extract %reduce_and3A_586[15] : f32 from vector<16xf32>
      %reduce_and3A_588 = arith.constant 0.000000e+00 : f32
      %reduce_and3A_589 = arith.cmpf ogt, %reduce_and3A_587, %reduce_and3A_588 : f32
      %reduce_max3A_590 = arith.constant true
      %reduce_max3A_591 = vector.broadcast %reduce_max3A_590 : i1 to vector<16xi1>
      %reduce_max3A_592 = arith.constant -2147483648 : i32
      %reduce_max3A_593 = vector.broadcast %reduce_max3A_592 : i32 to vector<16xi32>
      %reduce_max3A_594 = arith.xori %parallel_loop3A_534, %reduce_max3A_593 : vector<16xi32>
      %reduce_max3A_595 = tpu.scan <max>, %reduce_max3A_594 masked %reduce_max3A_591 : vector<16xi32>, vector<16xi1> -> vector<16xi32>
      %reduce_max3A_596 = arith.xori %reduce_max3A_595, %reduce_max3A_593 : vector<16xi32>
      %reduce_max3A_597 = vector.extract %reduce_max3A_596[15] : i32 from vector<16xi32>
      %lt3A_598 = arith.constant 2048 : i32
      %lt3A_599 = arith.cmpi slt, %reduce_max3A_597, %lt3A_598 : i32
      %and3A_600 = arith.andi %reduce_and3A_589, %lt3A_599 : i1
      %convert_element_type3A_601 = arith.extui %and3A_600 : i1 to i32
      %cond3A_602 = arith.constant 0 : i32
      %cond3A_603 = arith.cmpi ne, %convert_element_type3A_601, %cond3A_602 : i32
      %cond3A_604:3 = scf.if %cond3A_603 -> (vector<16xi32>, vector<16xi32>, vector<16xi32>) {
        scf.yield %parallel_loop3A_534, %parallel_loop3A_579#2, %parallel_loop3A_579#3 : vector<16xi32>, vector<16xi32>, vector<16xi32>
      } else {
        %parallel_loop3A_927 = arith.constant 0 : i32
        %parallel_loop3A_928 = arith.constant 2048 : i32
        %parallel_loop3A_929 = arith.constant 1 : i32
        scf.for %parallel_loop3A_947 = %parallel_loop3A_927 to %parallel_loop3A_928 step %parallel_loop3A_929  : i32 {
          %parallel_loop3A_948 = arith.index_cast %parallel_loop3A_947 : i32 to index
          %parallel_loop3A_949 = arith.constant 0 : index
          %parallel_loop3A_950 = tpu.vector_load %arg4[%parallel_loop3A_948, %parallel_loop3A_949] {strides = array<i32>} : memref<2048x16xf32, #tpu.memory_space<vmem>>, vector<16xf32>,
          %parallel_loop3A_951 = tpu.bitcast %parallel_loop3A_950 : vector<16xf32> -> vector<16xi32>
          %parallel_loop3A_952 = arith.constant 0 : i32
          %parallel_loop3A_953 = vector.broadcast %parallel_loop3A_952 : i32 to vector<16xi32>
          %parallel_loop3A_954 = arith.cmpi slt, %parallel_loop3A_951, %parallel_loop3A_953 : vector<16xi32>
          %parallel_loop3A_955 = arith.constant 2147483647 : i32
          %parallel_loop3A_956 = vector.broadcast %parallel_loop3A_955 : i32 to vector<16xi32>
          %parallel_loop3A_957 = arith.xori %parallel_loop3A_951, %parallel_loop3A_956 : vector<16xi32>
          %parallel_loop3A_958 = arith.select %parallel_loop3A_954, %parallel_loop3A_957, %parallel_loop3A_951 : vector<16xi1>, vector<16xi32>
          %parallel_loop3A_959 = arith.constant 24 : i32
          %parallel_loop3A_960 = vector.broadcast %parallel_loop3A_959 : i32 to vector<16xi32>
          %parallel_loop3A_961 = arith.shrsi %parallel_loop3A_958, %parallel_loop3A_960 : vector<16xi32>
          %parallel_loop3A_962 = arith.constant 128 : i32
          %parallel_loop3A_963 = vector.broadcast %parallel_loop3A_962 : i32 to vector<16xi32>
          %parallel_loop3A_964 = arith.addi %parallel_loop3A_961, %parallel_loop3A_963 : vector<16xi32>
          tpu.vector_store_idx %arg7[%parallel_loop3A_964, %iota3A], %broadcast_in_dim3A_3 {add = true} : memref<256x16xi32, #tpu.memory_space<vmem>>[vector<16xi32>, vector<16xi32>], vector<16xi32>,
        } {sc.loop_unroll_factor = 8 : i64, sc.parallel_access}
        %parallel_loop3A_930 = arith.constant 0 : i32
        %parallel_loop3A_931 = arith.constant 2048 : i32
        %parallel_loop3A_932 = arith.constant 1 : i32
        scf.for %parallel_loop3A_947 = %parallel_loop3A_930 to %parallel_loop3A_931 step %parallel_loop3A_932  : i32 {
          %parallel_loop3A_948 = arith.index_cast %parallel_loop3A_947 : i32 to index
          %parallel_loop3A_949 = arith.constant 0 : index
          %parallel_loop3A_950 = tpu.vector_load %arg5[%parallel_loop3A_948, %parallel_loop3A_949] {strides = array<i32>} : memref<2048x16xf32, #tpu.memory_space<vmem>>, vector<16xf32>,
          %parallel_loop3A_951 = tpu.bitcast %parallel_loop3A_950 : vector<16xf32> -> vector<16xi32>
          %parallel_loop3A_952 = arith.constant 0 : i32
          %parallel_loop3A_953 = vector.broadcast %parallel_loop3A_952 : i32 to vector<16xi32>
          %parallel_loop3A_954 = arith.cmpi slt, %parallel_loop3A_951, %parallel_loop3A_953 : vector<16xi32>
          %parallel_loop3A_955 = arith.constant 2147483647 : i32
          %parallel_loop3A_956 = vector.broadcast %parallel_loop3A_955 : i32 to vector<16xi32>
          %parallel_loop3A_957 = arith.xori %parallel_loop3A_951, %parallel_loop3A_956 : vector<16xi32>
          %parallel_loop3A_958 = arith.select %parallel_loop3A_954, %parallel_loop3A_957, %parallel_loop3A_951 : vector<16xi1>, vector<16xi32>
          %parallel_loop3A_959 = arith.constant 24 : i32
          %parallel_loop3A_960 = vector.broadcast %parallel_loop3A_959 : i32 to vector<16xi32>
          %parallel_loop3A_961 = arith.shrsi %parallel_loop3A_958, %parallel_loop3A_960 : vector<16xi32>
          %parallel_loop3A_962 = arith.constant 128 : i32
          %parallel_loop3A_963 = vector.broadcast %parallel_loop3A_962 : i32 to vector<16xi32>
          %parallel_loop3A_964 = arith.addi %parallel_loop3A_961, %parallel_loop3A_963 : vector<16xi32>
          tpu.vector_store_idx %arg7[%parallel_loop3A_964, %iota3A], %broadcast_in_dim3A_3 {add = true} : memref<256x16xi32, #tpu.memory_space<vmem>>[vector<16xi32>, vector<16xi32>], vector<16xi32>,
        } {sc.loop_unroll_factor = 8 : i64, sc.parallel_access}
        %broadcast_in_dim3A_933 = arith.constant false
        %broadcast_in_dim3A_934 = vector.broadcast %broadcast_in_dim3A_933 : i1 to vector<16xi1>
        %parallel_loop3A_935 = arith.constant 0 : i32
        %parallel_loop3A_936 = arith.constant 256 : i32
        %parallel_loop3A_937 = arith.constant 1 : i32
        %parallel_loop3A_938:4 = scf.for %parallel_loop3A_947 = %parallel_loop3A_935 to %parallel_loop3A_936 step %parallel_loop3A_937 iter_args(%parallel_loop3A_948 = %broadcast_in_dim3A_1, %parallel_loop3A_949 = %broadcast_in_dim3A_934, %parallel_loop3A_950 = %broadcast_in_dim3A_1, %parallel_loop3A_951 = %broadcast_in_dim3A_1) -> (vector<16xi32>, vector<16xi1>, vector<16xi32>, vector<16xi32>)  : i32 {
          %parallel_loop3A_952 = arith.constant 255 : i32
          %parallel_loop3A_953 = arith.subi %parallel_loop3A_952, %parallel_loop3A_947 : i32
          %parallel_loop3A_954 = arith.index_cast %parallel_loop3A_953 : i32 to index
          %parallel_loop3A_955 = arith.constant 0 : index
          %parallel_loop3A_956 = tpu.vector_load %arg7[%parallel_loop3A_954, %parallel_loop3A_955] {strides = array<i32>} : memref<256x16xi32, #tpu.memory_space<vmem>>, vector<16xi32>,
          %parallel_loop3A_957 = arith.index_cast %parallel_loop3A_953 : i32 to index
          %parallel_loop3A_958 = arith.constant 0 : index
          %parallel_loop3A_959 = tpu.vector_load %arg7[%parallel_loop3A_957, %parallel_loop3A_958] {strides = array<i32>} : memref<256x16xi32, #tpu.memory_space<vmem>>, vector<16xi32>,
          tpu.vector_store %arg7[%parallel_loop3A_957, %parallel_loop3A_958], %broadcast_in_dim3A_1 {strides = array<i32>} : memref<256x16xi32, #tpu.memory_space<vmem>>, vector<16xi32>,
          %parallel_loop3A_960 = arith.addi %parallel_loop3A_948, %parallel_loop3A_956 : vector<16xi32>
          %parallel_loop3A_961 = arith.constant dense<true> : vector<16xi1>
          %parallel_loop3A_962 = arith.xori %parallel_loop3A_949, %parallel_loop3A_961 : vector<16xi1>
          %parallel_loop3A_963 = arith.cmpi sge, %parallel_loop3A_960, %broadcast_in_dim3A_573 : vector<16xi32>
          %parallel_loop3A_964 = arith.andi %parallel_loop3A_962, %parallel_loop3A_963 : vector<16xi1>
          %parallel_loop3A_965 = vector.broadcast %parallel_loop3A_953 : i32 to vector<16xi32>
          %parallel_loop3A_966 = arith.select %parallel_loop3A_964, %parallel_loop3A_965, %parallel_loop3A_950 : vector<16xi1>, vector<16xi32>
          %parallel_loop3A_967 = arith.select %parallel_loop3A_964, %parallel_loop3A_948, %parallel_loop3A_951 : vector<16xi1>, vector<16xi32>
          %parallel_loop3A_968 = arith.ori %parallel_loop3A_949, %parallel_loop3A_964 : vector<16xi1>
          scf.yield %parallel_loop3A_960, %parallel_loop3A_968, %parallel_loop3A_966, %parallel_loop3A_967 : vector<16xi32>, vector<16xi1>, vector<16xi32>, vector<16xi32>
        } {sc.loop_unroll_factor = 8 : i64, sc.parallel_access}
        %parallel_loop3A_939 = arith.constant 0 : i32
        %parallel_loop3A_940 = arith.constant 2048 : i32
        %parallel_loop3A_941 = arith.constant 1 : i32
        %parallel_loop3A_942 = scf.for %parallel_loop3A_947 = %parallel_loop3A_939 to %parallel_loop3A_940 step %parallel_loop3A_941 iter_args(%parallel_loop3A_948 = %broadcast_in_dim3A_1) -> (vector<16xi32>)  : i32 {
          %parallel_loop3A_949 = arith.index_cast %parallel_loop3A_947 : i32 to index
          %parallel_loop3A_950 = arith.constant 0 : index
          %parallel_loop3A_951 = tpu.vector_load %arg4[%parallel_loop3A_949, %parallel_loop3A_950] {strides = array<i32>} : memref<2048x16xf32, #tpu.memory_space<vmem>>, vector<16xf32>,
          %parallel_loop3A_952 = tpu.bitcast %parallel_loop3A_951 : vector<16xf32> -> vector<16xi32>
          %parallel_loop3A_953 = arith.constant 0 : i32
          %parallel_loop3A_954 = vector.broadcast %parallel_loop3A_953 : i32 to vector<16xi32>
          %parallel_loop3A_955 = arith.cmpi slt, %parallel_loop3A_952, %parallel_loop3A_954 : vector<16xi32>
          %parallel_loop3A_956 = arith.constant 2147483647 : i32
          %parallel_loop3A_957 = vector.broadcast %parallel_loop3A_956 : i32 to vector<16xi32>
          %parallel_loop3A_958 = arith.xori %parallel_loop3A_952, %parallel_loop3A_957 : vector<16xi32>
          %parallel_loop3A_959 = arith.select %parallel_loop3A_955, %parallel_loop3A_958, %parallel_loop3A_952 : vector<16xi1>, vector<16xi32>
          %parallel_loop3A_960 = arith.constant 24 : i32
          %parallel_loop3A_961 = vector.broadcast %parallel_loop3A_960 : i32 to vector<16xi32>
          %parallel_loop3A_962 = arith.shrsi %parallel_loop3A_959, %parallel_loop3A_961 : vector<16xi32>
          %parallel_loop3A_963 = arith.constant 128 : i32
          %parallel_loop3A_964 = vector.broadcast %parallel_loop3A_963 : i32 to vector<16xi32>
          %parallel_loop3A_965 = arith.addi %parallel_loop3A_962, %parallel_loop3A_964 : vector<16xi32>
          %parallel_loop3A_966 = arith.cmpi sge, %parallel_loop3A_965, %parallel_loop3A_938#2 : vector<16xi32>
          %parallel_loop3A_967 = arith.constant 2047 : i32
          %parallel_loop3A_968 = vector.broadcast %parallel_loop3A_967 : i32 to vector<16xi32>
          %parallel_loop3A_969 = arith.minsi %parallel_loop3A_948, %parallel_loop3A_968 : vector<16xi32>
          tpu.vector_store_idx %arg6[%parallel_loop3A_969, %iota3A], %parallel_loop3A_959 masked %parallel_loop3A_966 : memref<2048x16xi32, #tpu.memory_space<vmem>>[vector<16xi32>, vector<16xi32>], vector<16xi32>, vector<16xi1>
          %parallel_loop3A_970 = arith.extui %parallel_loop3A_966 : vector<16xi1> to vector<16xi32>
          %parallel_loop3A_971 = arith.addi %parallel_loop3A_948, %parallel_loop3A_970 : vector<16xi32>
          scf.yield %parallel_loop3A_971 : vector<16xi32>
        } {sc.loop_unroll_factor = 8 : i64, sc.parallel_access}
        %parallel_loop3A_943 = arith.constant 0 : i32
        %parallel_loop3A_944 = arith.constant 2048 : i32
        %parallel_loop3A_945 = arith.constant 1 : i32
        %parallel_loop3A_946 = scf.for %parallel_loop3A_947 = %parallel_loop3A_943 to %parallel_loop3A_944 step %parallel_loop3A_945 iter_args(%parallel_loop3A_948 = %parallel_loop3A_942) -> (vector<16xi32>)  : i32 {
          %parallel_loop3A_949 = arith.index_cast %parallel_loop3A_947 : i32 to index
          %parallel_loop3A_950 = arith.constant 0 : index
          %parallel_loop3A_951 = tpu.vector_load %arg5[%parallel_loop3A_949, %parallel_loop3A_950] {strides = array<i32>} : memref<2048x16xf32, #tpu.memory_space<vmem>>, vector<16xf32>,
          %parallel_loop3A_952 = tpu.bitcast %parallel_loop3A_951 : vector<16xf32> -> vector<16xi32>
          %parallel_loop3A_953 = arith.constant 0 : i32
          %parallel_loop3A_954 = vector.broadcast %parallel_loop3A_953 : i32 to vector<16xi32>
          %parallel_loop3A_955 = arith.cmpi slt, %parallel_loop3A_952, %parallel_loop3A_954 : vector<16xi32>
          %parallel_loop3A_956 = arith.constant 2147483647 : i32
          %parallel_loop3A_957 = vector.broadcast %parallel_loop3A_956 : i32 to vector<16xi32>
          %parallel_loop3A_958 = arith.xori %parallel_loop3A_952, %parallel_loop3A_957 : vector<16xi32>
          %parallel_loop3A_959 = arith.select %parallel_loop3A_955, %parallel_loop3A_958, %parallel_loop3A_952 : vector<16xi1>, vector<16xi32>
          %parallel_loop3A_960 = arith.constant 24 : i32
          %parallel_loop3A_961 = vector.broadcast %parallel_loop3A_960 : i32 to vector<16xi32>
          %parallel_loop3A_962 = arith.shrsi %parallel_loop3A_959, %parallel_loop3A_961 : vector<16xi32>
          %parallel_loop3A_963 = arith.constant 128 : i32
          %parallel_loop3A_964 = vector.broadcast %parallel_loop3A_963 : i32 to vector<16xi32>
          %parallel_loop3A_965 = arith.addi %parallel_loop3A_962, %parallel_loop3A_964 : vector<16xi32>
          %parallel_loop3A_966 = arith.cmpi sge, %parallel_loop3A_965, %parallel_loop3A_938#2 : vector<16xi32>
          %parallel_loop3A_967 = arith.constant 2047 : i32
          %parallel_loop3A_968 = vector.broadcast %parallel_loop3A_967 : i32 to vector<16xi32>
          %parallel_loop3A_969 = arith.minsi %parallel_loop3A_948, %parallel_loop3A_968 : vector<16xi32>
          tpu.vector_store_idx %arg6[%parallel_loop3A_969, %iota3A], %parallel_loop3A_959 masked %parallel_loop3A_966 : memref<2048x16xi32, #tpu.memory_space<vmem>>[vector<16xi32>, vector<16xi32>], vector<16xi32>, vector<16xi1>
          %parallel_loop3A_970 = arith.extui %parallel_loop3A_966 : vector<16xi1> to vector<16xi32>
          %parallel_loop3A_971 = arith.addi %parallel_loop3A_948, %parallel_loop3A_970 : vector<16xi32>
          scf.yield %parallel_loop3A_971 : vector<16xi32>
        } {sc.loop_unroll_factor = 8 : i64, sc.parallel_access}
        scf.yield %parallel_loop3A_946, %parallel_loop3A_938#2, %parallel_loop3A_938#3 : vector<16xi32>, vector<16xi32>, vector<16xi32>
      }
      %broadcast_in_dim3A_605 = arith.constant -128 : i32
      %broadcast_in_dim3A_606 = vector.broadcast %broadcast_in_dim3A_605 : i32 to vector<16xi32>
      %add3A_607 = arith.addi %broadcast_in_dim3A_606, %cond3A_604#1 : vector<16xi32>
      %sub3A_608 = arith.subi %broadcast_in_dim3A_573, %cond3A_604#2 : vector<16xi32>
      %add3A_609 = arith.constant 1 : i32
      %add3A_610 = arith.addi %scan3A_364, %add3A_609 : i32
      %mul3A_611 = arith.constant 32 : i32
      %mul3A_612 = arith.muli %add3A_610, %mul3A_611 : i32
      %add3A_613 = arith.addi %mul3A_612, %add3A : i32
      %min3A_614 = arith.constant 255 : i32
      %min3A_615 = arith.minsi %add3A_613, %min3A_614 : i32
      %jit3A_616 = arith.constant 64 : i32
      %div3A_617 = arith.divsi %min3A_615, %jit3A_616 : i32
      %sign3A_618 = arith.constant 0 : i32
      %sign3A_619 = arith.cmpi sgt, %min3A_615, %sign3A_618 : i32
      %sign3A_620 = arith.extui %sign3A_619 : i1 to i32
      %sign3A_621 = arith.constant 0 : i32
      %sign3A_622 = arith.cmpi slt, %min3A_615, %sign3A_621 : i32
      %sign3A_623 = arith.extui %sign3A_622 : i1 to i32
      %sign3A_624 = arith.subi %sign3A_620, %sign3A_623 : i32
      %sign3A_625 = arith.constant 0 : i32
      %sign3A_626 = arith.cmpi sgt, %jit3A_616, %sign3A_625 : i32
      %sign3A_627 = arith.extui %sign3A_626 : i1 to i32
      %sign3A_628 = arith.constant 0 : i32
      %sign3A_629 = arith.cmpi slt, %jit3A_616, %sign3A_628 : i32
      %sign3A_630 = arith.extui %sign3A_629 : i1 to i32
      %sign3A_631 = arith.subi %sign3A_627, %sign3A_630 : i32
      %ne3A_632 = arith.cmpi ne, %sign3A_624, %sign3A_631 : i32
      %rem3A_633 = arith.remsi %min3A_615, %jit3A_616 : i32
      %ne3A_634 = arith.constant 0 : i32
      %ne3A_635 = arith.cmpi ne, %rem3A_633, %ne3A_634 : i32
      %and3A_636 = arith.andi %ne3A_632, %ne3A_635 : i1
      %sub3A_637 = arith.constant 1 : i32
      %sub3A_638 = arith.subi %div3A_617, %sub3A_637 : i32
      %select_n3A_639 = arith.select %and3A_636, %sub3A_638, %div3A_617 : i32
      %jit3A_640 = arith.constant 64 : i32
      %eq3A_641 = arith.constant 0 : i32
      %eq3A_642 = arith.cmpi eq, %jit3A_640, %eq3A_641 : i32
      %jit3A_643 = arith.constant 1 : i32
      %select_n3A_644 = arith.select %eq3A_642, %jit3A_643, %jit3A_640 : i32
      %rem3A_645 = arith.remsi %min3A_615, %select_n3A_644 : i32
      %ne3A_646 = arith.constant 0 : i32
      %ne3A_647 = arith.cmpi ne, %rem3A_645, %ne3A_646 : i32
      %lt3A_648 = arith.constant 0 : i32
      %lt3A_649 = arith.cmpi slt, %rem3A_645, %lt3A_648 : i32
      %lt3A_650 = arith.constant 0 : i32
      %lt3A_651 = arith.cmpi slt, %select_n3A_644, %lt3A_650 : i32
      %ne3A_652 = arith.xori %lt3A_649, %lt3A_651 : i1
      %and3A_653 = arith.andi %ne3A_652, %ne3A_647 : i1
      %add3A_654 = arith.addi %rem3A_645, %select_n3A_644 : i32
      %select_n3A_655 = arith.select %and3A_653, %add3A_654, %rem3A_645 : i32
      %mul3A_656 = arith.constant 16 : i32
      %mul3A_657 = arith.muli %select_n3A_655, %mul3A_656 : i32
      %dma_start3A_658 = arith.constant 0 : i32
      %dma_start3A_659 = arith.constant 0 : i32
      %dma_start3A_660 = tpu.memref_slice %arg4[%dma_start3A_658, %dma_start3A_659] : memref<2048x16xf32, #tpu.memory_space<vmem>> -> memref<1024x16xf32, #tpu.memory_space<vmem>>
      %dma_start3A_661 = arith.constant 0 : i32
      %dma_start3A_662 = tpu.memref_slice %arg2[%select_n3A_639, %dma_start3A_661, %mul3A_657] : memref<4x4096x1024xf32, #tpu.memory_space<hbm>> -> memref<1x1024x16xf32, #tpu.memory_space<hbm>>
      %dma_start3A_663 = tpu.memref_squeeze %dma_start3A_662 : memref<1x1024x16xf32, #tpu.memory_space<hbm>> -> memref<1024x16xf32, #tpu.memory_space<hbm>>
      %dma_start3A_664 = arith.constant 0 : i32
      %dma_start3A_665 = arith.constant 0 : i32
      %dma_start3A_666 = tpu.memref_slice %arg4[%dma_start3A_664, %dma_start3A_665] : memref<2048x16xf32, #tpu.memory_space<vmem>> -> memref<1024x16xf32, #tpu.memory_space<vmem>>
      %dma_start3A_667 = arith.constant 0 : i32
      %dma_start3A_668 = tpu.memref_slice %arg2[%select_n3A_639, %dma_start3A_667, %mul3A_657] : memref<4x4096x1024xf32, #tpu.memory_space<hbm>> -> memref<1x1024x16xf32, #tpu.memory_space<hbm>>
      %dma_start3A_669 = tpu.memref_squeeze %dma_start3A_668 : memref<1x1024x16xf32, #tpu.memory_space<hbm>> -> memref<1024x16xf32, #tpu.memory_space<hbm>>
      tpu.enqueue_dma source(%dma_start3A_669 : memref<1024x16xf32, #tpu.memory_space<hbm>>) target(%dma_start3A_666 : memref<1024x16xf32, #tpu.memory_space<vmem>>) target_semaphore(%arg9 : memref<!tpu.dma_semaphore, #tpu.memory_space<semaphore_mem>>)
      %dma_start3A_670 = arith.constant 1024 : i32
      %dma_start3A_671 = arith.constant 0 : i32
      %dma_start3A_672 = tpu.memref_slice %arg4[%dma_start3A_670, %dma_start3A_671] : memref<2048x16xf32, #tpu.memory_space<vmem>> -> memref<1024x16xf32, #tpu.memory_space<vmem>>
      %dma_start3A_673 = arith.constant 1024 : i32
      %dma_start3A_674 = tpu.memref_slice %arg2[%select_n3A_639, %dma_start3A_673, %mul3A_657] : memref<4x4096x1024xf32, #tpu.memory_space<hbm>> -> memref<1x1024x16xf32, #tpu.memory_space<hbm>>
      %dma_start3A_675 = tpu.memref_squeeze %dma_start3A_674 : memref<1x1024x16xf32, #tpu.memory_space<hbm>> -> memref<1024x16xf32, #tpu.memory_space<hbm>>
      %dma_start3A_676 = arith.constant 1024 : i32
      %dma_start3A_677 = arith.constant 0 : i32
      %dma_start3A_678 = tpu.memref_slice %arg4[%dma_start3A_676, %dma_start3A_677] : memref<2048x16xf32, #tpu.memory_space<vmem>> -> memref<1024x16xf32, #tpu.memory_space<vmem>>
      %dma_start3A_679 = arith.constant 1024 : i32
      %dma_start3A_680 = tpu.memref_slice %arg2[%select_n3A_639, %dma_start3A_679, %mul3A_657] : memref<4x4096x1024xf32, #tpu.memory_space<hbm>> -> memref<1x1024x16xf32, #tpu.memory_space<hbm>>
      %dma_start3A_681 = tpu.memref_squeeze %dma_start3A_680 : memref<1x1024x16xf32, #tpu.memory_space<hbm>> -> memref<1024x16xf32, #tpu.memory_space<hbm>>
      tpu.enqueue_dma source(%dma_start3A_681 : memref<1024x16xf32, #tpu.memory_space<hbm>>) target(%dma_start3A_678 : memref<1024x16xf32, #tpu.memory_space<vmem>>) target_semaphore(%arg9 : memref<!tpu.dma_semaphore, #tpu.memory_space<semaphore_mem>>)
      %add3A_682 = arith.constant 1 : i32
      %add3A_683 = arith.addi %scan3A_364, %add3A_682 : i32
      %mul3A_684 = arith.constant 32 : i32
      %mul3A_685 = arith.muli %add3A_683, %mul3A_684 : i32
      %add3A_686 = arith.addi %mul3A_685, %add3A : i32
      %min3A_687 = arith.constant 255 : i32
      %min3A_688 = arith.minsi %add3A_686, %min3A_687 : i32
      %jit3A_689 = arith.constant 64 : i32
      %div3A_690 = arith.divsi %min3A_688, %jit3A_689 : i32
      %sign3A_691 = arith.constant 0 : i32
      %sign3A_692 = arith.cmpi sgt, %min3A_688, %sign3A_691 : i32
      %sign3A_693 = arith.extui %sign3A_692 : i1 to i32
      %sign3A_694 = arith.constant 0 : i32
      %sign3A_695 = arith.cmpi slt, %min3A_688, %sign3A_694 : i32
      %sign3A_696 = arith.extui %sign3A_695 : i1 to i32
      %sign3A_697 = arith.subi %sign3A_693, %sign3A_696 : i32
      %sign3A_698 = arith.constant 0 : i32
      %sign3A_699 = arith.cmpi sgt, %jit3A_689, %sign3A_698 : i32
      %sign3A_700 = arith.extui %sign3A_699 : i1 to i32
      %sign3A_701 = arith.constant 0 : i32
      %sign3A_702 = arith.cmpi slt, %jit3A_689, %sign3A_701 : i32
      %sign3A_703 = arith.extui %sign3A_702 : i1 to i32
      %sign3A_704 = arith.subi %sign3A_700, %sign3A_703 : i32
      %ne3A_705 = arith.cmpi ne, %sign3A_697, %sign3A_704 : i32
      %rem3A_706 = arith.remsi %min3A_688, %jit3A_689 : i32
      %ne3A_707 = arith.constant 0 : i32
      %ne3A_708 = arith.cmpi ne, %rem3A_706, %ne3A_707 : i32
      %and3A_709 = arith.andi %ne3A_705, %ne3A_708 : i1
      %sub3A_710 = arith.constant 1 : i32
      %sub3A_711 = arith.subi %div3A_690, %sub3A_710 : i32
      %select_n3A_712 = arith.select %and3A_709, %sub3A_711, %div3A_690 : i32
      %jit3A_713 = arith.constant 64 : i32
      %eq3A_714 = arith.constant 0 : i32
      %eq3A_715 = arith.cmpi eq, %jit3A_713, %eq3A_714 : i32
      %jit3A_716 = arith.constant 1 : i32
      %select_n3A_717 = arith.select %eq3A_715, %jit3A_716, %jit3A_713 : i32
      %rem3A_718 = arith.remsi %min3A_688, %select_n3A_717 : i32
      %ne3A_719 = arith.constant 0 : i32
      %ne3A_720 = arith.cmpi ne, %rem3A_718, %ne3A_719 : i32
      %lt3A_721 = arith.constant 0 : i32
      %lt3A_722 = arith.cmpi slt, %rem3A_718, %lt3A_721 : i32
      %lt3A_723 = arith.constant 0 : i32
      %lt3A_724 = arith.cmpi slt, %select_n3A_717, %lt3A_723 : i32
      %ne3A_725 = arith.xori %lt3A_722, %lt3A_724 : i1
      %and3A_726 = arith.andi %ne3A_725, %ne3A_720 : i1
      %add3A_727 = arith.addi %rem3A_718, %select_n3A_717 : i32
      %select_n3A_728 = arith.select %and3A_726, %add3A_727, %rem3A_718 : i32
      %mul3A_729 = arith.constant 16 : i32
      %mul3A_730 = arith.muli %select_n3A_728, %mul3A_729 : i32
      %dma_start3A_731 = arith.constant 0 : i32
      %dma_start3A_732 = arith.constant 0 : i32
      %dma_start3A_733 = tpu.memref_slice %arg5[%dma_start3A_731, %dma_start3A_732] : memref<2048x16xf32, #tpu.memory_space<vmem>> -> memref<1024x16xf32, #tpu.memory_space<vmem>>
      %dma_start3A_734 = arith.constant 2048 : i32
      %dma_start3A_735 = tpu.memref_slice %arg2[%select_n3A_712, %dma_start3A_734, %mul3A_730] : memref<4x4096x1024xf32, #tpu.memory_space<hbm>> -> memref<1x1024x16xf32, #tpu.memory_space<hbm>>
      %dma_start3A_736 = tpu.memref_squeeze %dma_start3A_735 : memref<1x1024x16xf32, #tpu.memory_space<hbm>> -> memref<1024x16xf32, #tpu.memory_space<hbm>>
      %dma_start3A_737 = arith.constant 0 : i32
      %dma_start3A_738 = arith.constant 0 : i32
      %dma_start3A_739 = tpu.memref_slice %arg5[%dma_start3A_737, %dma_start3A_738] : memref<2048x16xf32, #tpu.memory_space<vmem>> -> memref<1024x16xf32, #tpu.memory_space<vmem>>
      %dma_start3A_740 = arith.constant 2048 : i32
      %dma_start3A_741 = tpu.memref_slice %arg2[%select_n3A_712, %dma_start3A_740, %mul3A_730] : memref<4x4096x1024xf32, #tpu.memory_space<hbm>> -> memref<1x1024x16xf32, #tpu.memory_space<hbm>>
      %dma_start3A_742 = tpu.memref_squeeze %dma_start3A_741 : memref<1x1024x16xf32, #tpu.memory_space<hbm>> -> memref<1024x16xf32, #tpu.memory_space<hbm>>
      tpu.enqueue_dma source(%dma_start3A_742 : memref<1024x16xf32, #tpu.memory_space<hbm>>) target(%dma_start3A_739 : memref<1024x16xf32, #tpu.memory_space<vmem>>) target_semaphore(%arg10 : memref<!tpu.dma_semaphore, #tpu.memory_space<semaphore_mem>>)
      %dma_start3A_743 = arith.constant 1024 : i32
      %dma_start3A_744 = arith.constant 0 : i32
      %dma_start3A_745 = tpu.memref_slice %arg5[%dma_start3A_743, %dma_start3A_744] : memref<2048x16xf32, #tpu.memory_space<vmem>> -> memref<1024x16xf32, #tpu.memory_space<vmem>>
      %dma_start3A_746 = arith.constant 3072 : i32
      %dma_start3A_747 = tpu.memref_slice %arg2[%select_n3A_712, %dma_start3A_746, %mul3A_730] : memref<4x4096x1024xf32, #tpu.memory_space<hbm>> -> memref<1x1024x16xf32, #tpu.memory_space<hbm>>
      %dma_start3A_748 = tpu.memref_squeeze %dma_start3A_747 : memref<1x1024x16xf32, #tpu.memory_space<hbm>> -> memref<1024x16xf32, #tpu.memory_space<hbm>>
      %dma_start3A_749 = arith.constant 1024 : i32
      %dma_start3A_750 = arith.constant 0 : i32
      %dma_start3A_751 = tpu.memref_slice %arg5[%dma_start3A_749, %dma_start3A_750] : memref<2048x16xf32, #tpu.memory_space<vmem>> -> memref<1024x16xf32, #tpu.memory_space<vmem>>
      %dma_start3A_752 = arith.constant 3072 : i32
      %dma_start3A_753 = tpu.memref_slice %arg2[%select_n3A_712, %dma_start3A_752, %mul3A_730] : memref<4x4096x1024xf32, #tpu.memory_space<hbm>> -> memref<1x1024x16xf32, #tpu.memory_space<hbm>>
      %dma_start3A_754 = tpu.memref_squeeze %dma_start3A_753 : memref<1x1024x16xf32, #tpu.memory_space<hbm>> -> memref<1024x16xf32, #tpu.memory_space<hbm>>
      tpu.enqueue_dma source(%dma_start3A_754 : memref<1024x16xf32, #tpu.memory_space<hbm>>) target(%dma_start3A_751 : memref<1024x16xf32, #tpu.memory_space<vmem>>) target_semaphore(%arg10 : memref<!tpu.dma_semaphore, #tpu.memory_space<semaphore_mem>>)
      %mul3A_755 = arith.constant 256 : i32
      %mul3A_756 = vector.broadcast %mul3A_755 : i32 to vector<16xi32>
      %mul3A_757 = arith.muli %add3A_607, %mul3A_756 : vector<16xi32>
      %reduce_max3A_758 = arith.constant true
      %reduce_max3A_759 = vector.broadcast %reduce_max3A_758 : i1 to vector<16xi1>
      %reduce_max3A_760 = arith.constant -2147483648 : i32
      %reduce_max3A_761 = vector.broadcast %reduce_max3A_760 : i32 to vector<16xi32>
      %reduce_max3A_762 = arith.xori %cond3A_604#0, %reduce_max3A_761 : vector<16xi32>
      %reduce_max3A_763 = tpu.scan <max>, %reduce_max3A_762 masked %reduce_max3A_759 : vector<16xi32>, vector<16xi1> -> vector<16xi32>
      %reduce_max3A_764 = arith.xori %reduce_max3A_763, %reduce_max3A_761 : vector<16xi32>
      %reduce_max3A_765 = vector.extract %reduce_max3A_764[15] : i32 from vector<16xi32>
      %add3A_766 = arith.constant 7 : i32
      %add3A_767 = arith.addi %reduce_max3A_765, %add3A_766 : i32
      %jit3A_768 = arith.constant 8 : i32
      %div3A_769 = arith.divsi %add3A_767, %jit3A_768 : i32
      %sign3A_770 = arith.constant 0 : i32
      %sign3A_771 = arith.cmpi sgt, %add3A_767, %sign3A_770 : i32
      %sign3A_772 = arith.extui %sign3A_771 : i1 to i32
      %sign3A_773 = arith.constant 0 : i32
      %sign3A_774 = arith.cmpi slt, %add3A_767, %sign3A_773 : i32
      %sign3A_775 = arith.extui %sign3A_774 : i1 to i32
      %sign3A_776 = arith.subi %sign3A_772, %sign3A_775 : i32
      %sign3A_777 = arith.constant 0 : i32
      %sign3A_778 = arith.cmpi sgt, %jit3A_768, %sign3A_777 : i32
      %sign3A_779 = arith.extui %sign3A_778 : i1 to i32
      %sign3A_780 = arith.constant 0 : i32
      %sign3A_781 = arith.cmpi slt, %jit3A_768, %sign3A_780 : i32
      %sign3A_782 = arith.extui %sign3A_781 : i1 to i32
      %sign3A_783 = arith.subi %sign3A_779, %sign3A_782 : i32
      %ne3A_784 = arith.cmpi ne, %sign3A_776, %sign3A_783 : i32
      %rem3A_785 = arith.remsi %add3A_767, %jit3A_768 : i32
      %ne3A_786 = arith.constant 0 : i32
      %ne3A_787 = arith.cmpi ne, %rem3A_785, %ne3A_786 : i32
      %and3A_788 = arith.andi %ne3A_784, %ne3A_787 : i1
      %sub3A_789 = arith.constant 1 : i32
      %sub3A_790 = arith.subi %div3A_769, %sub3A_789 : i32
      %select_n3A_791 = arith.select %and3A_788, %sub3A_790, %div3A_769 : i32
      %mul3A_792 = arith.constant 8 : i32
      %mul3A_793 = arith.muli %select_n3A_791, %mul3A_792 : i32
      %parallel_loop3A_794 = arith.constant 0 : i32
      %parallel_loop3A_795 = arith.constant 1 : i32
      scf.for %parallel_loop3A_927 = %parallel_loop3A_794 to %mul3A_793 step %parallel_loop3A_795  : i32 {
        %parallel_loop3A_928 = arith.index_cast %parallel_loop3A_927 : i32 to index
        %parallel_loop3A_929 = arith.constant 0 : index
        %parallel_loop3A_930 = tpu.vector_load %arg6[%parallel_loop3A_928, %parallel_loop3A_929] {strides = array<i32>} : memref<2048x16xi32, #tpu.memory_space<vmem>>, vector<16xi32>,
        %parallel_loop3A_931 = vector.broadcast %parallel_loop3A_927 : i32 to vector<16xi32>
        %parallel_loop3A_932 = arith.cmpi slt, %parallel_loop3A_931, %cond3A_604#0 : vector<16xi32>
        %parallel_loop3A_933 = arith.constant 16 : i32
        %parallel_loop3A_934 = vector.broadcast %parallel_loop3A_933 : i32 to vector<16xi32>
        %parallel_loop3A_935 = arith.shrsi %parallel_loop3A_930, %parallel_loop3A_934 : vector<16xi32>
        %parallel_loop3A_936 = arith.subi %parallel_loop3A_935, %mul3A_757 : vector<16xi32>
        %parallel_loop3A_937 = arith.constant 0 : i32
        %parallel_loop3A_938 = vector.broadcast %parallel_loop3A_937 : i32 to vector<16xi32>
        %parallel_loop3A_939 = arith.cmpi sge, %parallel_loop3A_936, %parallel_loop3A_938 : vector<16xi32>
        %parallel_loop3A_940 = arith.constant 256 : i32
        %parallel_loop3A_941 = vector.broadcast %parallel_loop3A_940 : i32 to vector<16xi32>
        %parallel_loop3A_942 = arith.cmpi slt, %parallel_loop3A_936, %parallel_loop3A_941 : vector<16xi32>
        %parallel_loop3A_943 = arith.andi %parallel_loop3A_939, %parallel_loop3A_942 : vector<16xi1>
        %parallel_loop3A_944 = arith.andi %parallel_loop3A_932, %parallel_loop3A_943 : vector<16xi1>
        %parallel_loop3A_945 = arith.constant 0 : i32
        %parallel_loop3A_946 = arith.constant 255 : i32
        %parallel_loop3A_947 = vector.broadcast %parallel_loop3A_945 : i32 to vector<16xi32>
        %parallel_loop3A_948 = arith.maxsi %parallel_loop3A_947, %parallel_loop3A_936 : vector<16xi32>
        %parallel_loop3A_949 = vector.broadcast %parallel_loop3A_946 : i32 to vector<16xi32>
        %parallel_loop3A_950 = arith.minsi %parallel_loop3A_949, %parallel_loop3A_948 : vector<16xi32>
        tpu.vector_store_idx %arg7[%parallel_loop3A_950, %iota3A], %broadcast_in_dim3A_3 masked %parallel_loop3A_944 {add = true} : memref<256x16xi32, #tpu.memory_space<vmem>>[vector<16xi32>, vector<16xi32>], vector<16xi32>, vector<16xi1>
      } {sc.loop_unroll_factor = 8 : i64, sc.parallel_access}
      %broadcast_in_dim3A_796 = arith.constant false
      %broadcast_in_dim3A_797 = vector.broadcast %broadcast_in_dim3A_796 : i1 to vector<16xi1>
      %parallel_loop3A_798 = arith.constant 0 : i32
      %parallel_loop3A_799 = arith.constant 256 : i32
      %parallel_loop3A_800 = arith.constant 1 : i32
      %parallel_loop3A_801:4 = scf.for %parallel_loop3A_927 = %parallel_loop3A_798 to %parallel_loop3A_799 step %parallel_loop3A_800 iter_args(%parallel_loop3A_928 = %broadcast_in_dim3A_1, %parallel_loop3A_929 = %broadcast_in_dim3A_797, %parallel_loop3A_930 = %broadcast_in_dim3A_1, %parallel_loop3A_931 = %broadcast_in_dim3A_1) -> (vector<16xi32>, vector<16xi1>, vector<16xi32>, vector<16xi32>)  : i32 {
        %parallel_loop3A_932 = arith.constant 255 : i32
        %parallel_loop3A_933 = arith.subi %parallel_loop3A_932, %parallel_loop3A_927 : i32
        %parallel_loop3A_934 = arith.index_cast %parallel_loop3A_933 : i32 to index
        %parallel_loop3A_935 = arith.constant 0 : index
        %parallel_loop3A_936 = tpu.vector_load %arg7[%parallel_loop3A_934, %parallel_loop3A_935] {strides = array<i32>} : memref<256x16xi32, #tpu.memory_space<vmem>>, vector<16xi32>,
        %parallel_loop3A_937 = arith.index_cast %parallel_loop3A_933 : i32 to index
        %parallel_loop3A_938 = arith.constant 0 : index
        %parallel_loop3A_939 = tpu.vector_load %arg7[%parallel_loop3A_937, %parallel_loop3A_938] {strides = array<i32>} : memref<256x16xi32, #tpu.memory_space<vmem>>, vector<16xi32>,
        tpu.vector_store %arg7[%parallel_loop3A_937, %parallel_loop3A_938], %broadcast_in_dim3A_1 {strides = array<i32>} : memref<256x16xi32, #tpu.memory_space<vmem>>, vector<16xi32>,
        %parallel_loop3A_940 = arith.addi %parallel_loop3A_928, %parallel_loop3A_936 : vector<16xi32>
        %parallel_loop3A_941 = arith.constant dense<true> : vector<16xi1>
        %parallel_loop3A_942 = arith.xori %parallel_loop3A_929, %parallel_loop3A_941 : vector<16xi1>
        %parallel_loop3A_943 = arith.cmpi sge, %parallel_loop3A_940, %sub3A_608 : vector<16xi32>
        %parallel_loop3A_944 = arith.andi %parallel_loop3A_942, %parallel_loop3A_943 : vector<16xi1>
        %parallel_loop3A_945 = vector.broadcast %parallel_loop3A_933 : i32 to vector<16xi32>
        %parallel_loop3A_946 = arith.select %parallel_loop3A_944, %parallel_loop3A_945, %parallel_loop3A_930 : vector<16xi1>, vector<16xi32>
        %parallel_loop3A_947 = arith.select %parallel_loop3A_944, %parallel_loop3A_928, %parallel_loop3A_931 : vector<16xi1>, vector<16xi32>
        %parallel_loop3A_948 = arith.ori %parallel_loop3A_929, %parallel_loop3A_944 : vector<16xi1>
        scf.yield %parallel_loop3A_940, %parallel_loop3A_948, %parallel_loop3A_946, %parallel_loop3A_947 : vector<16xi32>, vector<16xi1>, vector<16xi32>, vector<16xi32>
      } {sc.loop_unroll_factor = 8 : i64, sc.parallel_access}
      %add3A_802 = arith.addi %mul3A_757, %parallel_loop3A_801#2 : vector<16xi32>
      %sub3A_803 = arith.subi %sub3A_608, %parallel_loop3A_801#3 : vector<16xi32>
      %mul3A_804 = arith.constant 256 : i32
      %mul3A_805 = vector.broadcast %mul3A_804 : i32 to vector<16xi32>
      %mul3A_806 = arith.muli %add3A_802, %mul3A_805 : vector<16xi32>
      %parallel_loop3A_807 = arith.constant 0 : i32
      %parallel_loop3A_808 = arith.constant 1 : i32
      scf.for %parallel_loop3A_927 = %parallel_loop3A_807 to %mul3A_793 step %parallel_loop3A_808  : i32 {
        %parallel_loop3A_928 = arith.index_cast %parallel_loop3A_927 : i32 to index
        %parallel_loop3A_929 = arith.constant 0 : index
        %parallel_loop3A_930 = tpu.vector_load %arg6[%parallel_loop3A_928, %parallel_loop3A_929] {strides = array<i32>} : memref<2048x16xi32, #tpu.memory_space<vmem>>, vector<16xi32>,
        %parallel_loop3A_931 = vector.broadcast %parallel_loop3A_927 : i32 to vector<16xi32>
        %parallel_loop3A_932 = arith.cmpi slt, %parallel_loop3A_931, %cond3A_604#0 : vector<16xi32>
        %parallel_loop3A_933 = arith.constant 8 : i32
        %parallel_loop3A_934 = vector.broadcast %parallel_loop3A_933 : i32 to vector<16xi32>
        %parallel_loop3A_935 = arith.shrsi %parallel_loop3A_930, %parallel_loop3A_934 : vector<16xi32>
        %parallel_loop3A_936 = arith.subi %parallel_loop3A_935, %mul3A_806 : vector<16xi32>
        %parallel_loop3A_937 = arith.constant 0 : i32
        %parallel_loop3A_938 = vector.broadcast %parallel_loop3A_937 : i32 to vector<16xi32>
        %parallel_loop3A_939 = arith.cmpi sge, %parallel_loop3A_936, %parallel_loop3A_938 : vector<16xi32>
        %parallel_loop3A_940 = arith.constant 256 : i32
        %parallel_loop3A_941 = vector.broadcast %parallel_loop3A_940 : i32 to vector<16xi32>
        %parallel_loop3A_942 = arith.cmpi slt, %parallel_loop3A_936, %parallel_loop3A_941 : vector<16xi32>
        %parallel_loop3A_943 = arith.andi %parallel_loop3A_939, %parallel_loop3A_942 : vector<16xi1>
        %parallel_loop3A_944 = arith.andi %parallel_loop3A_932, %parallel_loop3A_943 : vector<16xi1>
        %parallel_loop3A_945 = arith.constant 0 : i32
        %parallel_loop3A_946 = arith.constant 255 : i32
        %parallel_loop3A_947 = vector.broadcast %parallel_loop3A_945 : i32 to vector<16xi32>
        %parallel_loop3A_948 = arith.maxsi %parallel_loop3A_947, %parallel_loop3A_936 : vector<16xi32>
        %parallel_loop3A_949 = vector.broadcast %parallel_loop3A_946 : i32 to vector<16xi32>
        %parallel_loop3A_950 = arith.minsi %parallel_loop3A_949, %parallel_loop3A_948 : vector<16xi32>
        tpu.vector_store_idx %arg7[%parallel_loop3A_950, %iota3A], %broadcast_in_dim3A_3 masked %parallel_loop3A_944 {add = true} : memref<256x16xi32, #tpu.memory_space<vmem>>[vector<16xi32>, vector<16xi32>], vector<16xi32>, vector<16xi1>
      } {sc.loop_unroll_factor = 8 : i64, sc.parallel_access}
      %broadcast_in_dim3A_809 = arith.constant false
      %broadcast_in_dim3A_810 = vector.broadcast %broadcast_in_dim3A_809 : i1 to vector<16xi1>
      %parallel_loop3A_811 = arith.constant 0 : i32
      %parallel_loop3A_812 = arith.constant 256 : i32
      %parallel_loop3A_813 = arith.constant 1 : i32
      %parallel_loop3A_814:4 = scf.for %parallel_loop3A_927 = %parallel_loop3A_811 to %parallel_loop3A_812 step %parallel_loop3A_813 iter_args(%parallel_loop3A_928 = %broadcast_in_dim3A_1, %parallel_loop3A_929 = %broadcast_in_dim3A_810, %parallel_loop3A_930 = %broadcast_in_dim3A_1, %parallel_loop3A_931 = %broadcast_in_dim3A_1) -> (vector<16xi32>, vector<16xi1>, vector<16xi32>, vector<16xi32>)  : i32 {
        %parallel_loop3A_932 = arith.constant 255 : i32
        %parallel_loop3A_933 = arith.subi %parallel_loop3A_932, %parallel_loop3A_927 : i32
        %parallel_loop3A_934 = arith.index_cast %parallel_loop3A_933 : i32 to index
        %parallel_loop3A_935 = arith.constant 0 : index
        %parallel_loop3A_936 = tpu.vector_load %arg7[%parallel_loop3A_934, %parallel_loop3A_935] {strides = array<i32>} : memref<256x16xi32, #tpu.memory_space<vmem>>, vector<16xi32>,
        %parallel_loop3A_937 = arith.index_cast %parallel_loop3A_933 : i32 to index
        %parallel_loop3A_938 = arith.constant 0 : index
        %parallel_loop3A_939 = tpu.vector_load %arg7[%parallel_loop3A_937, %parallel_loop3A_938] {strides = array<i32>} : memref<256x16xi32, #tpu.memory_space<vmem>>, vector<16xi32>,
        tpu.vector_store %arg7[%parallel_loop3A_937, %parallel_loop3A_938], %broadcast_in_dim3A_1 {strides = array<i32>} : memref<256x16xi32, #tpu.memory_space<vmem>>, vector<16xi32>,
        %parallel_loop3A_940 = arith.addi %parallel_loop3A_928, %parallel_loop3A_936 : vector<16xi32>
        %parallel_loop3A_941 = arith.constant dense<true> : vector<16xi1>
        %parallel_loop3A_942 = arith.xori %parallel_loop3A_929, %parallel_loop3A_941 : vector<16xi1>
        %parallel_loop3A_943 = arith.cmpi sge, %parallel_loop3A_940, %sub3A_803 : vector<16xi32>
        %parallel_loop3A_944 = arith.andi %parallel_loop3A_942, %parallel_loop3A_943 : vector<16xi1>
        %parallel_loop3A_945 = vector.broadcast %parallel_loop3A_933 : i32 to vector<16xi32>
        %parallel_loop3A_946 = arith.select %parallel_loop3A_944, %parallel_loop3A_945, %parallel_loop3A_930 : vector<16xi1>, vector<16xi32>
        %parallel_loop3A_947 = arith.select %parallel_loop3A_944, %parallel_loop3A_928, %parallel_loop3A_931 : vector<16xi1>, vector<16xi32>
        %parallel_loop3A_948 = arith.ori %parallel_loop3A_929, %parallel_loop3A_944 : vector<16xi1>
        scf.yield %parallel_loop3A_940, %parallel_loop3A_948, %parallel_loop3A_946, %parallel_loop3A_947 : vector<16xi32>, vector<16xi1>, vector<16xi32>, vector<16xi32>
      } {sc.loop_unroll_factor = 8 : i64, sc.parallel_access}
      %add3A_815 = arith.addi %mul3A_806, %parallel_loop3A_814#2 : vector<16xi32>
      %sub3A_816 = arith.subi %sub3A_803, %parallel_loop3A_814#3 : vector<16xi32>
      %mul3A_817 = arith.constant 256 : i32
      %mul3A_818 = vector.broadcast %mul3A_817 : i32 to vector<16xi32>
      %mul3A_819 = arith.muli %add3A_815, %mul3A_818 : vector<16xi32>
      %parallel_loop3A_820 = arith.constant 0 : i32
      %parallel_loop3A_821 = arith.constant 1 : i32
      scf.for %parallel_loop3A_927 = %parallel_loop3A_820 to %mul3A_793 step %parallel_loop3A_821  : i32 {
        %parallel_loop3A_928 = arith.index_cast %parallel_loop3A_927 : i32 to index
        %parallel_loop3A_929 = arith.constant 0 : index
        %parallel_loop3A_930 = tpu.vector_load %arg6[%parallel_loop3A_928, %parallel_loop3A_929] {strides = array<i32>} : memref<2048x16xi32, #tpu.memory_space<vmem>>, vector<16xi32>,
        %parallel_loop3A_931 = vector.broadcast %parallel_loop3A_927 : i32 to vector<16xi32>
        %parallel_loop3A_932 = arith.cmpi slt, %parallel_loop3A_931, %cond3A_604#0 : vector<16xi32>
        %parallel_loop3A_933 = arith.constant 0 : i32
        %parallel_loop3A_934 = vector.broadcast %parallel_loop3A_933 : i32 to vector<16xi32>
        %parallel_loop3A_935 = arith.shrsi %parallel_loop3A_930, %parallel_loop3A_934 : vector<16xi32>
        %parallel_loop3A_936 = arith.subi %parallel_loop3A_935, %mul3A_819 : vector<16xi32>
        %parallel_loop3A_937 = arith.constant 0 : i32
        %parallel_loop3A_938 = vector.broadcast %parallel_loop3A_937 : i32 to vector<16xi32>
        %parallel_loop3A_939 = arith.cmpi sge, %parallel_loop3A_936, %parallel_loop3A_938 : vector<16xi32>
        %parallel_loop3A_940 = arith.constant 256 : i32
        %parallel_loop3A_941 = vector.broadcast %parallel_loop3A_940 : i32 to vector<16xi32>
        %parallel_loop3A_942 = arith.cmpi slt, %parallel_loop3A_936, %parallel_loop3A_941 : vector<16xi32>
        %parallel_loop3A_943 = arith.andi %parallel_loop3A_939, %parallel_loop3A_942 : vector<16xi1>
        %parallel_loop3A_944 = arith.andi %parallel_loop3A_932, %parallel_loop3A_943 : vector<16xi1>
        %parallel_loop3A_945 = arith.constant 0 : i32
        %parallel_loop3A_946 = arith.constant 255 : i32
        %parallel_loop3A_947 = vector.broadcast %parallel_loop3A_945 : i32 to vector<16xi32>
        %parallel_loop3A_948 = arith.maxsi %parallel_loop3A_947, %parallel_loop3A_936 : vector<16xi32>
        %parallel_loop3A_949 = vector.broadcast %parallel_loop3A_946 : i32 to vector<16xi32>
        %parallel_loop3A_950 = arith.minsi %parallel_loop3A_949, %parallel_loop3A_948 : vector<16xi32>
        tpu.vector_store_idx %arg7[%parallel_loop3A_950, %iota3A], %broadcast_in_dim3A_3 masked %parallel_loop3A_944 {add = true} : memref<256x16xi32, #tpu.memory_space<vmem>>[vector<16xi32>, vector<16xi32>], vector<16xi32>, vector<16xi1>
      } {sc.loop_unroll_factor = 8 : i64, sc.parallel_access}
      %broadcast_in_dim3A_822 = arith.constant false
      %broadcast_in_dim3A_823 = vector.broadcast %broadcast_in_dim3A_822 : i1 to vector<16xi1>
      %parallel_loop3A_824 = arith.constant 0 : i32
      %parallel_loop3A_825 = arith.constant 256 : i32
      %parallel_loop3A_826 = arith.constant 1 : i32
      %parallel_loop3A_827:4 = scf.for %parallel_loop3A_927 = %parallel_loop3A_824 to %parallel_loop3A_825 step %parallel_loop3A_826 iter_args(%parallel_loop3A_928 = %broadcast_in_dim3A_1, %parallel_loop3A_929 = %broadcast_in_dim3A_823, %parallel_loop3A_930 = %broadcast_in_dim3A_1, %parallel_loop3A_931 = %broadcast_in_dim3A_1) -> (vector<16xi32>, vector<16xi1>, vector<16xi32>, vector<16xi32>)  : i32 {
        %parallel_loop3A_932 = arith.constant 255 : i32
        %parallel_loop3A_933 = arith.subi %parallel_loop3A_932, %parallel_loop3A_927 : i32
        %parallel_loop3A_934 = arith.index_cast %parallel_loop3A_933 : i32 to index
        %parallel_loop3A_935 = arith.constant 0 : index
        %parallel_loop3A_936 = tpu.vector_load %arg7[%parallel_loop3A_934, %parallel_loop3A_935] {strides = array<i32>} : memref<256x16xi32, #tpu.memory_space<vmem>>, vector<16xi32>,
        %parallel_loop3A_937 = arith.index_cast %parallel_loop3A_933 : i32 to index
        %parallel_loop3A_938 = arith.constant 0 : index
        %parallel_loop3A_939 = tpu.vector_load %arg7[%parallel_loop3A_937, %parallel_loop3A_938] {strides = array<i32>} : memref<256x16xi32, #tpu.memory_space<vmem>>, vector<16xi32>,
        tpu.vector_store %arg7[%parallel_loop3A_937, %parallel_loop3A_938], %broadcast_in_dim3A_1 {strides = array<i32>} : memref<256x16xi32, #tpu.memory_space<vmem>>, vector<16xi32>,
        %parallel_loop3A_940 = arith.addi %parallel_loop3A_928, %parallel_loop3A_936 : vector<16xi32>
        %parallel_loop3A_941 = arith.constant dense<true> : vector<16xi1>
        %parallel_loop3A_942 = arith.xori %parallel_loop3A_929, %parallel_loop3A_941 : vector<16xi1>
        %parallel_loop3A_943 = arith.cmpi sge, %parallel_loop3A_940, %sub3A_816 : vector<16xi32>
        %parallel_loop3A_944 = arith.andi %parallel_loop3A_942, %parallel_loop3A_943 : vector<16xi1>
        %parallel_loop3A_945 = vector.broadcast %parallel_loop3A_933 : i32 to vector<16xi32>
        %parallel_loop3A_946 = arith.select %parallel_loop3A_944, %parallel_loop3A_945, %parallel_loop3A_930 : vector<16xi1>, vector<16xi32>
        %parallel_loop3A_947 = arith.select %parallel_loop3A_944, %parallel_loop3A_928, %parallel_loop3A_931 : vector<16xi1>, vector<16xi32>
        %parallel_loop3A_948 = arith.ori %parallel_loop3A_929, %parallel_loop3A_944 : vector<16xi1>
        scf.yield %parallel_loop3A_940, %parallel_loop3A_948, %parallel_loop3A_946, %parallel_loop3A_947 : vector<16xi32>, vector<16xi1>, vector<16xi32>, vector<16xi32>
      } {sc.loop_unroll_factor = 8 : i64, sc.parallel_access}
      %add3A_828 = arith.addi %mul3A_819, %parallel_loop3A_827#2 : vector<16xi32>
      %sub3A_829 = arith.subi %sub3A_816, %parallel_loop3A_827#3 : vector<16xi32>
      %jit3A_830 = arith.constant 2 : i32
      %eq3A_831 = arith.constant 0 : i32
      %eq3A_832 = arith.cmpi eq, %jit3A_830, %eq3A_831 : i32
      %jit3A_833 = arith.constant 1 : i32
      %select_n3A_834 = arith.select %eq3A_832, %jit3A_833, %jit3A_830 : i32
      %rem3A_835 = arith.remsi %scan3A_364, %select_n3A_834 : i32
      %ne3A_836 = arith.constant 0 : i32
      %ne3A_837 = arith.cmpi ne, %rem3A_835, %ne3A_836 : i32
      %lt3A_838 = arith.constant 0 : i32
      %lt3A_839 = arith.cmpi slt, %rem3A_835, %lt3A_838 : i32
      %lt3A_840 = arith.constant 0 : i32
      %lt3A_841 = arith.cmpi slt, %select_n3A_834, %lt3A_840 : i32
      %ne3A_842 = arith.xori %lt3A_839, %lt3A_841 : i1
      %and3A_843 = arith.andi %ne3A_842, %ne3A_837 : i1
      %add3A_844 = arith.addi %rem3A_835, %select_n3A_834 : i32
      %select_n3A_845 = arith.select %and3A_843, %add3A_844, %rem3A_835 : i32
      %mul3A_846 = arith.constant 64 : i32
      %mul3A_847 = arith.muli %select_n3A_845, %mul3A_846 : i32
      %broadcast_in_dim3A_848 = vector.broadcast %mul3A_847 : i32 to vector<16xi32>
      %parallel_loop3A_849 = arith.constant 0 : i32
      %parallel_loop3A_850 = arith.constant 1 : i32
      %parallel_loop3A_851:2 = scf.for %parallel_loop3A_927 = %parallel_loop3A_849 to %mul3A_793 step %parallel_loop3A_850 iter_args(%parallel_loop3A_928 = %broadcast_in_dim3A_1, %parallel_loop3A_929 = %broadcast_in_dim3A_1) -> (vector<16xi32>, vector<16xi32>)  : i32 {
        %parallel_loop3A_930 = arith.index_cast %parallel_loop3A_927 : i32 to index
        %parallel_loop3A_931 = arith.constant 0 : index
        %parallel_loop3A_932 = tpu.vector_load %arg6[%parallel_loop3A_930, %parallel_loop3A_931] {strides = array<i32>} : memref<2048x16xi32, #tpu.memory_space<vmem>>, vector<16xi32>,
        %parallel_loop3A_933 = vector.broadcast %parallel_loop3A_927 : i32 to vector<16xi32>
        %parallel_loop3A_934 = arith.cmpi slt, %parallel_loop3A_933, %cond3A_604#0 : vector<16xi32>
        %parallel_loop3A_935 = arith.cmpi sgt, %parallel_loop3A_932, %add3A_828 : vector<16xi32>
        %parallel_loop3A_936 = arith.andi %parallel_loop3A_934, %parallel_loop3A_935 : vector<16xi1>
        %parallel_loop3A_937 = arith.cmpi eq, %parallel_loop3A_932, %add3A_828 : vector<16xi32>
        %parallel_loop3A_938 = arith.andi %parallel_loop3A_934, %parallel_loop3A_937 : vector<16xi1>
        %parallel_loop3A_939 = arith.cmpi slt, %parallel_loop3A_929, %sub3A_829 : vector<16xi32>
        %parallel_loop3A_940 = arith.andi %parallel_loop3A_938, %parallel_loop3A_939 : vector<16xi1>
        %parallel_loop3A_941 = arith.ori %parallel_loop3A_936, %parallel_loop3A_940 : vector<16xi1>
        %parallel_loop3A_942 = arith.constant 0 : i32
        %parallel_loop3A_943 = vector.broadcast %parallel_loop3A_942 : i32 to vector<16xi32>
        %parallel_loop3A_944 = arith.cmpi slt, %parallel_loop3A_932, %parallel_loop3A_943 : vector<16xi32>
        %parallel_loop3A_945 = arith.constant 2147483647 : i32
        %parallel_loop3A_946 = vector.broadcast %parallel_loop3A_945 : i32 to vector<16xi32>
        %parallel_loop3A_947 = arith.xori %parallel_loop3A_932, %parallel_loop3A_946 : vector<16xi32>
        %parallel_loop3A_948 = arith.select %parallel_loop3A_944, %parallel_loop3A_947, %parallel_loop3A_932 : vector<16xi1>, vector<16xi32>
        %parallel_loop3A_949 = arith.addi %parallel_loop3A_928, %broadcast_in_dim3A_848 : vector<16xi32>
        %parallel_loop3A_950 = tpu.bitcast %parallel_loop3A_948 : vector<16xi32> -> vector<16xf32>
        tpu.vector_store_idx %arg8[%parallel_loop3A_949, %iota3A], %parallel_loop3A_950 masked %parallel_loop3A_941 : memref<128x16xf32, #tpu.memory_space<vmem>>[vector<16xi32>, vector<16xi32>], vector<16xf32>, vector<16xi1>
        %parallel_loop3A_951 = arith.extui %parallel_loop3A_941 : vector<16xi1> to vector<16xi32>
        %parallel_loop3A_952 = arith.addi %parallel_loop3A_928, %parallel_loop3A_951 : vector<16xi32>
        %parallel_loop3A_953 = arith.extui %parallel_loop3A_938 : vector<16xi1> to vector<16xi32>
        %parallel_loop3A_954 = arith.addi %parallel_loop3A_929, %parallel_loop3A_953 : vector<16xi32>
        scf.yield %parallel_loop3A_952, %parallel_loop3A_954 : vector<16xi32>, vector<16xi32>
      } {sc.loop_unroll_factor = 8 : i64, sc.parallel_access}
      %mul3A_852 = arith.constant 32 : i32
      %mul3A_853 = arith.muli %scan3A_364, %mul3A_852 : i32
      %add3A_854 = arith.addi %mul3A_853, %add3A : i32
      %min3A_855 = arith.constant 255 : i32
      %min3A_856 = arith.minsi %add3A_854, %min3A_855 : i32
      %jit3A_857 = arith.constant 64 : i32
      %div3A_858 = arith.divsi %min3A_856, %jit3A_857 : i32
      %sign3A_859 = arith.constant 0 : i32
      %sign3A_860 = arith.cmpi sgt, %min3A_856, %sign3A_859 : i32
      %sign3A_861 = arith.extui %sign3A_860 : i1 to i32
      %sign3A_862 = arith.constant 0 : i32
      %sign3A_863 = arith.cmpi slt, %min3A_856, %sign3A_862 : i32
      %sign3A_864 = arith.extui %sign3A_863 : i1 to i32
      %sign3A_865 = arith.subi %sign3A_861, %sign3A_864 : i32
      %sign3A_866 = arith.constant 0 : i32
      %sign3A_867 = arith.cmpi sgt, %jit3A_857, %sign3A_866 : i32
      %sign3A_868 = arith.extui %sign3A_867 : i1 to i32
      %sign3A_869 = arith.constant 0 : i32
      %sign3A_870 = arith.cmpi slt, %jit3A_857, %sign3A_869 : i32
      %sign3A_871 = arith.extui %sign3A_870 : i1 to i32
      %sign3A_872 = arith.subi %sign3A_868, %sign3A_871 : i32
      %ne3A_873 = arith.cmpi ne, %sign3A_865, %sign3A_872 : i32
      %rem3A_874 = arith.remsi %min3A_856, %jit3A_857 : i32
      %ne3A_875 = arith.constant 0 : i32
      %ne3A_876 = arith.cmpi ne, %rem3A_874, %ne3A_875 : i32
      %and3A_877 = arith.andi %ne3A_873, %ne3A_876 : i1
      %sub3A_878 = arith.constant 1 : i32
      %sub3A_879 = arith.subi %div3A_858, %sub3A_878 : i32
      %select_n3A_880 = arith.select %and3A_877, %sub3A_879, %div3A_858 : i32
      %jit3A_881 = arith.constant 64 : i32
      %eq3A_882 = arith.constant 0 : i32
      %eq3A_883 = arith.cmpi eq, %jit3A_881, %eq3A_882 : i32
      %jit3A_884 = arith.constant 1 : i32
      %select_n3A_885 = arith.select %eq3A_883, %jit3A_884, %jit3A_881 : i32
      %rem3A_886 = arith.remsi %min3A_856, %select_n3A_885 : i32
      %ne3A_887 = arith.constant 0 : i32
      %ne3A_888 = arith.cmpi ne, %rem3A_886, %ne3A_887 : i32
      %lt3A_889 = arith.constant 0 : i32
      %lt3A_890 = arith.cmpi slt, %rem3A_886, %lt3A_889 : i32
      %lt3A_891 = arith.constant 0 : i32
      %lt3A_892 = arith.cmpi slt, %select_n3A_885, %lt3A_891 : i32
      %ne3A_893 = arith.xori %lt3A_890, %lt3A_892 : i1
      %and3A_894 = arith.andi %ne3A_893, %ne3A_888 : i1
      %add3A_895 = arith.addi %rem3A_886, %select_n3A_885 : i32
      %select_n3A_896 = arith.select %and3A_894, %add3A_895, %rem3A_886 : i32
      %mul3A_897 = arith.constant 16 : i32
      %mul3A_898 = arith.muli %select_n3A_896, %mul3A_897 : i32
      %jit3A_899 = arith.constant 2 : i32
      %eq3A_900 = arith.constant 0 : i32
      %eq3A_901 = arith.cmpi eq, %jit3A_899, %eq3A_900 : i32
      %jit3A_902 = arith.constant 1 : i32
      %select_n3A_903 = arith.select %eq3A_901, %jit3A_902, %jit3A_899 : i32
      %rem3A_904 = arith.remsi %scan3A_364, %select_n3A_903 : i32
      %ne3A_905 = arith.constant 0 : i32
      %ne3A_906 = arith.cmpi ne, %rem3A_904, %ne3A_905 : i32
      %lt3A_907 = arith.constant 0 : i32
      %lt3A_908 = arith.cmpi slt, %rem3A_904, %lt3A_907 : i32
      %lt3A_909 = arith.constant 0 : i32
      %lt3A_910 = arith.cmpi slt, %select_n3A_903, %lt3A_909 : i32
      %ne3A_911 = arith.xori %lt3A_908, %lt3A_910 : i1
      %and3A_912 = arith.andi %ne3A_911, %ne3A_906 : i1
      %add3A_913 = arith.addi %rem3A_904, %select_n3A_903 : i32
      %select_n3A_914 = arith.select %and3A_912, %add3A_913, %rem3A_904 : i32
      %mul3A_915 = arith.constant 64 : i32
      %mul3A_916 = arith.muli %select_n3A_914, %mul3A_915 : i32
      %dma_start3A_917 = arith.constant 0 : i32
      %dma_start3A_918 = tpu.memref_slice %arg8[%mul3A_916, %dma_start3A_917] : memref<128x16xf32, #tpu.memory_space<vmem>> -> memref<64x16xf32, #tpu.memory_space<vmem>>
      %dma_start3A_919 = arith.constant 0 : i32
      %dma_start3A_920 = tpu.memref_slice %arg3[%select_n3A_880, %dma_start3A_919, %mul3A_898] : memref<4x64x1024xf32, #tpu.memory_space<hbm>> -> memref<1x64x16xf32, #tpu.memory_space<hbm>>
      %dma_start3A_921 = tpu.memref_squeeze %dma_start3A_920 : memref<1x64x16xf32, #tpu.memory_space<hbm>> -> memref<64x16xf32, #tpu.memory_space<hbm>>
      %dma_start3A_922 = arith.constant 0 : i32
      %dma_start3A_923 = tpu.memref_slice %arg3[%select_n3A_880, %dma_start3A_922, %mul3A_898] : memref<4x64x1024xf32, #tpu.memory_space<hbm>> -> memref<1x64x16xf32, #tpu.memory_space<hbm>>
      %dma_start3A_924 = tpu.memref_squeeze %dma_start3A_923 : memref<1x64x16xf32, #tpu.memory_space<hbm>> -> memref<64x16xf32, #tpu.memory_space<hbm>>
      %dma_start3A_925 = arith.constant 0 : i32
      %dma_start3A_926 = tpu.memref_slice %arg8[%mul3A_916, %dma_start3A_925] : memref<128x16xf32, #tpu.memory_space<vmem>> -> memref<64x16xf32, #tpu.memory_space<vmem>>
      tpu.enqueue_dma source(%dma_start3A_926 : memref<64x16xf32, #tpu.memory_space<vmem>>) target(%dma_start3A_924 : memref<64x16xf32, #tpu.memory_space<hbm>>) target_semaphore(%arg11 : memref<!tpu.dma_semaphore, #tpu.memory_space<semaphore_mem>>)
      scf.yield %cond3A_604#1 : vector<16xi32>
    }
    %scan3A_144 = arith.constant 8 : i32
    %add3A_145 = arith.constant 192 : i32
    %add3A_146 = arith.addi %add3A_145, %add3A : i32
    %min3A_147 = arith.constant 255 : i32
    %min3A_148 = arith.minsi %add3A_146, %min3A_147 : i32
    %jit3A_149 = arith.constant 64 : i32
    %div3A_150 = arith.divsi %min3A_148, %jit3A_149 : i32
    %sign3A_151 = arith.constant 0 : i32
    %sign3A_152 = arith.cmpi sgt, %min3A_148, %sign3A_151 : i32
    %sign3A_153 = arith.extui %sign3A_152 : i1 to i32
    %sign3A_154 = arith.constant 0 : i32
    %sign3A_155 = arith.cmpi slt, %min3A_148, %sign3A_154 : i32
    %sign3A_156 = arith.extui %sign3A_155 : i1 to i32
    %sign3A_157 = arith.subi %sign3A_153, %sign3A_156 : i32
    %sign3A_158 = arith.constant 0 : i32
    %sign3A_159 = arith.cmpi sgt, %jit3A_149, %sign3A_158 : i32
    %sign3A_160 = arith.extui %sign3A_159 : i1 to i32
    %sign3A_161 = arith.constant 0 : i32
    %sign3A_162 = arith.cmpi slt, %jit3A_149, %sign3A_161 : i32
    %sign3A_163 = arith.extui %sign3A_162 : i1 to i32
    %sign3A_164 = arith.subi %sign3A_160, %sign3A_163 : i32
    %ne3A_165 = arith.cmpi ne, %sign3A_157, %sign3A_164 : i32
    %rem3A_166 = arith.remsi %min3A_148, %jit3A_149 : i32
    %ne3A_167 = arith.constant 0 : i32
    %ne3A_168 = arith.cmpi ne, %rem3A_166, %ne3A_167 : i32
    %and3A_169 = arith.andi %ne3A_165, %ne3A_168 : i1
    %sub3A_170 = arith.constant 1 : i32
    %sub3A_171 = arith.subi %div3A_150, %sub3A_170 : i32
    %select_n3A_172 = arith.select %and3A_169, %sub3A_171, %div3A_150 : i32
    %jit3A_173 = arith.constant 64 : i32
    %eq3A_174 = arith.constant 0 : i32
    %eq3A_175 = arith.cmpi eq, %jit3A_173, %eq3A_174 : i32
    %jit3A_176 = arith.constant 1 : i32
    %select_n3A_177 = arith.select %eq3A_175, %jit3A_176, %jit3A_173 : i32
    %rem3A_178 = arith.remsi %min3A_148, %select_n3A_177 : i32
    %ne3A_179 = arith.constant 0 : i32
    %ne3A_180 = arith.cmpi ne, %rem3A_178, %ne3A_179 : i32
    %lt3A_181 = arith.constant 0 : i32
    %lt3A_182 = arith.cmpi slt, %rem3A_178, %lt3A_181 : i32
    %lt3A_183 = arith.constant 0 : i32
    %lt3A_184 = arith.cmpi slt, %select_n3A_177, %lt3A_183 : i32
    %ne3A_185 = arith.xori %lt3A_182, %lt3A_184 : i1
    %and3A_186 = arith.andi %ne3A_185, %ne3A_180 : i1
    %add3A_187 = arith.addi %rem3A_178, %select_n3A_177 : i32
    %select_n3A_188 = arith.select %and3A_186, %add3A_187, %rem3A_178 : i32
    %mul3A_189 = arith.constant 16 : i32
    %mul3A_190 = arith.muli %select_n3A_188, %mul3A_189 : i32
    %dma_wait3A = arith.constant 0 : i32
    %dma_wait3A_191 = arith.constant 0 : i32
    %dma_wait3A_192 = tpu.memref_slice %arg8[%dma_wait3A, %dma_wait3A_191] : memref<128x16xf32, #tpu.memory_space<vmem>> -> memref<64x16xf32, #tpu.memory_space<vmem>>
    %dma_wait3A_193 = arith.constant 0 : i32
    %dma_wait3A_194 = tpu.memref_slice %arg3[%select_n3A_172, %dma_wait3A_193, %mul3A_190] : memref<4x64x1024xf32, #tpu.memory_space<hbm>> -> memref<1x64x16xf32, #tpu.memory_space<hbm>>
    %dma_wait3A_195 = tpu.memref_squeeze %dma_wait3A_194 : memref<1x64x16xf32, #tpu.memory_space<hbm>> -> memref<64x16xf32, #tpu.memory_space<hbm>>
    %dma_wait3A_196 = arith.constant 0 : i32
    %dma_wait3A_197 = tpu.memref_slice %arg3[%select_n3A_172, %dma_wait3A_196, %mul3A_190] : memref<4x64x1024xf32, #tpu.memory_space<hbm>> -> memref<1x64x16xf32, #tpu.memory_space<hbm>>
    %dma_wait3A_198 = tpu.memref_squeeze %dma_wait3A_197 : memref<1x64x16xf32, #tpu.memory_space<hbm>> -> memref<64x16xf32, #tpu.memory_space<hbm>>
    %dma_wait3A_199 = arith.constant 0 : i32
    %dma_wait3A_200 = arith.constant 0 : i32
    %dma_wait3A_201 = tpu.memref_slice %arg8[%dma_wait3A_199, %dma_wait3A_200] : memref<128x16xf32, #tpu.memory_space<vmem>> -> memref<64x16xf32, #tpu.memory_space<vmem>>
    tpu.wait_dma2 semaphore(%arg11 : memref<!tpu.dma_semaphore, #tpu.memory_space<semaphore_mem>>) src(%dma_wait3A_201 : memref<64x16xf32, #tpu.memory_space<vmem>>) dst(%dma_wait3A_198 : memref<64x16xf32, #tpu.memory_space<hbm>>)
    %add3A_202 = arith.constant 224 : i32
    %add3A_203 = arith.addi %add3A_202, %add3A : i32
    %min3A_204 = arith.constant 255 : i32
    %min3A_205 = arith.minsi %add3A_203, %min3A_204 : i32
    %jit3A_206 = arith.constant 64 : i32
    %div3A_207 = arith.divsi %min3A_205, %jit3A_206 : i32
    %sign3A_208 = arith.constant 0 : i32
    %sign3A_209 = arith.cmpi sgt, %min3A_205, %sign3A_208 : i32
    %sign3A_210 = arith.extui %sign3A_209 : i1 to i32
    %sign3A_211 = arith.constant 0 : i32
    %sign3A_212 = arith.cmpi slt, %min3A_205, %sign3A_211 : i32
    %sign3A_213 = arith.extui %sign3A_212 : i1 to i32
    %sign3A_214 = arith.subi %sign3A_210, %sign3A_213 : i32
    %sign3A_215 = arith.constant 0 : i32
    %sign3A_216 = arith.cmpi sgt, %jit3A_206, %sign3A_215 : i32
    %sign3A_217 = arith.extui %sign3A_216 : i1 to i32
    %sign3A_218 = arith.constant 0 : i32
    %sign3A_219 = arith.cmpi slt, %jit3A_206, %sign3A_218 : i32
    %sign3A_220 = arith.extui %sign3A_219 : i1 to i32
    %sign3A_221 = arith.subi %sign3A_217, %sign3A_220 : i32
    %ne3A_222 = arith.cmpi ne, %sign3A_214, %sign3A_221 : i32
    %rem3A_223 = arith.remsi %min3A_205, %jit3A_206 : i32
    %ne3A_224 = arith.constant 0 : i32
    %ne3A_225 = arith.cmpi ne, %rem3A_223, %ne3A_224 : i32
    %and3A_226 = arith.andi %ne3A_222, %ne3A_225 : i1
    %sub3A_227 = arith.constant 1 : i32
    %sub3A_228 = arith.subi %div3A_207, %sub3A_227 : i32
    %select_n3A_229 = arith.select %and3A_226, %sub3A_228, %div3A_207 : i32
    %jit3A_230 = arith.constant 64 : i32
    %eq3A_231 = arith.constant 0 : i32
    %eq3A_232 = arith.cmpi eq, %jit3A_230, %eq3A_231 : i32
    %jit3A_233 = arith.constant 1 : i32
    %select_n3A_234 = arith.select %eq3A_232, %jit3A_233, %jit3A_230 : i32
    %rem3A_235 = arith.remsi %min3A_205, %select_n3A_234 : i32
    %ne3A_236 = arith.constant 0 : i32
    %ne3A_237 = arith.cmpi ne, %rem3A_235, %ne3A_236 : i32
    %lt3A_238 = arith.constant 0 : i32
    %lt3A_239 = arith.cmpi slt, %rem3A_235, %lt3A_238 : i32
    %lt3A_240 = arith.constant 0 : i32
    %lt3A_241 = arith.cmpi slt, %select_n3A_234, %lt3A_240 : i32
    %ne3A_242 = arith.xori %lt3A_239, %lt3A_241 : i1
    %and3A_243 = arith.andi %ne3A_242, %ne3A_237 : i1
    %add3A_244 = arith.addi %rem3A_235, %select_n3A_234 : i32
    %select_n3A_245 = arith.select %and3A_243, %add3A_244, %rem3A_235 : i32
    %mul3A_246 = arith.constant 16 : i32
    %mul3A_247 = arith.muli %select_n3A_245, %mul3A_246 : i32
    %dma_wait3A_248 = arith.constant 64 : i32
    %dma_wait3A_249 = arith.constant 0 : i32
    %dma_wait3A_250 = tpu.memref_slice %arg8[%dma_wait3A_248, %dma_wait3A_249] : memref<128x16xf32, #tpu.memory_space<vmem>> -> memref<64x16xf32, #tpu.memory_space<vmem>>
    %dma_wait3A_251 = arith.constant 0 : i32
    %dma_wait3A_252 = tpu.memref_slice %arg3[%select_n3A_229, %dma_wait3A_251, %mul3A_247] : memref<4x64x1024xf32, #tpu.memory_space<hbm>> -> memref<1x64x16xf32, #tpu.memory_space<hbm>>
    %dma_wait3A_253 = tpu.memref_squeeze %dma_wait3A_252 : memref<1x64x16xf32, #tpu.memory_space<hbm>> -> memref<64x16xf32, #tpu.memory_space<hbm>>
    %dma_wait3A_254 = arith.constant 0 : i32
    %dma_wait3A_255 = tpu.memref_slice %arg3[%select_n3A_229, %dma_wait3A_254, %mul3A_247] : memref<4x64x1024xf32, #tpu.memory_space<hbm>> -> memref<1x64x16xf32, #tpu.memory_space<hbm>>
    %dma_wait3A_256 = tpu.memref_squeeze %dma_wait3A_255 : memref<1x64x16xf32, #tpu.memory_space<hbm>> -> memref<64x16xf32, #tpu.memory_space<hbm>>
    %dma_wait3A_257 = arith.constant 64 : i32
    %dma_wait3A_258 = arith.constant 0 : i32
    %dma_wait3A_259 = tpu.memref_slice %arg8[%dma_wait3A_257, %dma_wait3A_258] : memref<128x16xf32, #tpu.memory_space<vmem>> -> memref<64x16xf32, #tpu.memory_space<vmem>>
    tpu.wait_dma2 semaphore(%arg11 : memref<!tpu.dma_semaphore, #tpu.memory_space<semaphore_mem>>) src(%dma_wait3A_259 : memref<64x16xf32, #tpu.memory_space<vmem>>) dst(%dma_wait3A_256 : memref<64x16xf32, #tpu.memory_space<hbm>>)
    %add3A_260 = arith.constant 256 : i32
    %add3A_261 = arith.addi %add3A_260, %add3A : i32
    %min3A_262 = arith.constant 255 : i32
    %min3A_263 = arith.minsi %add3A_261, %min3A_262 : i32
    %jit3A_264 = arith.constant 64 : i32
    %div3A_265 = arith.divsi %min3A_263, %jit3A_264 : i32
    %sign3A_266 = arith.constant 0 : i32
    %sign3A_267 = arith.cmpi sgt, %min3A_263, %sign3A_266 : i32
    %sign3A_268 = arith.extui %sign3A_267 : i1 to i32
    %sign3A_269 = arith.constant 0 : i32
    %sign3A_270 = arith.cmpi slt, %min3A_263, %sign3A_269 : i32
    %sign3A_271 = arith.extui %sign3A_270 : i1 to i32
    %sign3A_272 = arith.subi %sign3A_268, %sign3A_271 : i32
    %sign3A_273 = arith.constant 0 : i32
    %sign3A_274 = arith.cmpi sgt, %jit3A_264, %sign3A_273 : i32
    %sign3A_275 = arith.extui %sign3A_274 : i1 to i32
    %sign3A_276 = arith.constant 0 : i32
    %sign3A_277 = arith.cmpi slt, %jit3A_264, %sign3A_276 : i32
    %sign3A_278 = arith.extui %sign3A_277 : i1 to i32
    %sign3A_279 = arith.subi %sign3A_275, %sign3A_278 : i32
    %ne3A_280 = arith.cmpi ne, %sign3A_272, %sign3A_279 : i32
    %rem3A_281 = arith.remsi %min3A_263, %jit3A_264 : i32
    %ne3A_282 = arith.constant 0 : i32
    %ne3A_283 = arith.cmpi ne, %rem3A_281, %ne3A_282 : i32
    %and3A_284 = arith.andi %ne3A_280, %ne3A_283 : i1
    %sub3A_285 = arith.constant 1 : i32
    %sub3A_286 = arith.subi %div3A_265, %sub3A_285 : i32
    %select_n3A_287 = arith.select %and3A_284, %sub3A_286, %div3A_265 : i32
    %jit3A_288 = arith.constant 64 : i32
    %eq3A_289 = arith.constant 0 : i32
    %eq3A_290 = arith.cmpi eq, %jit3A_288, %eq3A_289 : i32
    %jit3A_291 = arith.constant 1 : i32
    %select_n3A_292 = arith.select %eq3A_290, %jit3A_291, %jit3A_288 : i32
    %rem3A_293 = arith.remsi %min3A_263, %select_n3A_292 : i32
    %ne3A_294 = arith.constant 0 : i32
    %ne3A_295 = arith.cmpi ne, %rem3A_293, %ne3A_294 : i32
    %lt3A_296 = arith.constant 0 : i32
    %lt3A_297 = arith.cmpi slt, %rem3A_293, %lt3A_296 : i32
    %lt3A_298 = arith.constant 0 : i32
    %lt3A_299 = arith.cmpi slt, %select_n3A_292, %lt3A_298 : i32
    %ne3A_300 = arith.xori %lt3A_297, %lt3A_299 : i1
    %and3A_301 = arith.andi %ne3A_300, %ne3A_295 : i1
    %add3A_302 = arith.addi %rem3A_293, %select_n3A_292 : i32
    %select_n3A_303 = arith.select %and3A_301, %add3A_302, %rem3A_293 : i32
    %mul3A_304 = arith.constant 16 : i32
    %mul3A_305 = arith.muli %select_n3A_303, %mul3A_304 : i32
    %dma_wait3A_306 = arith.constant 0 : i32
    %dma_wait3A_307 = tpu.memref_slice %arg2[%select_n3A_287, %dma_wait3A_306, %mul3A_305] : memref<4x4096x1024xf32, #tpu.memory_space<hbm>> -> memref<1x2048x16xf32, #tpu.memory_space<hbm>>
    %dma_wait3A_308 = tpu.memref_squeeze %dma_wait3A_307 : memref<1x2048x16xf32, #tpu.memory_space<hbm>> -> memref<2048x16xf32, #tpu.memory_space<hbm>>
    %dma_wait3A_309 = arith.constant 0 : i32
    %dma_wait3A_310 = tpu.memref_slice %arg2[%select_n3A_287, %dma_wait3A_309, %mul3A_305] : memref<4x4096x1024xf32, #tpu.memory_space<hbm>> -> memref<1x2048x16xf32, #tpu.memory_space<hbm>>
    %dma_wait3A_311 = tpu.memref_squeeze %dma_wait3A_310 : memref<1x2048x16xf32, #tpu.memory_space<hbm>> -> memref<2048x16xf32, #tpu.memory_space<hbm>>
    tpu.wait_dma2 semaphore(%arg9 : memref<!tpu.dma_semaphore, #tpu.memory_space<semaphore_mem>>) src(%dma_wait3A_311 : memref<2048x16xf32, #tpu.memory_space<hbm>>) dst(%arg4 : memref<2048x16xf32, #tpu.memory_space<vmem>>)
    %add3A_312 = arith.constant 256 : i32
    %add3A_313 = arith.addi %add3A_312, %add3A : i32
    %min3A_314 = arith.constant 255 : i32
    %min3A_315 = arith.minsi %add3A_313, %min3A_314 : i32
    %jit3A_316 = arith.constant 64 : i32
    %div3A_317 = arith.divsi %min3A_315, %jit3A_316 : i32
    %sign3A_318 = arith.constant 0 : i32
    %sign3A_319 = arith.cmpi sgt, %min3A_315, %sign3A_318 : i32
    %sign3A_320 = arith.extui %sign3A_319 : i1 to i32
    %sign3A_321 = arith.constant 0 : i32
    %sign3A_322 = arith.cmpi slt, %min3A_315, %sign3A_321 : i32
    %sign3A_323 = arith.extui %sign3A_322 : i1 to i32
    %sign3A_324 = arith.subi %sign3A_320, %sign3A_323 : i32
    %sign3A_325 = arith.constant 0 : i32
    %sign3A_326 = arith.cmpi sgt, %jit3A_316, %sign3A_325 : i32
    %sign3A_327 = arith.extui %sign3A_326 : i1 to i32
    %sign3A_328 = arith.constant 0 : i32
    %sign3A_329 = arith.cmpi slt, %jit3A_316, %sign3A_328 : i32
    %sign3A_330 = arith.extui %sign3A_329 : i1 to i32
    %sign3A_331 = arith.subi %sign3A_327, %sign3A_330 : i32
    %ne3A_332 = arith.cmpi ne, %sign3A_324, %sign3A_331 : i32
    %rem3A_333 = arith.remsi %min3A_315, %jit3A_316 : i32
    %ne3A_334 = arith.constant 0 : i32
    %ne3A_335 = arith.cmpi ne, %rem3A_333, %ne3A_334 : i32
    %and3A_336 = arith.andi %ne3A_332, %ne3A_335 : i1
    %sub3A_337 = arith.constant 1 : i32
    %sub3A_338 = arith.subi %div3A_317, %sub3A_337 : i32
    %select_n3A_339 = arith.select %and3A_336, %sub3A_338, %div3A_317 : i32
    %jit3A_340 = arith.constant 64 : i32
    %eq3A_341 = arith.constant 0 : i32
    %eq3A_342 = arith.cmpi eq, %jit3A_340, %eq3A_341 : i32
    %jit3A_343 = arith.constant 1 : i32
    %select_n3A_344 = arith.select %eq3A_342, %jit3A_343, %jit3A_340 : i32
    %rem3A_345 = arith.remsi %min3A_315, %select_n3A_344 : i32
    %ne3A_346 = arith.constant 0 : i32
    %ne3A_347 = arith.cmpi ne, %rem3A_345, %ne3A_346 : i32
    %lt3A_348 = arith.constant 0 : i32
    %lt3A_349 = arith.cmpi slt, %rem3A_345, %lt3A_348 : i32
    %lt3A_350 = arith.constant 0 : i32
    %lt3A_351 = arith.cmpi slt, %select_n3A_344, %lt3A_350 : i32
    %ne3A_352 = arith.xori %lt3A_349, %lt3A_351 : i1
    %and3A_353 = arith.andi %ne3A_352, %ne3A_347 : i1
    %add3A_354 = arith.addi %rem3A_345, %select_n3A_344 : i32
    %select_n3A_355 = arith.select %and3A_353, %add3A_354, %rem3A_345 : i32
    %mul3A_356 = arith.constant 16 : i32
    %mul3A_357 = arith.muli %select_n3A_355, %mul3A_356 : i32
    %dma_wait3A_358 = arith.constant 2048 : i32
    %dma_wait3A_359 = tpu.memref_slice %arg2[%select_n3A_339, %dma_wait3A_358, %mul3A_357] : memref<4x4096x1024xf32, #tpu.memory_space<hbm>> -> memref<1x2048x16xf32, #tpu.memory_space<hbm>>
    %dma_wait3A_360 = tpu.memref_squeeze %dma_wait3A_359 : memref<1x2048x16xf32, #tpu.memory_space<hbm>> -> memref<2048x16xf32, #tpu.memory_space<hbm>>
    %dma_wait3A_361 = arith.constant 2048 : i32
    %dma_wait3A_362 = tpu.memref_slice %arg2[%select_n3A_339, %dma_wait3A_361, %mul3A_357] : memref<4x4096x1024xf32, #tpu.memory_space<hbm>> -> memref<1x2048x16xf32, #tpu.memory_space<hbm>>
    %dma_wait3A_363 = tpu.memref_squeeze %dma_wait3A_362 : memref<1x2048x16xf32, #tpu.memory_space<hbm>> -> memref<2048x16xf32, #tpu.memory_space<hbm>>
    tpu.wait_dma2 semaphore(%arg10 : memref<!tpu.dma_semaphore, #tpu.memory_space<semaphore_mem>>) src(%dma_wait3A_363 : memref<2048x16xf32, #tpu.memory_space<hbm>>) dst(%arg5 : memref<2048x16xf32, #tpu.memory_space<vmem>>)
    return
  }
}

</mosaic_0001>

<sc_bundles>
// kernel: kernel.3.cloned.1.call-start
scs
__scs_entry_jumppad:
0x0: {  	(pc) =	sbr.rel $0x88, $3  }
0x1: {  	(tag) =	ssettag $0x0;
	lr =	simm.s32 $0x1  }
0x2: {  	[smem:$0x3FA0] =	sst lr;
	_ =	strace $0xD0000000  }
0x3: {  	_ = 	snop  }
0x4: {  	_ = 	snop  }
0x5: {  	_ = 	snop  }
0x6: {  	_ = 	snop  }
0x7: {  	_ = 	snop  }
__scs_overlays_trampoline_lowered:
0x8: {  	[smem:$0x3FAF] =	sst s0  }
0x9: {  	[smem:$0x3FB0] =	sst s1  }
0xa: {  	[smem:$0x3FB1] =	sst s2  }
0xb: {  	[smem:$0x3FB2] =	sst s3  }
0xc: {  	[smem:$0x3FB3] =	sst s4  }
0xd: {  	[smem:$0x3FB4] =	sst s5  }
0xe: {  	[smem:$0x3FB5] =	sst s6  }
0xf: {  	[smem:$0x3FB6] =	sst s7  }
0x10: {  	[smem:$0x3FB7] =	sst s8  }
0x11: {  	[smem:$0x3FB8] =	sst s9;
	s0 =	simm.s32 @!p0 $0x0  }
0x12: {  	s1 =	sld [smem:$0x3F9E];
	s0 =	simm.s32 @p0 $0x1  }
0x13: {  	[smem:$0x3FB9] =	sst s0;
	s0 =	simm.s32 @!p1 $0x0  }
0x14: {  	s2 =	sld [smem:$0x3F9D];
	s0 =	simm.s32 @p1 $0x1  }
0x15: {  	[smem:$0x3FBA] =	sst s0;
	s0 =	simm.s32 @!p2 $0x0  }
0x16: {  	s3 =	sld [smem:$0x3FDB];
	s0 =	simm.s32 @p2 $0x1  }
0x17: {  	s4 =	simm.s32 $0x1BF5;
	[smem:$0x3FBC] =	sst s0  }
0x18: {  	s0 =	sld [smem:$0x3F9F];
	_ =	swait.ge [sflag:s4], $0x0  }
0x19: {  	s7 =	sld [smem:$0x3FA0]  }
0x1a: {  	s8 =	sadd.s32 $0xFFFFE003, lr  }
0x1b: {  	s9 =	sadd.s32 $0xFFFFFEF7, lr;
	s5 =	simm.s32 $0xFFFFFFFF;
	p2 =	slt.u32 s8, $0xFFFFF086  }
0x1c: {  	p1 =	slt.u32 s9, $0xF7A;
	s5 =	simm.s32 @!p2 $0x0  }
0x1d: {  	s5 =	simm.s32 @p1 $0x1;
	p0 =	seq.s32 s7, s2  }
0x1e: {  	s7 =	smul.u32 @!p0 $0xF7A, s2;
	p2 =	seq.s32 @!p0 s5, $0x0  }
0x1f: {  	s9 =	smul.u32 $0xF7A, s1;
	s8 =	simm.s32 @!p0 $0x1BF5;
	p2 =	por !p2, p0  }
0x20: {  	[sflag:s8] =	ssyncset.s32 @!p0 $0xFFFFF086;
	s6 =	sadd.s32 @!p0 s3, s7;
	s7 =	simm.s32 @!p0 $0x108  }
0x21: {  	s3 =	sadd.s32 s3, s9;
	s6 =	sadd.s32 @!p0 $0x88, s6;
	s7 =	simm.s32 @p2 $0x1082  }
0x22: {  	[simem:s7], [sflag:s8] =	dma.local @!p0 [hbm:s6], $0xF7A  }
0x23: {  	s9 =	sor.u32 $0xD0000000, s2;
	s6 =	simm.s32 $0x108;
	_ =	swait.ge @!p0 [sflag:s8], $0x0  }
0x24: {  	s3 =	sadd.s32 $0x88, s3;
	s6 =	simm.s32 @!p1 $0x1082;
	[sflag:s4] =	ssyncset.s32 $0xFFFFF086  }
0x25: {  	[simem:s6], [sflag:s4] =	dma.local [hbm:s3], $0xF7A  }
0x26: {  	[smem:$0x3FA0] =	sst s1;
	(tag) =	ssettag s2;
	_ =	strace s9  }
0x27: {  	s1 =	sld [smem:$0x3FB0]  }
0x28: {  	s2 =	sld [smem:$0x3FB1]  }
0x29: {  	s4 =	sld [smem:$0x3FB3]  }
0x2a: {  	p0 =	seq.s32 s5, $0x0;
	s5 =	sld [smem:$0x3FB4]  }
0x2b: {  	s6 =	sld [smem:$0x3FB5]  }
0x2c: {  	s7 =	sld [smem:$0x3FB6]  }
0x2d: {  	s3 =	simm.s32 $0x108;
	s8 =	sld [smem:$0x3FB7]  }
0x2e: {  	s3 =	simm.s32 @!p0 $0x1082;
	s9 =	sld [smem:$0x3FB8]  }
0x2f: {  	lr =	sadd.s32 s0, s3;
	s0 =	sld [smem:$0x3FAF]  }
0x30: {  	s3 =	sld [smem:$0x3FB2]  }
0x31: {  	[smem:$0x3FBB] =	sst s10  }
0x32: {  	s10 =	sld [smem:$0x3FB9];
	_ =	sdelay $0x3  }
0x33: {  	p0 =	seq.s32 s10, $0x1;
	s10 =	sld [smem:$0x3FBB];
	_ =	sdelay $0x3  }
0x34: {  	[smem:$0x3FBB] =	sst s10  }
0x35: {  	s10 =	sld [smem:$0x3FBA];
	_ =	sdelay $0x3  }
0x36: {  	p1 =	seq.s32 s10, $0x1;
	s10 =	sld [smem:$0x3FBB];
	_ =	sdelay $0x3  }
0x37: {  	[smem:$0x3FBB] =	sst s10  }
0x38: {  	s10 =	sld [smem:$0x3FBC]  }
0x39: {  	_ = 	snop;
	(pc) =	sbr.ind lr, $3  }
0x3a: {  	_ = 	snop  }
0x3b: {  	_ = 	snop  }
0x3c: {  	p2 =	seq.s32 s10, $0x1;
	s10 =	sld [smem:$0x3FBB]  }
0x3d: {  	_ =	shalt  }
0x3e: {  	_ =	shalt  }
0x3f: {  	_ =	shalt  }
0x40: {  	_ =	shalt  }
0x41: {  	_ =	shalt  }
0x42: {  	_ =	shalt  }
0x43: {  	_ =	shalt  }
0x44: {  	_ =	shalt  }
0x45: {  	_ =	shalt  }
0x46: {  	_ =	shalt  }
0x47: {  	_ =	shalt  }
0x48: {  	_ =	shalt  }
0x49: {  	_ =	shalt  }
0x4a: {  	_ =	shalt  }
0x4b: {  	_ =	shalt  }
0x4c: {  	_ =	shalt  }
0x4d: {  	_ =	shalt  }
0x4e: {  	_ =	shalt  }
0x4f: {  	_ =	shalt  }
0x50: {  	_ =	shalt  }
0x51: {  	_ =	shalt  }
0x52: {  	_ =	shalt  }
0x53: {  	_ =	shalt  }
0x54: {  	_ =	shalt  }
0x55: {  	_ =	shalt  }
0x56: {  	_ =	shalt  }
0x57: {  	_ =	shalt  }
0x58: {  	_ =	shalt  }
0x59: {  	_ =	shalt  }
0x5a: {  	_ =	shalt  }
0x5b: {  	_ =	shalt  }
0x5c: {  	_ =	shalt  }
0x5d: {  	_ =	shalt  }
0x5e: {  	_ =	shalt  }
0x5f: {  	_ =	shalt  }
0x60: {  	_ =	shalt  }
0x61: {  	_ =	shalt  }
0x62: {  	_ =	shalt  }
0x63: {  	_ =	shalt  }
0x64: {  	_ =	shalt  }
0x65: {  	_ =	shalt  }
0x66: {  	_ =	shalt  }
0x67: {  	_ =	shalt  }
0x68: {  	_ =	shalt  }
0x69: {  	_ =	shalt  }
0x6a: {  	_ =	shalt  }
0x6b: {  	_ =	shalt  }
0x6c: {  	_ =	shalt  }
0x6d: {  	_ =	shalt  }
0x6e: {  	_ =	shalt  }
0x6f: {  	_ =	shalt  }
0x70: {  	_ =	shalt  }
0x71: {  	_ =	shalt  }
0x72: {  	_ =	shalt  }
0x73: {  	_ =	shalt  }
0x74: {  	_ =	shalt  }
0x75: {  	_ =	shalt  }
0x76: {  	_ =	shalt  }
0x77: {  	_ =	shalt  }
0x78: {  	_ =	shalt  }
0x79: {  	_ =	shalt  }
0x7a: {  	_ =	shalt  }
0x7b: {  	_ =	shalt  }
0x7c: {  	_ =	shalt  }
0x7d: {  	_ =	shalt  }
0x7e: {  	_ =	shalt  }
0x7f: {  	_ =	shalt  }
0x80: {  	_ =	shalt  }
0x81: {  	_ =	shalt  }
0x82: {  	_ =	shalt  }
0x83: {  	_ =	shalt  }
0x84: {  	_ =	shalt  }
0x85: {  	_ =	shalt  }
0x86: {  	_ =	shalt  }
0x87: {  	_ =	shalt  }
.Lfunc_end0:
.L_simem_size_0:
called_computation.1_lowered:
.L_overlay_start_0:
0x88: {  	s2 =	sld [smem:$0x3FD9]  }
0x89: {  	s3 =	sld [smem:$0x3FFE];
	_ =	sdelay $0x1  }
0x8a: {  	s1 =	srdreg.scid  }
0x8b: {  	s0 =	sand.u32 $0x1, s1  }
0x8c: {  	s16 =	sshll.u32 s0, $0xA;
	s2 =	sadd.s32 s3, s2  }
0x8d: {  	s2 =	sadd.s32 s2, s16  }
0x8e: {  	[smem:$0x3FC7] =	sst s2  }
0x8f: {  	_ = 	snop  }
0x90: {  	(tm) =	ssettm $0x1  }
0x91: {  	s17 =	sld [smem:$0x3FFB];
	_ =	sdelay $0x3  }
0x92: {  	_ =	strace s17  }
0x93: {  	s2 =	sld [smem:$0x3FFC];
	_ =	sdelay $0x3  }
0x94: {  	_ =	strace s2  }
0x95: {  	s2 =	sld [smem:$0x3FFD];
	_ =	sdelay $0x3  }
0x96: {  	_ =	strace s2  }
0x97: {  	_ =	strace $0x8FFFFFFF  }
0x98: {  	s18 =	sld [smem:$0x3FDB];
	_ =	sdelay $0x1  }
0x99: {  	s19 =	simm.s32 $_scs_section_size  }
0x9a: {  	s4 =	simm.s32 $_size__tile_overlayer_lowered;
	s5 =	simm.s32 $_tile_overlayer_lowered  }
0x9b: {  	s22 =	simm.s32 $0x1BFF;
	s21 =	sshll.u32 s5, $0x1;
	s2 =	sadd.s32 s19, s18  }
0x9c: {  	s6 =	simm.s32 $0x0;
	s20 =	sshll.u32 s4, $0x1;
	s4 =	sadd.s32 s21, s2  }
0x9d: {  	[timem:s6], [sflag:s22] =	dma.local [hbm:s4], s20  }
0x9e: {  	_ =	swait.ge [sflag:s22], s20  }
0x9f: {  	s3 =	ssub.s32 $0x0, s20;
	[sflag:s22] =	ssyncset.done $0x0  }
0xa0: {  	[sflag:s22] =	ssyncadd.s32 s3;
	_ =	sdelay $0x1  }
0xa1: {  	s23 =	simm.s32 $0x1B8B  }
0xa2: {  	_ =	swait.ge [sflag:s23], $0x1  }
0xa3: {  	[sflag:s23] =	ssyncset.done $0x0  }
0xa4: {  	s25 =	simm.s32 $0x1B8E;
	s24 =	sld [smem:$0x3FFE];
	[sflag:s23] =	ssyncadd.s32 $0xFFFFFFFF  }
0xa5: {  	s26 =	simm.s32 $execute0_lowered;
	[smem:$0x3FD2] =	sst s25  }
0xa6: {  	s4 =	sshll.u32 s26, $0x1;
	_ =	strace $0x80000049;
	[dreg:$0x1] =	wrdreg $0xFFFFFFFF  }
0xa7: {  	s28 =	simm.s32 $_size_execute0_lowered;
	s2 =	sadd.s32 s2, s4;
	[dreg:$0x0] =	wrdreg $0x0  }
0xa8: {  	s4 =	sshll.u32 s28, $0x1;
	[dreg:$0x2] =	wrdreg s2  }
0xa9: {  	[dreg:$0x3] =	wrdreg s4  }
0xaa: {  	[dreg:$0x4] =	wrdreg $0xC0  }
0xab: {  	_ =	task [dreg:s6], $0x5FFFF  }
0xac: {  	[dreg:$0x1] =	wrdreg $0xFFFFFFFF  }
0xad: {  	[dreg:$0x0] =	wrdreg $0x60  }
0xae: {  	[dreg:$0x2] =	wrdreg s24  }
0xaf: {  	[dreg:$0x3] =	wrdreg $0x9  }
0xb0: {  	_ =	task.clear_ibuf [dreg:s6], $0x4FFFF;
	_ =	strace $0x90000049  }
0xb1: {  	s29 =	simm.s32 $0x9;
	_ =	strace $0x8000004B  }
0xb2: {  	_ =	swait.ge [sflag:s29], $0x1  }
0xb3: {  	[sflag:s29] =	ssyncadd.s32 $0xFFFFFFFF  }
0xb4: {  	_ =	strace $0x9000004B  }
0xb5: {  	_ =	sfence  }
0xb6: {  	s30 =	sld [smem:$0x0];
	_ =	sdelay $0x2  }
0xb7: {  	s31 =	sshll.u32 s1, $0xD;
	s1 =	sshrl.u32 s1, $0x2  }
0xb8: {  	s3 =	sand.u32 $0x4000, s31;
	s1 =	sadd.s32 s1, s30  }
0xb9: {  	s0 =	sor.u32 s3, s0;
	s1 =	sshll.u32 s1, $0x11  }
0xba: {  	s0 =	sor.u32 s1, s0  }
0xbb: {  	s0 =	sadd.s32 $0x8F2B, s0  }
0xbc: {  	[sflag:s0] =	ssyncadd.remote.s32 $0x1  }
0xbd: {  	_ =	sfence.sel $0xFFFF  }
0xbe: {  	[dreg:$0x0] =	wrdreg $0xFFFFFFFF;
	(pc) =	sbr.abs _section_cstart, $3  }
0xbf: {  	[dreg:$0x1] =	wrdreg $0xFFFFFFFF  }
0xc0: {  	_ =	task.clear_ibuf [dreg:s6], $0x2FFFF;
	_ =	strace $0x9FFFFFFF  }
0xc1: {  	(tm) =	ssettm $0x7FFFFFFF  }
tec
execute0_lowered:
.L_overlay_start_1:
0x0: {  	(tag) =	ssettag $0x1  }
0x1: {  	s0 =	rddreg [dreg:$0x0]  }
0x2: {  	s1 =	simm.s32 $0x0;
	s24 =	srdreg.scid;
	s2 =	stileid.u32  }
0x3: {  	s15 =	simm.s32 $0x10;
	s16 =	simm.s32 $0x400;
	s17 =	simm.s32 $0x4000  }
0x4: {  	s18 =	simm.s32 $0x8000;
	s19 =	simm.s32 $0xC000;
	s20 =	simm.s32 $0x1  }
0x5: {  	s21 =	simm.s32 $0x10000;
	s22 =	simm.s32 $0x2;
	s23 =	simm.s32 $0x18000  }
0x6: {  	[smem:$0x7FF] =	sst s1;
	s1 =	sand.u32 $0x1, s24;
	s4 =	sshll.u32 s2, $0x1  }
0x7: {  	s3 =	sadd.s32 $0x800, s0;
	s8 =	sadd.s32 $0x20800, s0;
	s4 =	sor.u32 s1, s4  }
0x8: {  	s10 =	sadd.s32 $0x40800, s0;
	s11 =	sadd.s32 $0x60800, s0;
	s6 =	sshll.u32 s4, $0x1  }
0x9: {  	_ =	strace $0x8000004A;
	s7 =	ssub.s32 $0x2, s1;
	s26 =	sadd.s32 s3, s6  }
.Ltmp0:
0xa: {  	s28 =	sadd.s32 s6, s8;
	[dreg:$0x2] =	wrdreg s26;
	(pc) =	sbr.rel .LBB2_1-.Ltmp0, $4  }
0xb: {  	s25 =	sshrl.u32 s7, $0x1;
	s29 =	sadd.s32 s6, s10;
	[dreg:$0x3] =	wrdreg s28  }
0xc: {  	s1 =	ssub.s32 s7, s25;
	s30 =	sadd.s32 s6, s11;
	[dreg:$0x4] =	wrdreg s29  }
0xd: {  	v0 =	vlaneseq.u32;
	v1 =	vimm.s32 $0x0;
	s5 =	sadd.s32 $0x200800, s0;
	[dreg:$0x5] =	wrdreg s30;
	s31 =	smax.u32 s1, $0x1  }
0xe: {  	v3 =	vimm.s32 $0x1;
	v4 =	vimm.f32 $0.0e+00;
	v2 =	vor.u32 $0x800, v0;
	s24 =	simm.s32 $0x19000;
	s1 =	simm.s32 $0x0;
	[dreg:$0x6] =	wrdreg s31  }
.LBB2_40:
0xf: {  	s0 =	simm.s32 $0x3  }
0x10: {  	_ =	swait.ge [sflag:s0], $0x400  }
0x11: {  	[sflag:s0] =	ssyncset.done $0x0  }
0x12: {  	[sflag:s0] =	ssyncadd.s32 $0xFFFFFC00  }
0x13: {  	_ =	swait.ge [sflag:s0], $0x400  }
0x14: {  	[sflag:s0] =	ssyncset.done $0x0  }
0x15: {  	[sflag:s0] =	ssyncadd.s32 $0xFFFFFC00  }
0x16: {  	_ =	swait.ge [sflag:s20], $0x8000  }
0x17: {  	[sflag:s20] =	ssyncset.done $0x0  }
0x18: {  	[sflag:s20] =	ssyncadd.s32 $0xFFFF8000  }
0x19: {  	_ =	swait.ge [sflag:s22], $0x8000  }
0x1a: {  	s1 =	rddreg [dreg:$0x7]  }
0x1b: {  	s31 =	rddreg [dreg:$0x6];
	s1 =	sadd.s32 $0x1, s1  }
0x1c: {  	p0 =	sne.s32 s1, s31  }
.Ltmp1:
0x1d: {  	_ = 	snop;
	(pc) =	sbr.rel @!p0 .LBB2_41-.Ltmp1, $3  }
0x1e: {  	_ =	sdelay $0x1  }
0x1f: {  	[sflag:s22] =	ssyncset.done $0x0  }
0x20: {  	[sflag:s22] =	ssyncadd.s32 $0xFFFF8000  }
.LBB2_1:
0x21: {  	[dreg:$0x7] =	wrdreg s1;
	s0 =	simm.s32 $0x40;
	s1 =	simm.s32 $0x0  }
.LBB2_2:
0x22: {  	p0 =	sne.s32 s0, $0x3FC0;
	[tilespmem:s1+$0x18000] =	vst v1;
	s1 =	smov.u32 s0;
	s0 =	sadd.s32 $0x40, s0  }
.Ltmp2:
0x23: {  	(pc) =	sbr.rel @p0 .LBB2_2-.Ltmp2, $2  }
0x24: {  	_ =	sdelay $0x2  }
0x25: {  	s1 =	sshra.s32 s1, $0x2  }
0x26: {  	[tilespmem:s1+$0x18000] =	vst v1;
	s29 =	simm.s32 $0x0;
	s0 =	rddreg [dreg:$0x2]  }
0x27: {  	[tilespmem:s29], [sflag:$0x1] =	stream.strided.gather [hbm4b:s0+s15], $0x4000, s16, s15, $0x38;
	[tilespmem:$0x19800] =	vst v63  }
0x28: {  	s28 =	rddreg [dreg:$0x3]  }
0x29: {  	[tilespmem:s17], [sflag:$0x1] =	stream.strided.gather [hbm4b:s28+s15], $0x4000, s16, s15, $0x38;
	[tilespmem:$0x19800] =	vst v63  }
.Ltmp3:
0x2a: {  	_ = 	snop;
	(pc) =	sbr.rel .LBB2_4-.Ltmp3, $4  }
0x2b: {  	s30 =	rddreg [dreg:$0x4]  }
0x2c: {  	[tilespmem:s18], [sflag:$0x2] =	stream.strided.gather [hbm4b:s30+s15], $0x4000, s16, s15, $0x38;
	[tilespmem:$0x19800] =	vst v63  }
0x2d: {  	s31 =	rddreg [dreg:$0x5]  }
0x2e: {  	v6 =	vimm.s32 $0xC0;
	[tilespmem:s19], [sflag:$0x2] =	stream.strided.gather [hbm4b:s31+s15], $0x4000, s16, s15, $0x38;
	[tilespmem:$0x19800] =	vst v63  }
.LBB2_38:
0x2f: {  	_ =	sdelay $0x4  }
0x30: {  	[tilespmem:v22+s24+$0x0] =	vst.idx.msk vm6, v18  }
0x31: {  	[tilespmem:v21+s24+$0x0] =	vst.idx.msk vm2, v16  }
0x32: {  	v5 =	vsel vm3, v12, v10;
	[tilespmem:v17+s24+$0x0] =	vst.idx.msk vm7, v14  }
0x33: {  	[tilespmem:v20+s24+$0x0] =	vst.idx.msk vm9, v5;
	v5 =	vsel vm0, v23, v11  }
0x34: {  	[tilespmem:v15+s24+$0x0] =	vst.idx.msk vm1, v5  }
.LBB2_39:
0x35: {  	p0 =	seq.s32 s29, $0x8  }
.Ltmp4:
0x36: {  	s1 =	sshll.u32 s28, $0xC;
	(pc) =	sbr.rel @p0 .LBB2_40-.Ltmp4, $4  }
0x37: {  	s1 =	sand.u32 $0x6000, s1  }
0x38: {  	s2 =	sadd.s32 s5, s0;
	s31 =	sshll.u32 s0, $0x4;
	s1 =	sor.u32 s1, s6  }
0x39: {  	s0 =	sor.u32 $0x19000, s31;
	s1 =	sadd.s32 s1, s2  }
0x3a: {  	[hbm4b:s1+s15] =	stream.strided.scatter [tilespmem:s0], [sflag:$0x3], $0x400, s16, s15, $0x38;
	[tilespmem:$0x19800] =	vst v63  }
.LBB2_4:
0x3b: {  	p0 =	slt.u32 s29, $0x2  }
0x3c: {  	s0 =	simm.s32 @!p0 $0x3  }
0x3d: {  	_ =	swait.ge @!p0 [sflag:s0], $0x400  }
0x3e: {  	[sflag:s0] =	ssyncset.done @!p0 $0x0  }
0x3f: {  	[sflag:s0] =	ssyncadd.s32 @!p0 $0xFFFFFC00  }
0x40: {  	_ =	swait.ge [sflag:s20], $0x8000  }
0x41: {  	[sflag:s20] =	ssyncset.done $0x0  }
0x42: {  	s30 =	simm.s32 $0x40;
	[sflag:s20] =	ssyncadd.s32 $0xFFFF8000  }
0x43: {  	v27 =	vld [tilespmem:s30+$0xFFFFFFC0]  }
0x44: {  	v11 =	vld [tilespmem:s30+$0xFFFFFFF0]  }
0x45: {  	v19 =	vld [tilespmem:s30+$0xFFFFFFD0]  }
0x46: {  	v5 =	vadd.s32 $0xFFFFFF80, v6;
	v20 =	vld [tilespmem:s30+$0xFFFFFFE0]  }
0x47: {  	vm0 =	vgt.s32 v5, $0x0;
	v21 =	vld [tilespmem:s30+$0x0]  }
0x48: {  	v5 =	vnsel vm0, $0x0, v5;
	v23 =	vld [tilespmem:s30+$0x10]  }
0x49: {  	v6 =	vshll.u32 v5, $0x18;
	v5 =	vld [tilespmem:s30+$0x20];
	_ =	sdelay $0x1  }
0x4a: {  	v22 =	vimm.s32 $0x0  }
0x4b: {  	vm0 =	vge.f32 v27, v6;
	vm4 =	vge.f32 v11, v6;
	vm10 =	vge.f32 v19, v6  }
0x4c: {  	vm13 =	vge.f32 v20, v6;
	vm12 =	vge.f32 v21, v6;
	vm14 =	vge.f32 v23, v6  }
0x4d: {  	vm2 =	vge.f32 v5, v6;
	v7 =	vsel vm0, $0x1, v1;
	v8 =	vsel vm4, $0x1, v1  }
0x4e: {  	v9 =	vsel vm10, $0x1, v1;
	v10 =	vsel vm13, $0x1, v1;
	v13 =	vadd.s32 v7, v22;
	v7 =	vld [tilespmem:s30+$0x30]  }
0x4f: {  	v12 =	vsel vm12, $0x1, v1;
	vm15 =	vmmov vm0;
	v9 =	vadd.s32 v9, v13  }
0x50: {  	vm0 =	vmmov vm4;
	vm1 =	vlt.s32 v13, $0x7FF;
	v14 =	vadd.s32 v10, v9  }
0x51: {  	v10 =	vsel vm14, $0x1, v1;
	v13 =	vnsel vm1, $0x7FF, v13;
	v15 =	vadd.s32 v8, v14  }
0x52: {  	v8 =	vsel vm2, $0x1, v1;
	vm4 =	vlt.s32 v14, $0x7FF;
	v16 =	vadd.s32 v12, v15  }
0x53: {  	vm5 =	vlt.s32 v15, $0x7FF;
	vm3 =	vge.f32 v7, v6;
	v10 =	vadd.s32 v10, v16  }
0x54: {  	vm6 =	vlt.s32 v16, $0x7FF;
	vm7 =	vlt.s32 v10, $0x7FF;
	v24 =	vadd.s32 v8, v10  }
0x55: {  	v12 =	vsel vm3, $0x1, v1;
	v25 =	vnsel vm7, $0x7FF, v10;
	vm9 =	vlt.s32 v24, $0x7FF  }
0x56: {  	s31 =	simm.s32 $0xC0;
	v12 =	vadd.s32 v12, v24;
	vm7 =	vlt.s32 v9, $0x7FF;
	v10 =	vnsel vm5, $0x7FF, v15  }
0x57: {  	v8 =	vld [tilespmem:s31+$0xFFFFFFC0];
	v15 =	vnsel vm6, $0x7FF, v16;
	vm6 =	vmmov vm2;
	vm5 =	vmmov vm3  }
0x58: {  	vm2 =	vlt.s32 v22, $0x7FF;
	v16 =	vshll.u32 v10, $0x4;
	v15 =	vshll.u32 v15, $0x4;
	v10 =	vld [tilespmem:s31+$0x0]  }
0x59: {  	v17 =	vnsel vm7, $0x7FF, v9;
	v9 =	vld [tilespmem:s31+$0xFFFFFFF0];
	v35 =	vnsel vm2, $0x7FF, v22;
	v26 =	vor.u32 v0, v16  }
0x5a: {  	v28 =	vor.u32 v0, v15;
	v15 =	vshll.u32 v17, $0x4;
	v16 =	vnsel vm4, $0x7FF, v14;
	v14 =	vld [tilespmem:s31+$0xFFFFFFE0]  }
0x5b: {  	v24 =	vnsel vm9, $0x7FF, v24;
	v38 =	vshll.u32 v25, $0x4;
	v29 =	vor.u32 v0, v15;
	v15 =	vld [tilespmem:s31+$0xFFFFFFD0]  }
0x5c: {  	v17 =	vshll.u32 v13, $0x4;
	v13 =	vld [tilespmem:s31+$0x10];
	v35 =	vshll.u32 v35, $0x4;
	vm8 =	vge.f32 v8, v6  }
0x5d: {  	v16 =	vshll.u32 v16, $0x4;
	v30 =	vor.u32 v0, v17;
	v17 =	vsel vm8, $0x1, v1  }
0x5e: {  	v62 =	vor.u32 v0, v35;
	v31 =	vor.u32 v0, v16;
	v18 =	vadd.s32 v17, v12  }
0x5f: {  	v16 =	vld [tilespmem:s31+$0x20];
	vm11 =	vge.f32 v9, v6;
	vm4 =	vge.f32 v10, v6;
	vm7 =	vlt.s32 v18, $0x7FF  }
0x60: {  	v17 =	vld [tilespmem:s31+$0x30];
	vm1 =	vge.f32 v14, v6;
	v32 =	vsel vm11, $0x1, v1;
	vm2 =	vge.f32 v15, v6  }
0x61: {  	v34 =	vsel vm4, $0x1, v1;
	vm3 =	vge.f32 v13, v6;
	v22 =	vsel vm2, $0x1, v1  }
0x62: {  	[tilespmem:v28+s21+$0x0] =	vst.idx.msk vm14, v23;
	v23 =	vshll.u32 v24, $0x4;
	v33 =	vsel vm1, $0x1, v1;
	v22 =	vadd.s32 v22, v18  }
0x63: {  	[tilespmem:v26+s21+$0x0] =	vst.idx.msk vm12, v21;
	v24 =	vor.u32 v0, v38;
	v36 =	vsel vm3, $0x1, v1;
	v21 =	vadd.s32 v33, v22  }
0x64: {  	v23 =	vor.u32 v0, v23;
	vm9 =	vge.f32 v16, v6;
	v25 =	vadd.s32 v32, v21  }
0x65: {  	[tilespmem:v29+s21+$0x0] =	vst.idx.msk vm13, v20;
	v37 =	vsel vm9, $0x1, v1;
	vm12 =	vge.f32 v17, v6;
	v26 =	vadd.s32 v34, v25  }
0x66: {  	[tilespmem:v30+s21+$0x0] =	vst.idx.msk vm10, v19;
	v63 =	vsel vm12, $0x1, v1;
	vm14 =	vlt.s32 v25, $0x7FF;
	v20 =	vadd.s32 v36, v26  }
0x67: {  	[tilespmem:v31+s21+$0x0] =	vst.idx.msk vm0, v11;
	vm0 =	vlt.s32 v26, $0x7FF;
	vm10 =	vlt.s32 v20, $0x7FF;
	v19 =	vadd.s32 v37, v20  }
0x68: {  	s28 =	smov.u32 s29;
	s1 =	simm.s32 $0x140;
	s0 =	simm.s32 $0x8;
	[tilespmem:v62+s21+$0x0] =	vst.idx.msk vm15, v27;
	v20 =	vnsel vm10, $0x7FF, v20;
	vm10 =	vlt.s32 v19, $0x7FF;
	v11 =	vadd.s32 v63, v19  }
.LBB2_5:
0x69: {  	vm15 =	vlt.s32 v22, $0x7FF;
	v25 =	vnsel vm14, $0x7FF, v25  }
0x6a: {  	v27 =	vld [tilespmem:s1+$0xFFFFFFC0];
	s0 =	sadd.s32 $0x8, s0;
	v26 =	vnsel vm0, $0x7FF, v26;
	vm13 =	vmmov vm8;
	vm14 =	vmmov vm11  }
0x6b: {  	vm0 =	vlt.s32 v21, $0x7FF;
	v28 =	vld [tilespmem:s1+$0x10];
	p0 =	slt.u32 s0, $0x7F8;
	v25 =	vshll.u32 v25, $0x4;
	v26 =	vshll.u32 v26, $0x4;
	[tilespmem:v24+s21+$0x0] =	vst.idx.msk vm6, v5;
	v5 =	vmovc v16  }
0x6c: {  	v16 =	vnsel vm15, $0x7FF, v22;
	v24 =	vld [tilespmem:s1+$0x0];
	v22 =	vor.u32 v0, v25;
	v25 =	vor.u32 v0, v26;
	[tilespmem:v23+s21+$0x0] =	vst.idx.msk vm5, v7  }
0x6d: {  	v18 =	vnsel vm7, $0x7FF, v18;
	v21 =	vnsel vm0, $0x7FF, v21;
	v16 =	vshll.u32 v16, $0x4;
	v7 =	vmovc v17;
	v23 =	vld [tilespmem:s1+$0xFFFFFFF0]  }
0x6e: {  	v17 =	vshll.u32 v18, $0x4;
	v29 =	vor.u32 v0, v16;
	v16 =	vshll.u32 v21, $0x4;
	v26 =	vld [tilespmem:s1+$0xFFFFFFE0]  }
0x6f: {  	v30 =	vor.u32 v0, v17;
	v31 =	vor.u32 v0, v16;
	vm8 =	vge.f32 v27, v6;
	v21 =	vld [tilespmem:s1+$0xFFFFFFD0]  }
0x70: {  	vm6 =	vmmov vm9;
	vm5 =	vmmov vm12;
	v17 =	vsel vm8, $0x1, v1;
	v16 =	vld [tilespmem:s1+$0x20]  }
0x71: {  	v18 =	vadd.s32 v17, v11;
	[tilespmem:v22+s21+$0x0] =	vst.idx.msk vm4, v10;
	v10 =	vmov v24  }
0x72: {  	vm0 =	vlt.s32 v12, $0x7FF;
	vm7 =	vlt.s32 v18, $0x7FF;
	vm11 =	vge.f32 v23, v6;
	[tilespmem:v25+s21+$0x0] =	vst.idx.msk vm3, v13;
	v13 =	vmovc v28  }
0x73: {  	vm4 =	vge.f32 v10, v6;
	v24 =	vsel vm11, $0x1, v1;
	[tilespmem:v29+s21+$0x0] =	vst.idx.msk vm1, v14;
	vm1 =	vge.f32 v26, v6  }
0x74: {  	v28 =	vsel vm4, $0x1, v1;
	vm3 =	vge.f32 v13, v6;
	v14 =	vmovc v26;
	v25 =	vsel vm1, $0x1, v1;
	v17 =	vld [tilespmem:s1+$0x30];
	[tilespmem:v30+s21+$0x0] =	vst.idx.msk vm2, v15  }
0x75: {  	vm2 =	vge.f32 v21, v6;
	v29 =	vsel vm3, $0x1, v1;
	vm9 =	vge.f32 v16, v6;
	[tilespmem:v31+s21+$0x0] =	vst.idx.msk vm14, v9  }
0x76: {  	v26 =	vnsel vm0, $0x7FF, v12;
	v15 =	vmovc v21;
	v22 =	vsel vm2, $0x1, v1;
	v9 =	vmovc v23;
	v30 =	vsel vm9, $0x1, v1  }
0x77: {  	v20 =	vshll.u32 v20, $0x4;
	v12 =	vmovc v11;
	v23 =	vshll.u32 v26, $0x4;
	v22 =	vadd.s32 v22, v18  }
0x78: {  	v11 =	vnsel vm10, $0x7FF, v19;
	v31 =	vor.u32 v0, v23;
	v21 =	vadd.s32 v25, v22  }
.Ltmp5:
0x79: {  	v11 =	vshll.u32 v11, $0x4;
	v25 =	vadd.s32 v24, v21;
	vm12 =	vge.f32 v17, v6;
	(pc) =	sbr.rel @p0 .LBB2_5-.Ltmp5, $4  }
0x7a: {  	v24 =	vor.u32 v0, v20;
	v26 =	vadd.s32 v28, v25;
	v28 =	vsel vm12, $0x1, v1  }
0x7b: {  	v23 =	vor.u32 v0, v11;
	vm14 =	vlt.s32 v25, $0x7FF;
	v20 =	vadd.s32 v29, v26  }
0x7c: {  	vm0 =	vlt.s32 v26, $0x7FF;
	vm10 =	vlt.s32 v20, $0x7FF;
	v19 =	vadd.s32 v30, v20  }
0x7d: {  	s1 =	sadd.s32 $0x80, s1;
	v20 =	vnsel vm10, $0x7FF, v20;
	vm10 =	vlt.s32 v19, $0x7FF;
	v11 =	vadd.s32 v28, v19;
	[tilespmem:v31+s21+$0x0] =	vst.idx.msk vm13, v8;
	v8 =	vmovc v27  }
0x7e: {  	vm13 =	vlt.s32 v22, $0x7FF;
	v25 =	vnsel vm14, $0x7FF, v25  }
0x7f: {  	v26 =	vnsel vm0, $0x7FF, v26;
	vm0 =	vmmov vm8;
	vm8 =	vmmov vm11  }
0x80: {  	vm11 =	vlt.s32 v21, $0x7FF;
	v18 =	vnsel vm7, $0x7FF, v18;
	v25 =	vshll.u32 v25, $0x4  }
0x81: {  	vm7 =	vlt.s32 v12, $0x7FF;
	v26 =	vshll.u32 v26, $0x4;
	v25 =	vor.u32 v0, v25  }
0x82: {  	v22 =	vnsel vm13, $0x7FF, v22;
	v18 =	vshll.u32 v18, $0x4;
	v26 =	vor.u32 v0, v26  }
0x83: {  	v21 =	vnsel vm11, $0x7FF, v21;
	v22 =	vshll.u32 v22, $0x4;
	v18 =	vor.u32 v0, v18  }
0x84: {  	[tilespmem:v24+s21+$0x0] =	vst.idx.msk vm6, v5;
	v12 =	vnsel vm7, $0x7FF, v12;
	v5 =	vshll.u32 v21, $0x4;
	v22 =	vor.u32 v0, v22  }
0x85: {  	[tilespmem:v23+s21+$0x0] =	vst.idx.msk vm5, v7;
	v7 =	vshll.u32 v12, $0x4;
	v12 =	vnsel vm10, $0x7FF, v19;
	v5 =	vor.u32 v0, v5  }
0x86: {  	v7 =	vor.u32 v0, v7;
	v12 =	vshll.u32 v12, $0x4;
	[tilespmem:v25+s21+$0x0] =	vst.idx.msk vm4, v10  }
0x87: {  	v12 =	vor.u32 v0, v12;
	v10 =	vshll.u32 v20, $0x4;
	[tilespmem:v26+s21+$0x0] =	vst.idx.msk vm3, v13  }
0x88: {  	[tilespmem:v18+s21+$0x0] =	vst.idx.msk vm2, v15;
	v10 =	vor.u32 v0, v10  }
0x89: {  	[tilespmem:v22+s21+$0x0] =	vst.idx.msk vm1, v14  }
0x8a: {  	[tilespmem:v5+s21+$0x0] =	vst.idx.msk vm8, v9  }
0x8b: {  	[tilespmem:v7+s21+$0x0] =	vst.idx.msk vm0, v8  }
0x8c: {  	[tilespmem:v12+s21+$0x0] =	vst.idx.msk vm12, v17  }
0x8d: {  	[tilespmem:v10+s21+$0x0] =	vst.idx.msk vm9, v16  }
0x8e: {  	_ =	swait.ge [sflag:s22], $0x8000  }
0x8f: {  	[sflag:s22] =	ssyncset.done $0x0  }
0x90: {  	s0 =	simm.s32 $0x8040;
	[sflag:s22] =	ssyncadd.s32 $0xFFFF8000  }
0x91: {  	v27 =	vld [tilespmem:s0+$0xFFFFFFC0]  }
0x92: {  	v5 =	vld [tilespmem:s0+$0xFFFFFFF0]  }
0x93: {  	v20 =	vld [tilespmem:s0+$0xFFFFFFD0]  }
0x94: {  	v23 =	vld [tilespmem:s0+$0xFFFFFFE0]  }
0x95: {  	v21 =	vld [tilespmem:s0+$0x0]  }
0x96: {  	v24 =	vld [tilespmem:s0+$0x10]  }
0x97: {  	v8 =	vld [tilespmem:s0+$0x20]  }
0x98: {  	v9 =	vld [tilespmem:s0+$0x30];
	_ =	sdelay $0x1  }
0x99: {  	vm5 =	vmmov vm9;
	vm4 =	vmmov vm12  }
0x9a: {  	vm0 =	vge.f32 v27, v6;
	vm4 =	vge.f32 v5, v6;
	vm10 =	vge.f32 v20, v6  }
0x9b: {  	vm13 =	vge.f32 v23, v6;
	vm11 =	vge.f32 v21, v6;
	vm14 =	vge.f32 v24, v6  }
0x9c: {  	vm2 =	vge.f32 v8, v6;
	vm3 =	vge.f32 v9, v6;
	v7 =	vsel vm0, $0x1, v1  }
0x9d: {  	v10 =	vsel vm10, $0x1, v1;
	v12 =	vsel vm13, $0x1, v1;
	v14 =	vadd.s32 v7, v11  }
0x9e: {  	v13 =	vsel vm11, $0x1, v1;
	vm15 =	vmmov vm0;
	v10 =	vadd.s32 v10, v14  }
0x9f: {  	vm0 =	vmmov vm4;
	v7 =	vsel vm4, $0x1, v1;
	v15 =	vadd.s32 v12, v10  }
0xa0: {  	vm1 =	vlt.s32 v14, $0x7FF;
	v12 =	vsel vm14, $0x1, v1;
	v16 =	vadd.s32 v7, v15  }
0xa1: {  	v14 =	vnsel vm1, $0x7FF, v14;
	v7 =	vsel vm2, $0x1, v1;
	v17 =	vadd.s32 v13, v16  }
0xa2: {  	vm4 =	vlt.s32 v15, $0x7FF;
	v13 =	vsel vm3, $0x1, v1;
	v12 =	vadd.s32 v12, v17  }
0xa3: {  	vm5 =	vlt.s32 v16, $0x7FF;
	vm7 =	vlt.s32 v12, $0x7FF;
	v22 =	vadd.s32 v7, v12  }
0xa4: {  	vm6 =	vlt.s32 v17, $0x7FF;
	v25 =	vnsel vm7, $0x7FF, v12;
	vm9 =	vlt.s32 v22, $0x7FF  }
0xa5: {  	s31 =	simm.s32 $0x80C0;
	v13 =	vadd.s32 v13, v22;
	vm7 =	vlt.s32 v10, $0x7FF;
	v12 =	vnsel vm5, $0x7FF, v16  }
0xa6: {  	v7 =	vld [tilespmem:s31+$0xFFFFFFC0];
	v16 =	vnsel vm6, $0x7FF, v17;
	vm6 =	vmmov vm2;
	vm5 =	vmmov vm3  }
0xa7: {  	vm2 =	vlt.s32 v11, $0x7FF;
	v17 =	vshll.u32 v12, $0x4;
	v16 =	vshll.u32 v16, $0x4;
	v12 =	vld [tilespmem:s31+$0x0]  }
0xa8: {  	v18 =	vnsel vm7, $0x7FF, v10;
	v10 =	vld [tilespmem:s31+$0xFFFFFFF0];
	v11 =	vnsel vm2, $0x7FF, v11;
	v26 =	vor.u32 v0, v17  }
0xa9: {  	v28 =	vor.u32 v0, v16;
	v16 =	vshll.u32 v18, $0x4;
	v17 =	vnsel vm4, $0x7FF, v15;
	v15 =	vld [tilespmem:s31+$0xFFFFFFE0]  }
0xaa: {  	v36 =	vnsel vm9, $0x7FF, v22;
	v38 =	vshll.u32 v25, $0x4;
	v29 =	vor.u32 v0, v16;
	v16 =	vld [tilespmem:s31+$0xFFFFFFD0]  }
0xab: {  	v18 =	vshll.u32 v14, $0x4;
	v11 =	vshll.u32 v11, $0x4;
	v17 =	vshll.u32 v17, $0x4  }
0xac: {  	v14 =	vld [tilespmem:s31+$0x10];
	v30 =	vor.u32 v0, v18;
	v62 =	vor.u32 v0, v11;
	vm8 =	vge.f32 v7, v6  }
0xad: {  	v11 =	vshll.u32 v36, $0x4;
	v31 =	vor.u32 v0, v17;
	v18 =	vsel vm8, $0x1, v1  }
0xae: {  	v17 =	vld [tilespmem:s31+$0x20];
	v19 =	vadd.s32 v18, v13;
	vm12 =	vge.f32 v10, v6;
	vm4 =	vge.f32 v12, v6  }
0xaf: {  	v18 =	vld [tilespmem:s31+$0x30];
	vm7 =	vlt.s32 v19, $0x7FF;
	vm1 =	vge.f32 v15, v6;
	vm2 =	vge.f32 v16, v6  }
0xb0: {  	v32 =	vsel vm12, $0x1, v1;
	v34 =	vsel vm4, $0x1, v1;
	[tilespmem:v26+s21+$0x0] =	vst.idx.msk vm11, v21;
	v22 =	vsel vm2, $0x1, v1  }
0xb1: {  	vm3 =	vge.f32 v14, v6;
	[tilespmem:v28+s21+$0x0] =	vst.idx.msk vm14, v24;
	v33 =	vsel vm1, $0x1, v1;
	v22 =	vadd.s32 v22, v19  }
0xb2: {  	v24 =	vor.u32 v0, v38;
	v35 =	vsel vm3, $0x1, v1;
	[tilespmem:v29+s21+$0x0] =	vst.idx.msk vm13, v23;
	v21 =	vadd.s32 v33, v22  }
0xb3: {  	v23 =	vor.u32 v0, v11;
	vm9 =	vge.f32 v17, v6;
	v25 =	vadd.s32 v32, v21  }
0xb4: {  	v37 =	vsel vm9, $0x1, v1;
	vm11 =	vge.f32 v18, v6;
	v26 =	vadd.s32 v34, v25  }
0xb5: {  	[tilespmem:v30+s21+$0x0] =	vst.idx.msk vm10, v20;
	v63 =	vsel vm11, $0x1, v1;
	vm14 =	vlt.s32 v25, $0x7FF;
	v20 =	vadd.s32 v35, v26  }
0xb6: {  	[tilespmem:v31+s21+$0x0] =	vst.idx.msk vm0, v5;
	vm0 =	vlt.s32 v26, $0x7FF;
	vm10 =	vlt.s32 v20, $0x7FF;
	v11 =	vadd.s32 v37, v20  }
0xb7: {  	s1 =	simm.s32 $0x8140;
	s0 =	simm.s32 $0x8;
	[tilespmem:v62+s21+$0x0] =	vst.idx.msk vm15, v27;
	v20 =	vnsel vm10, $0x7FF, v20;
	vm10 =	vlt.s32 v11, $0x7FF;
	v5 =	vadd.s32 v63, v11  }
.LBB2_7:
0xb8: {  	vm15 =	vlt.s32 v22, $0x7FF;
	v25 =	vnsel vm14, $0x7FF, v25  }
0xb9: {  	v27 =	vld [tilespmem:s1+$0xFFFFFFC0];
	s0 =	sadd.s32 $0x8, s0;
	v26 =	vnsel vm0, $0x7FF, v26;
	vm13 =	vmmov vm8;
	vm14 =	vmmov vm12  }
0xba: {  	vm0 =	vlt.s32 v21, $0x7FF;
	v28 =	vld [tilespmem:s1+$0x10];
	p0 =	slt.u32 s0, $0x7F8;
	v25 =	vshll.u32 v25, $0x4;
	v26 =	vshll.u32 v26, $0x4;
	[tilespmem:v24+s21+$0x0] =	vst.idx.msk vm6, v8;
	v8 =	vmovc v17  }
0xbb: {  	v17 =	vnsel vm15, $0x7FF, v22;
	v24 =	vld [tilespmem:s1+$0x0];
	v22 =	vor.u32 v0, v25;
	v25 =	vor.u32 v0, v26;
	[tilespmem:v23+s21+$0x0] =	vst.idx.msk vm5, v9  }
0xbc: {  	v19 =	vnsel vm7, $0x7FF, v19;
	v21 =	vnsel vm0, $0x7FF, v21;
	v17 =	vshll.u32 v17, $0x4;
	v9 =	vmovc v18;
	v23 =	vld [tilespmem:s1+$0xFFFFFFF0]  }
0xbd: {  	v18 =	vshll.u32 v19, $0x4;
	v29 =	vor.u32 v0, v17;
	v17 =	vshll.u32 v21, $0x4;
	v26 =	vld [tilespmem:s1+$0xFFFFFFE0]  }
0xbe: {  	v30 =	vor.u32 v0, v18;
	v31 =	vor.u32 v0, v17;
	vm8 =	vge.f32 v27, v6;
	v21 =	vld [tilespmem:s1+$0xFFFFFFD0]  }
0xbf: {  	vm6 =	vmmov vm9;
	vm5 =	vmmov vm11;
	v18 =	vsel vm8, $0x1, v1;
	v17 =	vld [tilespmem:s1+$0x20]  }
0xc0: {  	v19 =	vadd.s32 v18, v5;
	[tilespmem:v22+s21+$0x0] =	vst.idx.msk vm4, v12;
	v12 =	vmov v24  }
0xc1: {  	vm0 =	vlt.s32 v13, $0x7FF;
	vm7 =	vlt.s32 v19, $0x7FF;
	vm12 =	vge.f32 v23, v6;
	[tilespmem:v25+s21+$0x0] =	vst.idx.msk vm3, v14;
	v14 =	vmovc v28  }
0xc2: {  	vm4 =	vge.f32 v12, v6;
	v24 =	vsel vm12, $0x1, v1;
	[tilespmem:v29+s21+$0x0] =	vst.idx.msk vm1, v15;
	vm1 =	vge.f32 v26, v6  }
0xc3: {  	v28 =	vsel vm4, $0x1, v1;
	vm3 =	vge.f32 v14, v6;
	v15 =	vmovc v26;
	v25 =	vsel vm1, $0x1, v1;
	v18 =	vld [tilespmem:s1+$0x30];
	[tilespmem:v30+s21+$0x0] =	vst.idx.msk vm2, v16  }
0xc4: {  	vm2 =	vge.f32 v21, v6;
	v29 =	vsel vm3, $0x1, v1;
	vm9 =	vge.f32 v17, v6;
	[tilespmem:v31+s21+$0x0] =	vst.idx.msk vm14, v10  }
0xc5: {  	v26 =	vnsel vm0, $0x7FF, v13;
	v16 =	vmovc v21;
	v22 =	vsel vm2, $0x1, v1;
	v10 =	vmovc v23;
	v30 =	vsel vm9, $0x1, v1  }
0xc6: {  	v20 =	vshll.u32 v20, $0x4;
	v13 =	vmovc v5;
	v23 =	vshll.u32 v26, $0x4;
	v22 =	vadd.s32 v22, v19  }
0xc7: {  	v5 =	vnsel vm10, $0x7FF, v11;
	v31 =	vor.u32 v0, v23;
	v21 =	vadd.s32 v25, v22  }
.Ltmp6:
0xc8: {  	v5 =	vshll.u32 v5, $0x4;
	v25 =	vadd.s32 v24, v21;
	vm11 =	vge.f32 v18, v6;
	(pc) =	sbr.rel @p0 .LBB2_7-.Ltmp6, $4  }
0xc9: {  	v24 =	vor.u32 v0, v20;
	v26 =	vadd.s32 v28, v25;
	v28 =	vsel vm11, $0x1, v1  }
0xca: {  	v23 =	vor.u32 v0, v5;
	vm14 =	vlt.s32 v25, $0x7FF;
	v20 =	vadd.s32 v29, v26  }
0xcb: {  	vm0 =	vlt.s32 v26, $0x7FF;
	vm10 =	vlt.s32 v20, $0x7FF;
	v11 =	vadd.s32 v30, v20  }
0xcc: {  	s1 =	sadd.s32 $0x80, s1;
	v20 =	vnsel vm10, $0x7FF, v20;
	vm10 =	vlt.s32 v11, $0x7FF;
	v5 =	vadd.s32 v28, v11;
	[tilespmem:v31+s21+$0x0] =	vst.idx.msk vm13, v7;
	v7 =	vmovc v27  }
0xcd: {  	v6 =	vxor.u32 $0x80000000, v5  }
0xce: {  	(xrf0) =	vmax.scan.msk.u32 $0xffff, v6;
	_ =	sdelay $0x5  }
0xcf: {  	v6, _, _ =	vpop (xrf0)  }
0xd0: {  	(v2sf) =	vpush v6, $0xF;
	_ =	sdelay $0xd  }
0xd1: {  	vm13 =	vlt.s32 v22, $0x7FF;
	v61 =	vnsel vm0, $0x7FF, v26;
	vm0 =	vmmov vm8  }
0xd2: {  	vm8 =	vmmov vm12;
	vm12 =	vlt.s32 v21, $0x7FF;
	v19 =	vnsel vm7, $0x7FF, v19;
	s29 =	spop (v2sf)  }
0xd3: {  	v11 =	vnsel vm10, $0x7FF, v11;
	v19 =	vshll.u32 v19, $0x4;
	v6 =	vnsel vm14, $0x7FF, v25;
	s30 =	sadd.s32 $0x80000007, s29  }
0xd4: {  	v22 =	vnsel vm13, $0x7FF, v22;
	v19 =	vor.u32 v0, v19;
	v6 =	vshll.u32 v6, $0x4;
	s31 =	sand.u32 $0x7, s30  }
0xd5: {  	v21 =	vnsel vm12, $0x7FF, v21;
	v11 =	vshll.u32 v11, $0x4;
	v6 =	vor.u32 v0, v6;
	s0 =	sshra.s32 s30, $0x1F;
	p0 =	slt.s32 s30, $0x1;
	p1 =	sne.s32 s31, $0x0  }
0xd6: {  	vm13 =	vlt.s32 v13, $0x7FF;
	v22 =	vshll.u32 v22, $0x4;
	v11 =	vor.u32 v0, v11;
	s0 =	sshrl.u32 s0, $0x1D;
	p0 =	por !p0, !p1  }
0xd7: {  	[tilespmem:v24+s21+$0x0] =	vst.idx.msk vm6, v8;
	s1 =	simm.s32 $0x1;
	v62 =	vshll.u32 v21, $0x4;
	v13 =	vnsel vm13, $0x7FF, v13;
	v22 =	vor.u32 v0, v22;
	s0 =	sadd.s32 s0, s30;
	p0 =	por !p0, !p0  }
0xd8: {  	[tilespmem:v23+s21+$0x0] =	vst.idx.msk vm5, v9;
	v8 =	vor.u32 v0, v62;
	v63 =	vshll.u32 v13, $0x4;
	s0 =	sshra.s32 s0, $0x3;
	s1 =	simm.s32 @!p0 $0x0  }
0xd9: {  	v9 =	vor.u32 v0, v63;
	[tilespmem:v19+s21+$0x0] =	vst.idx.msk vm2, v16;
	v25 =	vshll.u32 v61, $0x4;
	s1 =	ssub.s32 s0, s1  }
0xda: {  	v25 =	vor.u32 v0, v25;
	[tilespmem:v6+s21+$0x0] =	vst.idx.msk vm4, v12;
	v6 =	vshll.u32 v20, $0x4;
	s7 =	sshll.u32 s1, $0x3  }
0xdb: {  	[tilespmem:v11+s21+$0x0] =	vst.idx.msk vm11, v18;
	v6 =	vor.u32 v0, v6;
	p0 =	sgt.s32 s7, $0x0  }
.Ltmp7:
0xdc: {  	[tilespmem:v22+s21+$0x0] =	vst.idx.msk vm1, v15;
	(pc) =	sbr.rel @!p0 .LBB2_9-.Ltmp7, $4  }
0xdd: {  	[tilespmem:v8+s21+$0x0] =	vst.idx.msk vm8, v10  }
0xde: {  	[tilespmem:v9+s21+$0x0] =	vst.idx.msk vm0, v7  }
0xdf: {  	[tilespmem:v25+s21+$0x0] =	vst.idx.msk vm3, v14  }
0xe0: {  	vm15 =	vmmov vm11;
	vm14 =	vmmov vm9;
	[tilespmem:v6+s21+$0x0] =	vst.idx.msk vm9, v17  }
0xe1: {  	s1 =	simm.s32 $0x10040  }
0xe2: {  	v6 =	vld [tilespmem:s1+$0x30]  }
0xe3: {  	v7 =	vld [tilespmem:s1+$0xFFFFFFD0]  }
0xe4: {  	v8 =	vld [tilespmem:s1+$0xFFFFFFE0]  }
0xe5: {  	v9 =	vld [tilespmem:s1+$0xFFFFFFF0]  }
0xe6: {  	v10 =	vld [tilespmem:s1+$0x0]  }
0xe7: {  	s9 =	simm.s32 $0x7;
	v11 =	vld [tilespmem:s1+$0x10]  }
0xe8: {  	v15 =	vld [tilespmem:s1+$0x20];
	v14 =	vmov s9  }
0xe9: {  	vm2 =	vlt.s32 v14, v5  }
0xea: {  	vm0 =	vlt.s32 v6, $0x0;
	v12 =	vxor.u32 $0x7FFFFFFF, v6;
	vm1 =	vlt.s32 v7, $0x0  }
0xeb: {  	v13 =	vxor.u32 $0x7FFFFFFF, v7;
	vm15 =	vlt.s32 v8, $0x0;
	v17 =	vxor.u32 $0x7FFFFFFF, v8  }
0xec: {  	vm3 =	vlt.s32 v9, $0x0;
	v60 =	vxor.u32 $0x7FFFFFFF, v9;
	vm4 =	vlt.s32 v10, $0x0  }
0xed: {  	vm5 =	vlt.s32 v11, $0x0;
	v19 =	vxor.u32 $0x7FFFFFFF, v11;
	vm6 =	vlt.s32 v15, $0x0  }
0xee: {  	v20 =	vxor.u32 $0x7FFFFFFF, v15;
	v6 =	vsel vm0, v12, v6;
	v12 =	vld [tilespmem:s1+$0xFFFFFFC0];
	v7 =	vsel vm1, v13, v7  }
0xef: {  	v8 =	vsel vm15, v17, v8;
	v13 =	vsel vm6, v20, v15;
	v16 =	vshra.s32 v6, $0x14  }
0xf0: {  	[tilespmem:s1+$0x30] =	vst v6;
	v6 =	vshra.s32 v7, $0x14;
	v14 =	vand.u32 $0xFFFFFFF0, v16;
	v16 =	vsel vm3, v60, v9  }
0xf1: {  	v6 =	vand.u32 $0xFFFFFFF0, v6;
	v18 =	vadd.s32 v2, v14;
	v14 =	vxor.u32 $0x7FFFFFFF, v10  }
0xf2: {  	v61 =	vsel vm4, v14, v10;
	v14 =	vsel vm5, v19, v11;
	v10 =	vshra.s32 v8, $0x14  }
0xf3: {  	v11 =	vshra.s32 v16, $0x14;
	vm7 =	vlt.s32 v12, $0x0;
	v21 =	vxor.u32 $0x7FFFFFFF, v12  }
0xf4: {  	p0 =	sgt.s32 s7, $0x8;
	[tilespmem:s1+$0xFFFFFFD0] =	vst v7;
	v15 =	vshra.s32 v61, $0x14;
	v62 =	vshra.s32 v14, $0x14;
	v7 =	vand.u32 $0xFFFFFFF0, v10  }
.Ltmp8:
0xf5: {  	[tilespmem:s1+$0xFFFFFFE0] =	vst v8;
	v11 =	vand.u32 $0xFFFFFFF0, v11;
	v12 =	vsel vm7, v21, v12;
	v15 =	vand.u32 $0xFFFFFFF0, v15;
	(pc) =	sbr.rel @!p0 .LBB2_44-.Ltmp8, $4  }
0xf6: {  	[tilespmem:s1+$0xFFFFFFF0] =	vst v16;
	v10 =	vadd.s32 v2, v7;
	v8 =	vadd.s32 v2, v11;
	v9 =	vshra.s32 v12, $0x14  }
0xf7: {  	[tilespmem:s1+$0xFFFFFFC0] =	vst v12;
	v12 =	vshra.s32 v13, $0x14;
	v11 =	vadd.s32 v2, v15;
	v9 =	vand.u32 $0xFFFFFFF0, v9  }
0xf8: {  	s12 =	simm.s32 $0x8;
	[tilespmem:v18+s23+$0x0] =	vst.idx.add.s32.msk vm2, v3;
	v18 =	vand.u32 $0xFFFFFFF0, v62;
	v63 =	vand.u32 $0xFFFFFFF0, v12;
	v12 =	vadd.s32 v2, v6  }
0xf9: {  	s14 =	simm.s32 $0x1;
	s13 =	simm.s32 $0x100C0;
	s9 =	simm.s32 $0x0;
	[tilespmem:s1+$0x0] =	vst v61;
	v9 =	vadd.s32 v2, v9;
	v7 =	vadd.s32 v2, v18;
	v6 =	vadd.s32 v2, v63  }
.LBB2_43:
0xfa: {  	s25 =	sadd.s32 $0x2, s9  }
0xfb: {  	v15 =	vld [tilespmem:s13+$0x30];
	v16 =	vmov s9;
	s26 =	sadd.s32 $0x3, s9;
	[tilespmem:s1+$0x10] =	vst v14;
	s2 =	smov.u32 s12;
	s12 =	sadd.s32 $0x8, s12  }
0xfc: {  	v14 =	vld [tilespmem:s13+$0xFFFFFFD0];
	p0 =	slt.s32 s12, s7;
	vm2 =	vlt.s32 v16, v5;
	v16 =	vmov s14;
	v17 =	vmov s25;
	s14 =	sadd.s32 $0x4, s9;
	s25 =	sadd.s32 $0x5, s9;
	[tilespmem:s1+$0x20] =	vst v13  }
0xfd: {  	v18 =	vmov s26;
	s1 =	smov.u32 s13;
	v13 =	vld [tilespmem:s13+$0xFFFFFFE0];
	v19 =	vmov s14;
	v20 =	vmov s25;
	s14 =	sadd.s32 $0x6, s9;
	s9 =	smov.u32 s2  }
0xfe: {  	vm7 =	vlt.s32 v16, v5;
	vm5 =	vlt.s32 v17, v5;
	v21 =	vld [tilespmem:s13+$0xFFFFFFF0];
	v16 =	vmov s14  }
0xff: {  	vm4 =	vlt.s32 v18, v5;
	vm3 =	vlt.s32 v19, v5;
	vm0 =	vlt.s32 v20, v5;
	v17 =	vld [tilespmem:s13+$0x0]  }
0x100: {  	vm1 =	vlt.s32 v16, v5;
	v18 =	vld [tilespmem:s13+$0x10];
	vm8 =	vlt.s32 v15, $0x0;
	v19 =	vxor.u32 $0x7FFFFFFF, v15  }
0x101: {  	s2 =	sadd.s32 $0x7, s9;
	vm6 =	vlt.s32 v14, $0x0;
	v16 =	vxor.u32 $0x7FFFFFFF, v14;
	v20 =	vld [tilespmem:s13+$0x20];
	v15 =	vsel vm8, v19, v15  }
0x102: {  	v22 =	vmov s2;
	v19 =	vld [tilespmem:s13+$0xFFFFFFC0];
	vm8 =	vlt.s32 v13, $0x0;
	v23 =	vshra.s32 v15, $0x14  }
0x103: {  	vm9 =	vlt.s32 v22, v5;
	v24 =	vxor.u32 $0x7FFFFFFF, v13;
	v22 =	vand.u32 $0xFFFFFFF0, v23;
	[tilespmem:v9+s23+$0x0] =	vst.idx.add.s32.msk vm2, v3  }
0x104: {  	vm2 =	vlt.s32 v21, $0x0;
	v9 =	vxor.u32 $0x7FFFFFFF, v21;
	v22 =	vadd.s32 v2, v22;
	[tilespmem:v12+s23+$0x0] =	vst.idx.add.s32.msk vm7, v3  }
0x105: {  	vm7 =	vlt.s32 v17, $0x0;
	v12 =	vxor.u32 $0x7FFFFFFF, v17;
	vm10 =	vlt.s32 v18, $0x0;
	[tilespmem:v10+s23+$0x0] =	vst.idx.add.s32.msk vm5, v3  }
0x106: {  	v10 =	vxor.u32 $0x7FFFFFFF, v18;
	vm5 =	vlt.s32 v20, $0x0;
	v23 =	vxor.u32 $0x7FFFFFFF, v20;
	[tilespmem:v8+s23+$0x0] =	vst.idx.add.s32.msk vm4, v3  }
0x107: {  	v16 =	vsel vm6, v16, v14;
	vm4 =	vlt.s32 v19, $0x0;
	v8 =	vxor.u32 $0x7FFFFFFF, v19;
	[tilespmem:v11+s23+$0x0] =	vst.idx.add.s32.msk vm3, v3  }
0x108: {  	v11 =	vsel vm8, v24, v13;
	v8 =	vsel vm4, v8, v19;
	v19 =	vsel vm2, v9, v21;
	[tilespmem:s13+$0x30] =	vst v15  }
0x109: {  	v14 =	vsel vm10, v10, v18;
	v15 =	vsel vm7, v12, v17;
	v9 =	vshra.s32 v8, $0x14;
	[tilespmem:v22+s23+$0x0] =	vst.idx.add.s32.msk vm9, v3  }
0x10a: {  	v10 =	vshra.s32 v16, $0x14;
	v13 =	vsel vm5, v23, v20;
	v12 =	vshra.s32 v11, $0x14;
	[tilespmem:v7+s23+$0x0] =	vst.idx.add.s32.msk vm0, v3  }
0x10b: {  	v18 =	vshra.s32 v14, $0x14;
	v17 =	vshra.s32 v15, $0x14;
	v7 =	vshra.s32 v19, $0x14;
	[tilespmem:v6+s23+$0x0] =	vst.idx.add.s32.msk vm1, v3  }
.Ltmp9:
0x10c: {  	v6 =	vand.u32 $0xFFFFFFF0, v9;
	[tilespmem:s13+$0xFFFFFFC0] =	vst v8;
	v8 =	vand.u32 $0xFFFFFFF0, v10;
	v10 =	vshra.s32 v13, $0x14;
	(pc) =	sbr.rel @p0 .LBB2_43-.Ltmp9, $4  }
0x10d: {  	v17 =	vand.u32 $0xFFFFFFF0, v17;
	v7 =	vand.u32 $0xFFFFFFF0, v7;
	[tilespmem:s13+$0xFFFFFFD0] =	vst v16;
	v16 =	vand.u32 $0xFFFFFFF0, v12  }
0x10e: {  	v9 =	vadd.s32 v2, v6;
	v6 =	vand.u32 $0xFFFFFFF0, v18;
	v18 =	vand.u32 $0xFFFFFFF0, v10;
	[tilespmem:s13+$0xFFFFFFE0] =	vst v11  }
0x10f: {  	v12 =	vadd.s32 v2, v8;
	v8 =	vadd.s32 v2, v7;
	v10 =	vadd.s32 v2, v16;
	[tilespmem:s13+$0xFFFFFFF0] =	vst v19  }
0x110: {  	s14 =	sadd.s32 $0x1, s9;
	v7 =	vadd.s32 v2, v6;
	v11 =	vadd.s32 v2, v17;
	v6 =	vadd.s32 v2, v18;
	s13 =	sadd.s32 $0x80, s13;
	[tilespmem:s1+$0x0] =	vst v15  }
.LBB2_44:
0x111: {  	v15 =	vmov s9  }
0x112: {  	s2 =	sadd.s32 $0x2, s9;
	v59 =	vmov s14;
	vm0 =	vlt.s32 v15, v5  }
0x113: {  	s7 =	sadd.s32 $0x3, s9;
	v16 =	vmov s2;
	vm1 =	vlt.s32 v59, v5  }
0x114: {  	s14 =	sadd.s32 $0x4, s9;
	v60 =	vmov s7;
	vm2 =	vlt.s32 v16, v5  }
0x115: {  	s25 =	sadd.s32 $0x5, s9;
	v61 =	vmov s14;
	vm3 =	vlt.s32 v60, v5  }
0x116: {  	[tilespmem:s1+$0x10] =	vst v14;
	s26 =	sadd.s32 $0x6, s9;
	v62 =	vmov s25;
	vm4 =	vlt.s32 v61, v5  }
0x117: {  	[tilespmem:s1+$0x20] =	vst v13;
	v63 =	vmov s26;
	vm5 =	vlt.s32 v62, v5  }
0x118: {  	vm6 =	vlt.s32 v63, v5;
	[tilespmem:v9+s23+$0x0] =	vst.idx.add.s32.msk vm0, v3  }
0x119: {  	[tilespmem:v12+s23+$0x0] =	vst.idx.add.s32.msk vm1, v3  }
0x11a: {  	[tilespmem:v10+s23+$0x0] =	vst.idx.add.s32.msk vm2, v3  }
0x11b: {  	[tilespmem:v8+s23+$0x0] =	vst.idx.add.s32.msk vm3, v3  }
0x11c: {  	[tilespmem:v11+s23+$0x0] =	vst.idx.add.s32.msk vm4, v3  }
0x11d: {  	[tilespmem:v7+s23+$0x0] =	vst.idx.add.s32.msk vm5, v3  }
0x11e: {  	[tilespmem:v6+s23+$0x0] =	vst.idx.add.s32.msk vm6, v3  }
.LBB2_9:
0x11f: {  	s7 =	simm.s32 $0x18FF0  }
0x120: {  	v6 =	vld [tilespmem:s7+$0x0]  }
0x121: {  	v7 =	vld [tilespmem:s7+$0xFFFFFFF0]  }
0x122: {  	v8 =	vld [tilespmem:s7+$0xFFFFFFE0]  }
0x123: {  	v9 =	vld [tilespmem:s7+$0xFFFFFFD0]  }
0x124: {  	v10 =	vimm.s32 $0x0;
	v11 =	vld [tilespmem:s7+$0xFFFFFFC0]  }
0x125: {  	vm2 =	vmxor vm2, vm2;
	v12 =	vadd.s32 v10, v6  }
0x126: {  	v13 =	vld [tilespmem:s7+$0xFFFFFFB0];
	vm3 =	vmneg vm2;
	v14 =	vadd.s32 v12, v7;
	vm0 =	vgt.s32 v12, $0x3F  }
0x127: {  	vm5 =	vgt.s32 v14, $0x3F;
	v17 =	vadd.s32 v14, v8;
	vm1 =	vmor vm2, vm0  }
0x128: {  	vm0 =	vmand vm0, vm3;
	v18 =	vadd.s32 v17, v9;
	vm7 =	vmneg vm1  }
0x129: {  	v15 =	vld [tilespmem:s7+$0xFFFFFFA0];
	vm8 =	vgt.s32 v17, $0x3F;
	vm9 =	vmor vm1, vm5;
	v6 =	vadd.s32 v18, v11  }
0x12a: {  	v8 =	vld [tilespmem:s7+$0xFFFFFF90];
	vm1 =	vgt.s32 v18, $0x3F;
	v11 =	vimm.s32 $0x0;
	vm5 =	vmand vm5, vm7  }
0x12b: {  	vm7 =	vmor vm9, vm8;
	vm9 =	vmneg vm9;
	v7 =	vadd.s32 v6, v13  }
0x12c: {  	vm4 =	vgt.s32 v6, $0x3F;
	v11 =	vsel vm3, $0xFFFFFFFF, v11;
	vm8 =	vmand vm8, vm9  }
0x12d: {  	s9 =	simm.s32 $0xFF;
	s1 =	simm.s32 $0x18F70;
	vm9 =	vmneg vm7;
	vm7 =	vmor vm7, vm1;
	vm6 =	vgt.s32 v7, $0x3F;
	[tilespmem:$0x1FFF0] =	vst v11  }
0x12e: {  	v9 =	vadd.s32 v7, v15;
	v15 =	vsel vm0, s9, v10;
	v10 =	vsel vm0, v10, v10;
	v11 =	vld [tilespmem:s1+$0x0]  }
0x12f: {  	s2 =	simm.s32 $0xFE;
	vm1 =	vmand vm1, vm9;
	vm2 =	vgt.s32 v9, $0x3F;
	v8 =	vadd.s32 v9, v8;
	v13 =	vld [tilespmem:s1+$0xFFFFFFF0]  }
0x130: {  	s12 =	simm.s32 $0xFD;
	v15 =	vsel vm5, s2, v15;
	[tilespmem:s7+$0x0] =	vst v1;
	v12 =	vsel vm5, v12, v10;
	vm3 =	vgt.s32 v8, $0x3F  }
0x131: {  	[tilespmem:s7+$0xFFFFFFE0] =	vst v1;
	v15 =	vsel vm8, s12, v15;
	v19 =	vsel vm8, v14, v12;
	vm8 =	vmor vm7, vm4  }
0x132: {  	s13 =	simm.s32 $0xFC;
	[tilespmem:s7+$0xFFFFFFD0] =	vst v1;
	vm7 =	vmneg vm7;
	vm9 =	vmneg vm8;
	vm10 =	vmor vm8, vm6  }
0x133: {  	v16 =	vld [tilespmem:s1+$0xFFFFFFE0];
	[tilespmem:s7+$0xFFFFFFC0] =	vst v1;
	v21 =	vsel vm1, s13, v15;
	vm14 =	vmand vm4, vm7;
	v10 =	vadd.s32 v8, v11  }
0x134: {  	[tilespmem:s7+$0xFFFFFFB0] =	vst v1;
	v19 =	vsel vm1, v17, v19;
	vm8 =	vmand vm6, vm9;
	v11 =	vadd.s32 v10, v13;
	v13 =	vld [tilespmem:s1+$0xFFFFFFD0]  }
0x135: {  	[tilespmem:s7+$0xFFFFFFA0] =	vst v1;
	v14 =	vld [tilespmem:s1+$0xFFFFFFC0];
	vm6 =	vmor vm10, vm2;
	vm13 =	vmneg vm10;
	v18 =	vsel vm14, v18, v19  }
0x136: {  	v20 =	vld [tilespmem:s1+$0xFFFFFFB0];
	[tilespmem:s7+$0xFFFFFF90] =	vst v1;
	vm4 =	vmor vm6, vm3;
	vm13 =	vmand vm2, vm13;
	vm0 =	vgt.s32 v10, $0x3F  }
0x137: {  	v22 =	vld [tilespmem:s1+$0xFFFFFFA0];
	[tilespmem:s7+$0xFFFFFFF0] =	vst v1;
	vm15 =	vmneg vm4;
	vm5 =	vgt.s32 v11, $0x3F;
	vm7 =	vmor vm4, vm0  }
0x138: {  	v23 =	vld [tilespmem:s1+$0xFFFFFF90];
	[tilespmem:s1+$0x0] =	vst v1;
	v12 =	vadd.s32 v11, v16;
	vm4 =	vmneg vm6;
	vm15 =	vmand vm0, vm15  }
0x139: {  	[tilespmem:s1+$0xFFFFFFE0] =	vst v1;
	vm11 =	vmneg vm7;
	vm9 =	vgt.s32 v12, $0x3F;
	v13 =	vadd.s32 v12, v13  }
0x13a: {  	[tilespmem:s1+$0xFFFFFFB0] =	vst v1;
	vm10 =	vmor vm7, vm5;
	vm12 =	vmand vm3, vm4;
	v16 =	vadd.s32 v13, v14  }
0x13b: {  	s14 =	simm.s32 $0xFB;
	[tilespmem:s1+$0xFFFFFFA0] =	vst v1;
	vm6 =	vgt.s32 v13, $0x3F;
	vm4 =	vgt.s32 v16, $0x3F;
	v15 =	vadd.s32 v16, v20  }
0x13c: {  	s25 =	simm.s32 $0xFA;
	[tilespmem:s1+$0xFFFFFF90] =	vst v1;
	v20 =	vsel vm14, s14, v21;
	vm14 =	vmor vm10, vm9;
	v14 =	vadd.s32 v15, v22  }
0x13d: {  	s26 =	simm.s32 $0xF9;
	s9 =	simm.s32 $0x8;
	s7 =	simm.s32 $0xF7;
	[tilespmem:s1+$0xFFFFFFC0] =	vst v1;
	vm7 =	vgt.s32 v15, $0x3F;
	v19 =	vsel vm8, s25, v20;
	v17 =	vadd.s32 v14, v23  }
0x13e: {  	s12 =	simm.s32 $0xF7;
	s13 =	simm.s32 $0x18EF0;
	[tilespmem:s1+$0xFFFFFFD0] =	vst v1;
	s14 =	simm.s32 $0xF8;
	vm2 =	vgt.s32 v14, $0x3F;
	v19 =	vsel vm13, s26, v19;
	vm3 =	vgt.s32 v17, $0x3F  }
.LBB2_10:
0x13f: {  	v20 =	vld [tilespmem:s13+$0x0];
	s9 =	sadd.s32 $0x8, s9;
	[tilespmem:s1+$0xFFFFFFF0] =	vst v1;
	vm0 =	vmand vm5, vm11;
	s12 =	sadd.s32 $0xFFFFFFF8, s12;
	v18 =	vsel vm8, v6, v18;
	v19 =	vsel vm12, s14, v19;
	v6 =	vmovc v16;
	s1 =	smov.u32 s13  }
0x140: {  	s2 =	sadd.s32 $0xFFFFFFFF, s7;
	vm1 =	vmneg vm10;
	[tilespmem:s13+$0x0] =	vst v1;
	v16 =	vld [tilespmem:s13+$0xFFFFFFF0];
	p0 =	slt.u32 s9, $0xF8;
	v19 =	vsel vm15, s7, v19;
	v18 =	vsel vm13, v7, v18;
	v7 =	vmovc v15  }
0x141: {  	vm1 =	vmand vm9, vm1;
	v15 =	vld [tilespmem:s13+$0xFFFFFFE0];
	v19 =	vsel vm0, s2, v19;
	v18 =	vsel vm12, v9, v18;
	v9 =	vmovc v14  }
0x142: {  	vm5 =	vmneg vm14;
	s2 =	sadd.s32 $0xFFFFFFFE, s7;
	[tilespmem:s13+$0xFFFFFFE0] =	vst v1;
	v14 =	vsel vm15, v8, v18;
	v8 =	vmov v17  }
0x143: {  	vm8 =	vmor vm14, vm6;
	v18 =	vsel vm1, s2, v19;
	v14 =	vsel vm0, v10, v14  }
0x144: {  	v10 =	vadd.s32 v17, v20;
	v17 =	vsel vm1, v11, v14;
	vm1 =	vmor vm8, vm4  }
0x145: {  	vm0 =	vmand vm6, vm5;
	vm14 =	vgt.s32 v10, $0x3F;
	v11 =	vadd.s32 v10, v16  }
0x146: {  	vm6 =	vmneg vm1;
	vm9 =	vmor vm1, vm7;
	vm5 =	vgt.s32 v11, $0x3F;
	v14 =	vld [tilespmem:s13+$0xFFFFFFD0]  }
0x147: {  	s2 =	sadd.s32 $0xFFFFFFFD, s7;
	vm1 =	vmneg vm8;
	vm8 =	vmand vm7, vm6;
	vm6 =	vmor vm9, vm2;
	[tilespmem:s13+$0xFFFFFFD0] =	vst v1;
	v16 =	vld [tilespmem:s13+$0xFFFFFFC0]  }
0x148: {  	v18 =	vsel vm0, s2, v18;
	vm1 =	vmand vm4, vm1;
	vm4 =	vmor vm6, vm3;
	[tilespmem:s13+$0xFFFFFFC0] =	vst v1;
	v19 =	vld [tilespmem:s13+$0xFFFFFFB0]  }
0x149: {  	v20 =	vadd.s32 v11, v15;
	vm13 =	vmneg vm9;
	vm7 =	vmor vm4, vm14;
	[tilespmem:s13+$0xFFFFFFB0] =	vst v1;
	v21 =	vld [tilespmem:s13+$0xFFFFFFA0]  }
0x14a: {  	vm9 =	vgt.s32 v20, $0x3F;
	vm15 =	vmneg vm4;
	vm11 =	vmneg vm7;
	[tilespmem:s13+$0xFFFFFFA0] =	vst v1;
	v22 =	vld [tilespmem:s13+$0xFFFFFF90]  }
0x14b: {  	vm4 =	vmneg vm6;
	vm10 =	vmor vm7, vm5;
	v23 =	vadd.s32 v20, v14;
	[tilespmem:s13+$0xFFFFFF90] =	vst v1  }
0x14c: {  	vm12 =	vmand vm3, vm4;
	vm6 =	vgt.s32 v23, $0x3F;
	v16 =	vadd.s32 v23, v16  }
.Ltmp10:
0x14d: {  	vm13 =	vmand vm2, vm13;
	vm4 =	vgt.s32 v16, $0x3F;
	v15 =	vadd.s32 v16, v19;
	(pc) =	sbr.rel @p0 .LBB2_10-.Ltmp10, $4  }
0x14e: {  	s2 =	sadd.s32 $0xFFFFFFFC, s7;
	v19 =	vsel vm0, v12, v17;
	v12 =	vmovc v20;
	vm7 =	vgt.s32 v15, $0x3F;
	v14 =	vadd.s32 v15, v21  }
0x14f: {  	v20 =	vsel vm1, s2, v18;
	s2 =	sadd.s32 $0xFFFFFFFB, s7;
	vm2 =	vgt.s32 v14, $0x3F;
	v17 =	vadd.s32 v14, v22  }
0x150: {  	v18 =	vsel vm1, v13, v19;
	v19 =	vsel vm8, s2, v20;
	s2 =	sadd.s32 $0xFFFFFFFA, s7;
	v13 =	vmovc v23;
	vm3 =	vgt.s32 v17, $0x3F  }
0x151: {  	s14 =	sadd.s32 $0xFFFFFFF9, s7;
	vm15 =	vmand vm14, vm15;
	vm14 =	vmor vm10, vm9;
	s13 =	sadd.s32 $0xFFFFFF80, s13;
	s7 =	smov.u32 s12;
	v19 =	vsel vm13, s2, v19  }
0x152: {  	vm0 =	vmor vm14, vm6;
	v17 =	vimm.s32 $0x0  }
0x153: {  	v60 =	vimm.s32 $0x0;
	v17 =	vsel vm0, $0xFFFFFFFF, v17;
	vm0 =	vmor vm0, vm4  }
0x154: {  	v61 =	vimm.s32 $0x0;
	[tilespmem:$0x1FFC0] =	vst v17;
	v17 =	vsel vm0, $0xFFFFFFFF, v60;
	vm0 =	vmor vm0, vm7  }
0x155: {  	[tilespmem:$0x1FFB0] =	vst v17;
	v17 =	vsel vm0, $0xFFFFFFFF, v61;
	vm0 =	vmor vm0, vm2  }
0x156: {  	vm1 =	vmor vm0, vm3  }
0x157: {  	v63 =	vsel vm1, $0x3F800000, v4  }
0x158: {  	(xrf0) =	vmin.scan.msk.f32 $0xffff, v63;
	_ =	sdelay $0x1  }
0x159: {  	v62 =	vimm.s32 $0x0  }
0x15a: {  	[tilespmem:$0x1FFD0] =	vst v17;
	v17 =	vsel vm0, $0xFFFFFFFF, v62  }
0x15b: {  	v6 =	vsel vm8, v6, v18  }
0x15c: {  	v6 =	vsel vm13, v7, v6  }
0x15d: {  	v6 =	vsel vm12, v9, v6;
	[tilespmem:$0x1FFE0] =	vst v17;
	v17, _, _ =	vpop (xrf0)  }
0x15e: {  	v6 =	vsel vm15, v8, v6;
	v8 =	vld [tilespmem:$0x1FFB0];
	(v2sf) =	vpush v17, $0xF;
	_ =	sdelay $0x3  }
0x15f: {  	vm13 =	vmneg vm10  }
0x160: {  	vm1 =	vmand vm5, vm11;
	vm5 =	vmand vm9, vm13;
	vm9 =	vnez.u8 v8;
	v8 =	vld [tilespmem:$0x1FFC0];
	_ =	sdelay $0x4  }
0x161: {  	vm10 =	vnez.u8 v8;
	v8 =	vld [tilespmem:$0x1FFD0];
	_ =	sdelay $0x2  }
0x162: {  	v7 =	vsel vm12, s14, v19  }
0x163: {  	s2 =	sadd.s32 $0xFFFFFFFF, s7;
	v7 =	vsel vm15, s7, v7  }
0x164: {  	s12 =	sadd.s32 $0xFFFFFFFE, s7;
	p0 =	sgt.u32 s29, $0x800007FF;
	vm0 =	vmneg vm14;
	v7 =	vsel vm1, s2, v7;
	vm12 =	vnez.u8 v8;
	v8 =	vld [tilespmem:$0x1FFE0];
	s9 =	spop (v2sf)  }
0x165: {  	s13 =	sadd.s32 $0xFFFFFFFD, s7;
	vm8 =	vmand vm6, vm0;
	v6 =	vsel vm1, v10, v6;
	v7 =	vsel vm5, s12, v7;
	p1 =	sgt.f32 @!p0 s9, $0.0e+00  }
0x166: {  	v6 =	vsel vm5, v11, v6;
	v7 =	vsel vm8, s13, v7;
	vm5 =	vmneg vm10  }
0x167: {  	s14 =	sadd.s32 $0xFFFFFFFC, s7;
	v6 =	vsel vm8, v12, v6;
	vm0 =	vmneg vm9;
	vm11 =	vmand vm4, vm5;
	p1 =	por p0, !p1  }
.Ltmp11:
0x168: {  	s25 =	sadd.s32 $0xFFFFFFFB, s7;
	vm0 =	vmand vm7, vm0;
	v7 =	vsel vm11, s14, v7;
	v6 =	vsel vm11, v13, v6;
	(pc) =	sbr.rel @!p1 .LBB2_23-.Ltmp11, $4  }
0x169: {  	v7 =	vsel vm0, s25, v7;
	vm5 =	vmneg vm12;
	vm13 =	vnez.u8 v8  }
0x16a: {  	s26 =	sadd.s32 $0xFFFFFFFA, s7;
	v6 =	vsel vm0, v16, v6;
	vm14 =	vmand vm2, vm5;
	vm1 =	vmneg vm13  }
0x16b: {  	s29 =	sadd.s32 $0xFFFFFFF9, s7;
	v7 =	vsel vm14, s26, v7;
	v8 =	vsel vm14, v15, v6;
	vm15 =	vmand vm3, vm1  }
0x16c: {  	[tilespmem:s1+$0xFFFFFFF0] =	vst v1;
	v6 =	vsel vm15, s29, v7;
	v7 =	vsel vm15, v14, v8  }
0x16d: {  	s2 =	simm.s32 $0x40  }
0x16e: {  	s2 =	simm.s32 @p0 $0x40  }
0x16f: {  	v8 =	vld [tilespmem:s2+$0x30]  }
0x170: {  	v7 =	vld [tilespmem:s2+$0xFFFFFFD0]  }
0x171: {  	v22 =	vld [tilespmem:s2+$0xFFFFFFE0]  }
0x172: {  	v5 =	vld [tilespmem:s2+$0x0]  }
0x173: {  	v24 =	vld [tilespmem:s2+$0xFFFFFFC0];
	_ =	sdelay $0x1  }
0x174: {  	v23 =	vld [tilespmem:s2+$0xFFFFFFF0];
	v9 =	vshra.s32 v8, $0x14  }
0x175: {  	vm2 =	vlt.s32 v7, $0x0;
	v10 =	vshra.s32 v7, $0x14;
	v11 =	vshra.s32 v22, $0x14  }
0x176: {  	s0 =	simm.s32 $0xFFFFFFF8;
	v6 =	vld [tilespmem:s2+$0x10];
	vm0 =	vlt.s32 v8, $0x0;
	v13 =	vshra.s32 v5, $0x14;
	v9 =	vand.u32 $0xFFFFFFF0, v9  }
0x177: {  	s0 =	simm.s32 @p0 $0xFFFFFFF8;
	v7 =	vld [tilespmem:s2+$0x20];
	v15 =	vshra.s32 v24, $0x14;
	vm3 =	vlt.s32 v24, $0x0;
	v12 =	vxor.u32 $0x7F0, v9  }
0x178: {  	s7 =	sadd.s32 $0x8, s0;
	vm1 =	vlt.s32 v22, $0x0;
	v8 =	vand.u32 $0xFFFFFFF0, v10;
	v12 =	vsel vm0, v12, v9  }
0x179: {  	p0 =	slt.u32 s7, $0x7F8;
	v10 =	vshra.s32 v23, $0x14;
	v20 =	vand.u32 $0xFFFFFFF0, v15;
	v25 =	vadd.s32 v2, v12  }
.Ltmp12:
0x17a: {  	v14 =	vxor.u32 $0x7F0, v8;
	v21 =	vxor.u32 $0x7F0, v20;
	v9 =	vand.u32 $0xFFFFFFF0, v11;
	(pc) =	sbr.rel @!p0 .LBB2_14-.Ltmp12, $4  }
0x17b: {  	v11 =	vand.u32 $0xFFFFFFF0, v10;
	v10 =	vand.u32 $0xFFFFFFF0, v13;
	vm0 =	vlt.s32 v23, $0x0  }
0x17c: {  	v12 =	vshra.s32 v6, $0x14;
	v16 =	vxor.u32 $0x7F0, v9;
	v13 =	vshra.s32 v7, $0x14  }
0x17d: {  	v18 =	vxor.u32 $0x7F0, v11;
	v12 =	vand.u32 $0xFFFFFFF0, v12;
	v13 =	vand.u32 $0xFFFFFFF0, v13  }
0x17e: {  	s1 =	simm.s32 $0x8040;
	s0 =	simm.s32 $0xFFFFFFF8;
	s9 =	sadd.s32 $0x80, s2;
	v17 =	vxor.u32 $0x7F0, v10;
	v19 =	vxor.u32 $0x7F0, v12;
	v15 =	vxor.u32 $0x7F0, v13;
	[tilespmem:v25+s23+$0x0] =	vst.idx.add.s32.msk $0xffff, v3  }
.LBB2_13:
0x17f: {  	v22 =	vld [tilespmem:s9+$0x30];
	s7 =	sadd.s32 $0x8, s7;
	vm4 =	vlt.s32 v5, $0x0;
	vm5 =	vlt.s32 v6, $0x0;
	vm6 =	vlt.s32 v7, $0x0  }
0x180: {  	v5 =	vsel vm3, v21, v20;
	v6 =	vsel vm2, v14, v8;
	v8 =	vsel vm1, v16, v9;
	v7 =	vld [tilespmem:s9+$0xFFFFFFD0];
	p0 =	slt.u32 s7, $0x7F8  }
0x181: {  	v9 =	vsel vm0, v18, v11;
	v10 =	vsel vm4, v17, v10;
	v11 =	vsel vm5, v19, v12;
	v23 =	vld [tilespmem:s9+$0xFFFFFFE0]  }
0x182: {  	v12 =	vadd.s32 v2, v5;
	v14 =	vadd.s32 v2, v6;
	v13 =	vsel vm6, v15, v13;
	v24 =	vld [tilespmem:s9+$0xFFFFFFF0]  }
0x183: {  	v15 =	vadd.s32 v2, v8;
	v16 =	vadd.s32 v2, v9;
	v17 =	vadd.s32 v2, v10;
	v5 =	vld [tilespmem:s9+$0x0]  }
0x184: {  	v19 =	vadd.s32 v2, v11;
	v25 =	vadd.s32 v2, v13;
	v6 =	vld [tilespmem:s9+$0x10];
	v8 =	vshra.s32 v22, $0x14  }
0x185: {  	vm2 =	vlt.s32 v7, $0x0;
	v9 =	vshra.s32 v7, $0x14;
	v7 =	vld [tilespmem:s9+$0x20];
	v10 =	vand.u32 $0xFFFFFFF0, v8  }
0x186: {  	vm0 =	vlt.s32 v22, $0x0;
	v26 =	vld [tilespmem:s9+$0xFFFFFFC0];
	v11 =	vshra.s32 v23, $0x14;
	v13 =	vxor.u32 $0x7F0, v10  }
0x187: {  	v8 =	vand.u32 $0xFFFFFFF0, v9;
	v18 =	vshra.s32 v24, $0x14;
	v10 =	vsel vm0, v13, v10;
	[tilespmem:v12+s23+$0x0] =	vst.idx.add.s32.msk $0xffff, v3  }
0x188: {  	v9 =	vand.u32 $0xFFFFFFF0, v11;
	v12 =	vshra.s32 v5, $0x14;
	v22 =	vadd.s32 v2, v10;
	[tilespmem:v14+s23+$0x0] =	vst.idx.add.s32.msk $0xffff, v3  }
0x189: {  	v11 =	vand.u32 $0xFFFFFFF0, v18;
	v10 =	vand.u32 $0xFFFFFFF0, v12;
	v12 =	vshra.s32 v6, $0x14;
	[tilespmem:v15+s23+$0x0] =	vst.idx.add.s32.msk $0xffff, v3  }
.Ltmp13:
0x18a: {  	v14 =	vxor.u32 $0x7F0, v8;
	v12 =	vand.u32 $0xFFFFFFF0, v12;
	v13 =	vshra.s32 v7, $0x14;
	[tilespmem:v16+s23+$0x0] =	vst.idx.add.s32.msk $0xffff, v3;
	(pc) =	sbr.rel @p0 .LBB2_13-.Ltmp13, $4  }
0x18b: {  	v16 =	vxor.u32 $0x7F0, v9;
	v15 =	vshra.s32 v26, $0x14;
	v13 =	vand.u32 $0xFFFFFFF0, v13;
	[tilespmem:v17+s23+$0x0] =	vst.idx.add.s32.msk $0xffff, v3  }
0x18c: {  	v18 =	vxor.u32 $0x7F0, v11;
	v17 =	vxor.u32 $0x7F0, v10;
	v20 =	vand.u32 $0xFFFFFFF0, v15;
	[tilespmem:v19+s23+$0x0] =	vst.idx.add.s32.msk $0xffff, v3  }
0x18d: {  	v19 =	vxor.u32 $0x7F0, v12;
	v15 =	vxor.u32 $0x7F0, v13;
	v21 =	vxor.u32 $0x7F0, v20;
	[tilespmem:v22+s23+$0x0] =	vst.idx.add.s32.msk $0xffff, v3  }
0x18e: {  	vm1 =	vlt.s32 v23, $0x0;
	s9 =	sadd.s32 $0x80, s9;
	vm0 =	vlt.s32 v24, $0x0;
	vm3 =	vlt.s32 v26, $0x0;
	[tilespmem:v25+s23+$0x0] =	vst.idx.add.s32.msk $0xffff, v3  }
.LBB2_14:
0x18f: {  	v20 =	vsel vm3, v21, v20  }
0x190: {  	v8 =	vsel vm2, v14, v8;
	v14 =	vadd.s32 v2, v20  }
0x191: {  	v9 =	vsel vm1, v16, v9;
	v8 =	vadd.s32 v2, v8  }
0x192: {  	vm1 =	vlt.s32 v5, $0x0;
	v5 =	vsel vm0, v18, v11;
	v9 =	vadd.s32 v2, v9  }
0x193: {  	vm0 =	vlt.s32 v6, $0x0;
	v6 =	vsel vm1, v17, v10;
	v5 =	vadd.s32 v2, v5  }
0x194: {  	vm1 =	vlt.s32 v7, $0x0;
	v7 =	vsel vm0, v19, v12;
	v6 =	vadd.s32 v2, v6  }
0x195: {  	v10 =	vsel vm1, v15, v13;
	v7 =	vadd.s32 v2, v7;
	[tilespmem:v14+s23+$0x0] =	vst.idx.add.s32.msk $0xffff, v3  }
0x196: {  	v10 =	vadd.s32 v2, v10;
	[tilespmem:v8+s23+$0x0] =	vst.idx.add.s32.msk $0xffff, v3  }
0x197: {  	[tilespmem:v9+s23+$0x0] =	vst.idx.add.s32.msk $0xffff, v3  }
0x198: {  	[tilespmem:v5+s23+$0x0] =	vst.idx.add.s32.msk $0xffff, v3  }
0x199: {  	[tilespmem:v6+s23+$0x0] =	vst.idx.add.s32.msk $0xffff, v3  }
0x19a: {  	[tilespmem:v7+s23+$0x0] =	vst.idx.add.s32.msk $0xffff, v3  }
0x19b: {  	[tilespmem:v10+s23+$0x0] =	vst.idx.add.s32.msk $0xffff, v3  }
0x19c: {  	v6 =	vld [tilespmem:s1+$0x30]  }
0x19d: {  	v7 =	vld [tilespmem:s1+$0xFFFFFFD0]  }
0x19e: {  	v20 =	vld [tilespmem:s1+$0xFFFFFFE0]  }
0x19f: {  	v63 =	vld [tilespmem:s1+$0xFFFFFFF0]  }
0x1a0: {  	v25 =	vld [tilespmem:s1+$0xFFFFFFC0];
	_ =	sdelay $0x1  }
0x1a1: {  	v22 =	vld [tilespmem:s1+$0x0]  }
0x1a2: {  	v5 =	vimm.s32 $0x0;
	v23 =	vld [tilespmem:s1+$0x10];
	v8 =	vshra.s32 v6, $0x14  }
0x1a3: {  	vm2 =	vlt.s32 v7, $0x0;
	v7 =	vshra.s32 v7, $0x14;
	v9 =	vshra.s32 v20, $0x14  }
0x1a4: {  	v24 =	vld [tilespmem:s1+$0x20];
	vm0 =	vlt.s32 v6, $0x0;
	v11 =	vshra.s32 v63, $0x14;
	v14 =	vshra.s32 v25, $0x14  }
0x1a5: {  	vm6 =	vlt.s32 v25, $0x0;
	vm4 =	vlt.s32 v20, $0x0;
	v8 =	vand.u32 $0xFFFFFFF0, v8  }
0x1a6: {  	vm1 =	vlt.s32 v63, $0x0;
	vm5 =	vlt.s32 v22, $0x0;
	v10 =	vxor.u32 $0x7F0, v8  }
0x1a7: {  	s7 =	sadd.s32 $0x8, s0;
	vm3 =	vlt.s32 v23, $0x0;
	v6 =	vand.u32 $0xFFFFFFF0, v7;
	v8 =	vsel vm0, v10, v8  }
0x1a8: {  	p0 =	slt.u32 s7, $0x7F8;
	v7 =	vand.u32 $0xFFFFFFF0, v9;
	v9 =	vand.u32 $0xFFFFFFF0, v11;
	v26 =	vadd.s32 v2, v8  }
.Ltmp14:
0x1a9: {  	v11 =	vshra.s32 v24, $0x14;
	v18 =	vand.u32 $0xFFFFFFF0, v14;
	v12 =	vxor.u32 $0x7F0, v6;
	(pc) =	sbr.rel @!p0 .LBB2_16-.Ltmp14, $4  }
0x1aa: {  	v13 =	vxor.u32 $0x7F0, v7;
	v11 =	vand.u32 $0xFFFFFFF0, v11;
	v10 =	vshra.s32 v22, $0x14  }
0x1ab: {  	v16 =	vxor.u32 $0x7F0, v9;
	v8 =	vand.u32 $0xFFFFFFF0, v10;
	v10 =	vshra.s32 v23, $0x14  }
0x1ac: {  	v19 =	vxor.u32 $0x7F0, v18;
	v14 =	vxor.u32 $0x7F0, v11;
	v10 =	vand.u32 $0xFFFFFFF0, v10  }
0x1ad: {  	s29 =	simm.s32 $0xFF;
	s30 =	simm.s32 $0x18FF0;
	s1 =	sadd.s32 $0x80, s1;
	vm0 =	vlt.s32 v24, $0x0;
	v15 =	vxor.u32 $0x7F0, v8;
	v17 =	vxor.u32 $0x7F0, v10;
	[tilespmem:v26+s23+$0x0] =	vst.idx.add.s32.msk $0xffff, v3  }
.LBB2_15:
0x1ae: {  	v20 =	vld [tilespmem:s1+$0x30];
	s7 =	sadd.s32 $0x8, s7;
	v18 =	vsel vm6, v19, v18;
	v6 =	vsel vm2, v12, v6;
	v7 =	vsel vm4, v13, v7  }
0x1af: {  	v9 =	vsel vm1, v16, v9;
	v8 =	vsel vm5, v15, v8;
	v10 =	vsel vm3, v17, v10;
	v12 =	vld [tilespmem:s1+$0xFFFFFFD0];
	p0 =	slt.u32 s7, $0x7F8  }
0x1b0: {  	v13 =	vadd.s32 v2, v18;
	v15 =	vadd.s32 v2, v6;
	v6 =	vsel vm0, v14, v11;
	v21 =	vld [tilespmem:s1+$0xFFFFFFE0]  }
0x1b1: {  	v11 =	vadd.s32 v2, v7;
	v14 =	vadd.s32 v2, v9;
	v16 =	vadd.s32 v2, v8;
	v22 =	vld [tilespmem:s1+$0xFFFFFFF0]  }
0x1b2: {  	v17 =	vadd.s32 v2, v10;
	v24 =	vadd.s32 v2, v6;
	v23 =	vld [tilespmem:s1+$0x0]  }
0x1b3: {  	v25 =	vld [tilespmem:s1+$0x10];
	v6 =	vshra.s32 v20, $0x14  }
0x1b4: {  	vm2 =	vlt.s32 v12, $0x0;
	v7 =	vshra.s32 v12, $0x14;
	v26 =	vld [tilespmem:s1+$0x20];
	v8 =	vand.u32 $0xFFFFFFF0, v6  }
0x1b5: {  	vm0 =	vlt.s32 v20, $0x0;
	v27 =	vld [tilespmem:s1+$0xFFFFFFC0];
	v9 =	vshra.s32 v21, $0x14;
	v10 =	vxor.u32 $0x7F0, v8  }
0x1b6: {  	v6 =	vand.u32 $0xFFFFFFF0, v7;
	v12 =	vshra.s32 v22, $0x14;
	v8 =	vsel vm0, v10, v8;
	[tilespmem:v13+s23+$0x0] =	vst.idx.add.s32.msk $0xffff, v3  }
0x1b7: {  	v7 =	vand.u32 $0xFFFFFFF0, v9;
	v10 =	vshra.s32 v23, $0x14;
	v20 =	vadd.s32 v2, v8;
	[tilespmem:v15+s23+$0x0] =	vst.idx.add.s32.msk $0xffff, v3  }
0x1b8: {  	v9 =	vand.u32 $0xFFFFFFF0, v12;
	v8 =	vand.u32 $0xFFFFFFF0, v10;
	v10 =	vshra.s32 v25, $0x14;
	[tilespmem:v11+s23+$0x0] =	vst.idx.add.s32.msk $0xffff, v3  }
0x1b9: {  	v12 =	vxor.u32 $0x7F0, v6;
	v10 =	vand.u32 $0xFFFFFFF0, v10;
	v11 =	vshra.s32 v26, $0x14;
	[tilespmem:v14+s23+$0x0] =	vst.idx.add.s32.msk $0xffff, v3  }
.Ltmp15:
0x1ba: {  	v13 =	vxor.u32 $0x7F0, v7;
	v14 =	vshra.s32 v27, $0x14;
	v11 =	vand.u32 $0xFFFFFFF0, v11;
	[tilespmem:v16+s23+$0x0] =	vst.idx.add.s32.msk $0xffff, v3;
	(pc) =	sbr.rel @p0 .LBB2_15-.Ltmp15, $4  }
0x1bb: {  	v15 =	vxor.u32 $0x7F0, v8;
	v16 =	vxor.u32 $0x7F0, v9;
	v18 =	vand.u32 $0xFFFFFFF0, v14;
	[tilespmem:v17+s23+$0x0] =	vst.idx.add.s32.msk $0xffff, v3  }
0x1bc: {  	v17 =	vxor.u32 $0x7F0, v10;
	v14 =	vxor.u32 $0x7F0, v11;
	v19 =	vxor.u32 $0x7F0, v18;
	[tilespmem:v20+s23+$0x0] =	vst.idx.add.s32.msk $0xffff, v3  }
0x1bd: {  	vm4 =	vlt.s32 v21, $0x0;
	vm1 =	vlt.s32 v22, $0x0;
	vm6 =	vlt.s32 v27, $0x0;
	[tilespmem:v24+s23+$0x0] =	vst.idx.add.s32.msk $0xffff, v3  }
0x1be: {  	s1 =	sadd.s32 $0x80, s1;
	vm5 =	vlt.s32 v23, $0x0;
	vm3 =	vlt.s32 v25, $0x0;
	vm0 =	vlt.s32 v26, $0x0  }
.LBB2_16:
0x1bf: {  	v18 =	vsel vm6, v19, v18  }
0x1c0: {  	v6 =	vsel vm2, v12, v6;
	v12 =	vadd.s32 v2, v18  }
0x1c1: {  	v7 =	vsel vm4, v13, v7;
	v6 =	vadd.s32 v2, v6  }
0x1c2: {  	v9 =	vsel vm1, v16, v9;
	v7 =	vadd.s32 v2, v7  }
0x1c3: {  	v8 =	vsel vm5, v15, v8;
	v9 =	vadd.s32 v2, v9  }
0x1c4: {  	v10 =	vsel vm3, v17, v10;
	v8 =	vadd.s32 v2, v8  }
0x1c5: {  	v11 =	vsel vm0, v14, v11;
	v10 =	vadd.s32 v2, v10;
	[tilespmem:v12+s23+$0x0] =	vst.idx.add.s32.msk $0xffff, v3  }
0x1c6: {  	v11 =	vadd.s32 v2, v11;
	[tilespmem:v6+s23+$0x0] =	vst.idx.add.s32.msk $0xffff, v3  }
0x1c7: {  	[tilespmem:v7+s23+$0x0] =	vst.idx.add.s32.msk $0xffff, v3  }
0x1c8: {  	[tilespmem:v9+s23+$0x0] =	vst.idx.add.s32.msk $0xffff, v3  }
0x1c9: {  	[tilespmem:v8+s23+$0x0] =	vst.idx.add.s32.msk $0xffff, v3  }
0x1ca: {  	[tilespmem:v10+s23+$0x0] =	vst.idx.add.s32.msk $0xffff, v3  }
0x1cb: {  	[tilespmem:v11+s23+$0x0] =	vst.idx.add.s32.msk $0xffff, v3  }
0x1cc: {  	v6 =	vld [tilespmem:s30+$0x0]  }
0x1cd: {  	v7 =	vld [tilespmem:s30+$0xFFFFFFF0]  }
0x1ce: {  	v8 =	vld [tilespmem:s30+$0xFFFFFFE0]  }
0x1cf: {  	v9 =	vld [tilespmem:s30+$0xFFFFFFD0];
	_ =	sdelay $0x1  }
0x1d0: {  	v10 =	vadd.s32 v5, v6  }
0x1d1: {  	v12 =	vadd.s32 v10, v7  }
0x1d2: {  	v13 =	vadd.s32 v12, v8  }
0x1d3: {  	v6 =	vadd.s32 v13, v9;
	v9 =	vld [tilespmem:$0x1FFF0]  }
0x1d4: {  	v7 =	vld [tilespmem:s30+$0xFFFFFFC0]  }
0x1d5: {  	vm1 =	vmxor vm1, vm1;
	vm0 =	vgt.s32 v10, $0x3F;
	v8 =	vld [tilespmem:s30+$0xFFFFFFB0]  }
0x1d6: {  	vm1 =	vmor vm1, vm0;
	vm2 =	vgt.s32 v12, $0x3F  }
0x1d7: {  	vm3 =	vmneg vm1;
	vm1 =	vmor vm1, vm2;
	vm4 =	vgt.s32 v13, $0x3F  }
0x1d8: {  	vm3 =	vmand vm2, vm3;
	vm2 =	vmneg vm1;
	vm5 =	vnez.u8 v9  }
0x1d9: {  	vm1 =	vmor vm1, vm4;
	v7 =	vadd.s32 v6, v7;
	vm0 =	vmand vm0, vm5  }
0x1da: {  	s1 =	sadd.s32 $0xFFFFFFFF, s29;
	vm4 =	vmand vm4, vm2;
	v8 =	vadd.s32 v7, v8;
	v9 =	vsel vm0, s29, v5  }
0x1db: {  	[tilespmem:s30+$0x0] =	vst v5;
	vm6 =	vgt.s32 v8, $0x3F;
	vm5 =	vgt.s32 v6, $0x3F;
	v9 =	vsel vm3, s1, v9;
	s1 =	sadd.s32 $0x8, s0  }
0x1dc: {  	v14 =	vld [tilespmem:s30+$0xFFFFFFA0];
	[tilespmem:s30+$0xFFFFFFE0] =	vst v5;
	v11 =	vsel vm0, v5, v5;
	vm0 =	vmneg vm1;
	vm1 =	vmor vm1, vm5;
	p0 =	slt.u32 s1, $0xF8  }
.Ltmp16:
0x1dd: {  	s31 =	sadd.s32 $0xFFFFFFFE, s29;
	[tilespmem:s30+$0xFFFFFFD0] =	vst v5;
	vm0 =	vmand vm5, vm0;
	vm5 =	vgt.s32 v7, $0x3F;
	v15 =	vsel vm3, v10, v11;
	v11 =	vld [tilespmem:s30+$0xFFFFFF90];
	(pc) =	sbr.rel @!p0 .LBB2_18-.Ltmp16, $4  }
0x1de: {  	s2 =	sadd.s32 $0xFFFFFFFD, s29;
	[tilespmem:s30+$0xFFFFFFC0] =	vst v5;
	vm2 =	vmneg vm1;
	v9 =	vsel vm4, s31, v9;
	vm1 =	vmor vm1, vm5  }
0x1df: {  	[tilespmem:s30+$0xFFFFFFB0] =	vst v5;
	v10 =	vsel vm0, s2, v9;
	vm3 =	vmor vm1, vm6  }
0x1e0: {  	s12 =	sadd.s32 $0xFFFFFFFC, s29;
	[tilespmem:s30+$0xFFFFFFA0] =	vst v5;
	vm1 =	vmneg vm1;
	v9 =	vsel vm4, v12, v15;
	vm4 =	vmneg vm3  }
0x1e1: {  	s7 =	sadd.s32 $0xFFFFFF80, s30;
	s9 =	smov.u32 s29;
	[tilespmem:s30+$0xFFFFFF90] =	vst v5;
	s0 =	simm.s32 $0x40;
	v12 =	vsel vm0, v13, v9;
	vm0 =	vmand vm6, vm1;
	v9 =	vadd.s32 v8, v14  }
.LBB2_17:
0x1e2: {  	v13 =	vld [tilespmem:s7+$0x0];
	s1 =	sadd.s32 $0x8, s1;
	[tilespmem:s30+$0xFFFFFFF0] =	vst v5;
	vm1 =	vmand vm5, vm2;
	vm2 =	vgt.s32 v9, $0x3F;
	v11 =	vadd.s32 v9, v11;
	s9 =	sadd.s32 $0xFFFFFFF8, s9  }
0x1e3: {  	s2 =	sadd.s32 $0xFFFFFFFB, s29;
	s30 =	smov.u32 s7;
	[tilespmem:s7+$0x0] =	vst v5;
	v14 =	vld [tilespmem:s7+$0xFFFFFFF0];
	p0 =	slt.u32 s1, $0xF8;
	v10 =	vsel vm1, s12, v10;
	v6 =	vsel vm1, v6, v12;
	vm1 =	vgt.s32 v11, $0x3F  }
0x1e4: {  	v12 =	vld [tilespmem:s7+$0xFFFFFFE0];
	v10 =	vsel vm0, s2, v10;
	v6 =	vsel vm0, v7, v6;
	vm0 =	vmor vm3, vm2  }
0x1e5: {  	s12 =	sadd.s32 $0xFFFFFFF9, s29;
	s2 =	sadd.s32 $0xFFFFFFFA, s29;
	vm2 =	vmand vm2, vm4;
	s29 =	smov.u32 s9;
	[tilespmem:s7+$0xFFFFFFE0] =	vst v5;
	vm3 =	vmneg vm0;
	vm0 =	vmor vm0, vm1  }
0x1e6: {  	v10 =	vsel vm2, s2, v10;
	v6 =	vsel vm2, v8, v6;
	v7 =	vld [tilespmem:s7+$0xFFFFFFD0];
	vm1 =	vmand vm1, vm3  }
0x1e7: {  	v8 =	vadd.s32 v11, v13;
	[tilespmem:s7+$0xFFFFFFD0] =	vst v5;
	v10 =	vsel vm1, s12, v10;
	v9 =	vsel vm1, v9, v6  }
0x1e8: {  	vm1 =	vmneg vm0;
	vm2 =	vgt.s32 v8, $0x3F;
	v13 =	vadd.s32 v8, v14;
	v14 =	vld [tilespmem:s7+$0xFFFFFFC0]  }
0x1e9: {  	vm0 =	vmor vm0, vm2;
	vm3 =	vgt.s32 v13, $0x3F;
	v12 =	vadd.s32 v13, v12;
	[tilespmem:s7+$0xFFFFFFC0] =	vst v5  }
0x1ea: {  	vm4 =	vmneg vm0;
	vm0 =	vmor vm0, vm3;
	vm5 =	vgt.s32 v12, $0x3F  }
0x1eb: {  	vm3 =	vmand vm3, vm4;
	vm4 =	vmneg vm0;
	v6 =	vadd.s32 v12, v7;
	v15 =	vld [tilespmem:s7+$0xFFFFFFB0]  }
0x1ec: {  	vm1 =	vmand vm2, vm1;
	vm0 =	vmor vm0, vm5;
	vm2 =	vgt.s32 v6, $0x3F;
	[tilespmem:s7+$0xFFFFFFB0] =	vst v5  }
0x1ed: {  	s2 =	sadd.s32 $0xFFFFFFFF, s9;
	v10 =	vsel vm1, s9, v10;
	v9 =	vsel vm1, v11, v9;
	v7 =	vadd.s32 v6, v14  }
0x1ee: {  	v10 =	vsel vm3, s2, v10;
	vm1 =	vmneg vm0;
	vm0 =	vmor vm0, vm2  }
0x1ef: {  	vm4 =	vmand vm5, vm4;
	vm1 =	vmand vm2, vm1;
	vm2 =	vmneg vm0;
	v14 =	vld [tilespmem:s7+$0xFFFFFFA0]  }
.Ltmp17:
0x1f0: {  	v9 =	vsel vm3, v8, v9;
	s2 =	sadd.s32 $0xFFFFFFFE, s9;
	vm5 =	vgt.s32 v7, $0x3F;
	v8 =	vadd.s32 v7, v15;
	[tilespmem:s7+$0xFFFFFFA0] =	vst v5;
	v11 =	vld [tilespmem:s7+$0xFFFFFF90];
	(pc) =	sbr.rel @p0 .LBB2_17-.Ltmp17, $4  }
0x1f1: {  	v10 =	vsel vm4, s2, v10;
	s2 =	sadd.s32 $0xFFFFFFFD, s9;
	vm0 =	vmor vm0, vm5;
	vm6 =	vgt.s32 v8, $0x3F;
	[tilespmem:s7+$0xFFFFFF90] =	vst v5  }
0x1f2: {  	v10 =	vsel vm1, s2, v10;
	vm7 =	vmneg vm0;
	vm3 =	vmor vm0, vm6  }
0x1f3: {  	v9 =	vsel vm4, v13, v9;
	vm4 =	vmneg vm3  }
0x1f4: {  	s12 =	sadd.s32 $0xFFFFFFFC, s9;
	v12 =	vsel vm1, v12, v9;
	s7 =	sadd.s32 $0xFFFFFF80, s7;
	vm0 =	vmand vm6, vm7;
	v9 =	vadd.s32 v8, v14  }
.LBB2_18:
0x1f5: {  	[tilespmem:s30+$0xFFFFFFF0] =	vst v5  }
0x1f6: {  	v13 =	vld [tilespmem:s0+$0x30]  }
0x1f7: {  	vm1 =	vmand vm5, vm2;
	vm2 =	vgt.s32 v9, $0x3F;
	v11 =	vadd.s32 v9, v11;
	v14 =	vld [tilespmem:s0+$0x20]  }
0x1f8: {  	s1 =	sadd.s32 $0xFFFFFFFB, s29;
	v10 =	vsel vm1, s12, v10;
	v6 =	vsel vm1, v6, v12;
	vm1 =	vgt.s32 v11, $0x3F;
	v11 =	vld [tilespmem:s0+$0x10]  }
0x1f9: {  	v15 =	vld [tilespmem:s0+$0x0];
	v10 =	vsel vm0, s1, v10;
	v6 =	vsel vm0, v7, v6;
	vm0 =	vmor vm3, vm2  }
0x1fa: {  	s31 =	sadd.s32 $0xFFFFFFFA, s29;
	v16 =	vld [tilespmem:s0+$0xFFFFFFF0];
	vm2 =	vmand vm2, vm4;
	vm3 =	vlt.s32 v5, $0x7FF;
	vm0 =	vmneg vm0  }
0x1fb: {  	s2 =	sadd.s32 $0xFFFFFFF9, s29;
	v17 =	vld [tilespmem:s0+$0xFFFFFFE0];
	v7 =	vsel vm2, s31, v10;
	v10 =	vnsel vm3, $0x7FF, v5;
	vm0 =	vmand vm1, vm0  }
0x1fc: {  	v18 =	vld [tilespmem:s0+$0xFFFFFFD0];
	v8 =	vsel vm2, v8, v6;
	v10 =	vshll.u32 v10, $0x4;
	v6 =	vsel vm0, s2, v7  }
0x1fd: {  	v19 =	vld [tilespmem:s0+$0xFFFFFFC0];
	v7 =	vsel vm0, v9, v8;
	v22 =	vor.u32 v0, v10;
	vm0 =	vlt.s32 v13, $0x0  }
0x1fe: {  	vm1 =	vlt.s32 v14, $0x0;
	v8 =	vxor.u32 $0x7FFFFFFF, v14;
	v10 =	vxor.u32 $0x7FFFFFFF, v13  }
0x1ff: {  	vm2 =	vlt.s32 v15, $0x0;
	vm3 =	vlt.s32 v11, $0x0;
	v9 =	vxor.u32 $0x7FFFFFFF, v11  }
0x200: {  	vm4 =	vlt.s32 v16, $0x0;
	v20 =	vxor.u32 $0x7FFFFFFF, v16;
	v21 =	vxor.u32 $0x7FFFFFFF, v15  }
0x201: {  	vm5 =	vlt.s32 v18, $0x0;
	vm6 =	vlt.s32 v17, $0x0;
	v23 =	vxor.u32 $0x7FFFFFFF, v17  }
0x202: {  	vm7 =	vlt.s32 v19, $0x0;
	v24 =	vxor.u32 $0x7FFFFFFF, v19;
	v25 =	vxor.u32 $0x7FFFFFFF, v18  }
0x203: {  	v9 =	vsel vm3, v9, v11;
	v12 =	vsel vm1, v8, v14;
	v14 =	vsel vm0, v10, v13  }
0x204: {  	v8 =	vsel vm6, v23, v17;
	v10 =	vsel vm4, v20, v16;
	v13 =	vsel vm2, v21, v15  }
0x205: {  	v23 =	vsel vm7, v24, v19;
	v11 =	vsel vm5, v25, v18;
	v15 =	vshra.s32 v14, $0x18  }
0x206: {  	v16 =	vshra.s32 v13, $0x18;
	v17 =	vshra.s32 v9, $0x18;
	v18 =	vshra.s32 v12, $0x18  }
0x207: {  	v19 =	vshra.s32 v11, $0x18;
	v20 =	vshra.s32 v8, $0x18;
	v21 =	vshra.s32 v10, $0x18  }
0x208: {  	v24 =	vshra.s32 v23, $0x18;
	v62 =	vadd.s32 $0x80, v18;
	v26 =	vadd.s32 $0x80, v15  }
0x209: {  	v15 =	vadd.s32 $0x80, v24;
	v18 =	vadd.s32 $0x80, v16;
	v63 =	vadd.s32 $0x80, v17  }
0x20a: {  	v17 =	vadd.s32 $0x80, v21;
	vm1 =	vge.s32 v15, v6;
	v15 =	vadd.s32 $0x80, v19  }
0x20b: {  	v19 =	vadd.s32 $0x80, v20;
	vm4 =	vge.s32 v17, v6;
	vm5 =	vge.s32 v18, v6  }
0x20c: {  	vm6 =	vge.s32 v63, v6;
	v16 =	vsel vm1, $0x1, v1;
	vm2 =	vge.s32 v15, v6  }
0x20d: {  	vm3 =	vge.s32 v19, v6;
	v15 =	vadd.s32 v16, v5;
	v5 =	vsel vm2, $0x1, v1  }
0x20e: {  	vm7 =	vge.s32 v62, v6;
	v16 =	vadd.s32 v5, v15;
	v5 =	vsel vm3, $0x1, v1  }
0x20f: {  	vm8 =	vge.s32 v26, v6;
	v17 =	vadd.s32 v5, v16;
	v5 =	vsel vm4, $0x1, v1  }
0x210: {  	v18 =	vadd.s32 v5, v17;
	v5 =	vsel vm5, $0x1, v1;
	vm10 =	vlt.s32 v17, $0x7FF  }
0x211: {  	v19 =	vadd.s32 v5, v18;
	v5 =	vsel vm6, $0x1, v1;
	[tilespmem:v22+s21+$0x0] =	vst.idx.msk vm1, v23;
	vm1 =	vlt.s32 v16, $0x7FF  }
0x212: {  	vm12 =	vlt.s32 v18, $0x7FF;
	v20 =	vadd.s32 v5, v19;
	v5 =	vsel vm7, $0x1, v1  }
0x213: {  	vm9 =	vlt.s32 v19, $0x7FF;
	v21 =	vadd.s32 v5, v20;
	v5 =	vsel vm8, $0x1, v1  }
0x214: {  	s1 =	simm.s32 $0x0;
	vm0 =	vlt.s32 v20, $0x7FF;
	vm11 =	vlt.s32 v21, $0x7FF;
	v5 =	vadd.s32 v5, v21  }
.LBB2_19:
0x215: {  	vm13 =	vlt.s32 v5, $0x7FF;
	vm14 =	vlt.s32 v15, $0x7FF;
	v21 =	vnsel vm11, $0x7FF, v21;
	s0 =	sadd.s32 $0x80, s0  }
0x216: {  	v18 =	vnsel vm12, $0x7FF, v18;
	v19 =	vnsel vm9, $0x7FF, v19;
	v20 =	vnsel vm0, $0x7FF, v20;
	v22 =	vld [tilespmem:s0+$0x30]  }
0x217: {  	v16 =	vnsel vm1, $0x7FF, v16;
	v17 =	vnsel vm10, $0x7FF, v17;
	v15 =	vnsel vm14, $0x7FF, v15;
	v23 =	vld [tilespmem:s0+$0x20]  }
0x218: {  	v24 =	vnsel vm13, $0x7FF, v5;
	v20 =	vshll.u32 v20, $0x4;
	v21 =	vshll.u32 v21, $0x4;
	v25 =	vld [tilespmem:s0+$0x10]  }
0x219: {  	s1 =	sadd.s32 $0x8, s1;
	v17 =	vshll.u32 v17, $0x4;
	v18 =	vshll.u32 v18, $0x4;
	v19 =	vshll.u32 v19, $0x4;
	v26 =	vld [tilespmem:s0+$0x0]  }
0x21a: {  	p0 =	slt.u32 s1, $0x7F8;
	v16 =	vshll.u32 v16, $0x4;
	v24 =	vshll.u32 v24, $0x4;
	v15 =	vshll.u32 v15, $0x4;
	v27 =	vld [tilespmem:s0+$0xFFFFFFF0]  }
0x21b: {  	v19 =	vor.u32 v0, v19;
	v20 =	vor.u32 v0, v20;
	v21 =	vor.u32 v0, v21;
	v28 =	vld [tilespmem:s0+$0xFFFFFFE0]  }
0x21c: {  	v16 =	vor.u32 v0, v16;
	v17 =	vor.u32 v0, v17;
	v18 =	vor.u32 v0, v18;
	v29 =	vld [tilespmem:s0+$0xFFFFFFD0]  }
0x21d: {  	v24 =	vor.u32 v0, v24;
	v15 =	vor.u32 v0, v15;
	vm0 =	vlt.s32 v22, $0x0;
	v30 =	vld [tilespmem:s0+$0xFFFFFFC0]  }
0x21e: {  	v32 =	vxor.u32 $0x7FFFFFFF, v22;
	vm1 =	vlt.s32 v23, $0x0;
	v31 =	vxor.u32 $0x7FFFFFFF, v23  }
0x21f: {  	vm10 =	vlt.s32 v25, $0x0;
	v33 =	vxor.u32 $0x7FFFFFFF, v25;
	vm9 =	vlt.s32 v26, $0x0  }
0x220: {  	v35 =	vxor.u32 $0x7FFFFFFF, v26;
	vm11 =	vlt.s32 v27, $0x0;
	v34 =	vxor.u32 $0x7FFFFFFF, v27;
	[tilespmem:v21+s21+$0x0] =	vst.idx.msk vm8, v14  }
0x221: {  	vm12 =	vlt.s32 v28, $0x0;
	v21 =	vxor.u32 $0x7FFFFFFF, v28;
	vm8 =	vlt.s32 v29, $0x0;
	[tilespmem:v20+s21+$0x0] =	vst.idx.msk vm7, v12  }
0x222: {  	v36 =	vxor.u32 $0x7FFFFFFF, v29;
	vm7 =	vlt.s32 v30, $0x0;
	v20 =	vxor.u32 $0x7FFFFFFF, v30;
	[tilespmem:v19+s21+$0x0] =	vst.idx.msk vm6, v9  }
0x223: {  	v14 =	vsel vm0, v32, v22;
	v12 =	vsel vm1, v31, v23;
	v9 =	vsel vm10, v33, v25  }
0x224: {  	v22 =	vsel vm9, v35, v26;
	v19 =	vsel vm12, v21, v28;
	v21 =	vsel vm11, v34, v27  }
0x225: {  	v23 =	vsel vm8, v36, v29;
	v25 =	vshra.s32 v14, $0x18;
	v20 =	vsel vm7, v20, v30;
	[tilespmem:v18+s21+$0x0] =	vst.idx.msk vm5, v13  }
0x226: {  	v27 =	vshra.s32 v12, $0x18;
	v26 =	vshra.s32 v9, $0x18;
	v18 =	vshra.s32 v22, $0x18;
	v13 =	vmovc v22;
	[tilespmem:v17+s21+$0x0] =	vst.idx.msk vm4, v10;
	v10 =	vmovc v21  }
0x227: {  	v17 =	vshra.s32 v23, $0x18;
	v21 =	vshra.s32 v19, $0x18;
	v22 =	vshra.s32 v10, $0x18;
	[tilespmem:v16+s21+$0x0] =	vst.idx.msk vm3, v8;
	v8 =	vmovc v19  }
0x228: {  	v27 =	vadd.s32 $0x80, v27;
	v25 =	vadd.s32 $0x80, v25;
	v16 =	vshra.s32 v20, $0x18;
	[tilespmem:v15+s21+$0x0] =	vst.idx.msk vm2, v11;
	v11 =	vmovc v23  }
0x229: {  	v18 =	vadd.s32 $0x80, v18;
	v19 =	vadd.s32 $0x80, v26;
	v15 =	vadd.s32 $0x80, v16  }
0x22a: {  	vm0 =	vge.s32 v15, v6;
	v15 =	vadd.s32 $0x80, v17;
	v17 =	vadd.s32 $0x80, v22  }
0x22b: {  	v21 =	vadd.s32 $0x80, v21;
	v16 =	vsel vm0, $0x1, v1;
	vm2 =	vge.s32 v15, v6  }
0x22c: {  	vm3 =	vge.s32 v21, v6;
	v15 =	vadd.s32 v16, v5;
	v5 =	vsel vm2, $0x1, v1  }
0x22d: {  	vm4 =	vge.s32 v17, v6;
	v16 =	vadd.s32 v5, v15;
	v5 =	vsel vm3, $0x1, v1  }
0x22e: {  	vm5 =	vge.s32 v18, v6;
	v17 =	vadd.s32 v5, v16;
	v5 =	vsel vm4, $0x1, v1  }
0x22f: {  	vm6 =	vge.s32 v19, v6;
	v18 =	vadd.s32 v5, v17;
	v5 =	vsel vm5, $0x1, v1  }
.Ltmp18:
0x230: {  	vm7 =	vge.s32 v27, v6;
	v19 =	vadd.s32 v5, v18;
	v5 =	vsel vm6, $0x1, v1;
	[tilespmem:v24+s21+$0x0] =	vst.idx.msk vm0, v20;
	(pc) =	sbr.rel @p0 .LBB2_19-.Ltmp18, $4  }
0x231: {  	vm8 =	vge.s32 v25, v6;
	v20 =	vadd.s32 v5, v19;
	v5 =	vsel vm7, $0x1, v1  }
0x232: {  	vm0 =	vlt.s32 v20, $0x7FF;
	v21 =	vadd.s32 v5, v20;
	v5 =	vsel vm8, $0x1, v1  }
0x233: {  	s29 =	simm.s32 $0x8040;
	vm9 =	vlt.s32 v19, $0x7FF;
	vm11 =	vlt.s32 v21, $0x7FF;
	v5 =	vadd.s32 v5, v21  }
0x234: {  	vm1 =	vlt.s32 v16, $0x7FF;
	vm10 =	vlt.s32 v17, $0x7FF;
	vm12 =	vlt.s32 v18, $0x7FF  }
0x235: {  	v21 =	vnsel vm11, $0x7FF, v21  }
0x236: {  	vm11 =	vlt.s32 v15, $0x7FF;
	v20 =	vnsel vm0, $0x7FF, v20;
	v21 =	vshll.u32 v21, $0x4  }
0x237: {  	v19 =	vnsel vm9, $0x7FF, v19;
	v20 =	vshll.u32 v20, $0x4;
	v21 =	vor.u32 v0, v21  }
0x238: {  	v18 =	vnsel vm12, $0x7FF, v18;
	v19 =	vshll.u32 v19, $0x4;
	v20 =	vor.u32 v0, v20  }
0x239: {  	v17 =	vnsel vm10, $0x7FF, v17;
	v18 =	vshll.u32 v18, $0x4;
	v19 =	vor.u32 v0, v19  }
0x23a: {  	v16 =	vnsel vm1, $0x7FF, v16;
	v17 =	vshll.u32 v17, $0x4;
	v18 =	vor.u32 v0, v18  }
0x23b: {  	v15 =	vnsel vm11, $0x7FF, v15;
	v16 =	vshll.u32 v16, $0x4;
	v17 =	vor.u32 v0, v17  }
0x23c: {  	v15 =	vshll.u32 v15, $0x4;
	v16 =	vor.u32 v0, v16;
	[tilespmem:v21+s21+$0x0] =	vst.idx.msk vm8, v14  }
0x23d: {  	v14 =	vor.u32 v0, v15;
	[tilespmem:v20+s21+$0x0] =	vst.idx.msk vm7, v12  }
0x23e: {  	[tilespmem:v19+s21+$0x0] =	vst.idx.msk vm6, v9  }
0x23f: {  	[tilespmem:v18+s21+$0x0] =	vst.idx.msk vm5, v13  }
0x240: {  	[tilespmem:v17+s21+$0x0] =	vst.idx.msk vm4, v10  }
0x241: {  	[tilespmem:v16+s21+$0x0] =	vst.idx.msk vm3, v8  }
0x242: {  	[tilespmem:v14+s21+$0x0] =	vst.idx.msk vm2, v11  }
0x243: {  	v8 =	vld [tilespmem:s29+$0x30]  }
0x244: {  	v9 =	vld [tilespmem:s29+$0x20]  }
0x245: {  	v10 =	vld [tilespmem:s29+$0x10]  }
0x246: {  	v12 =	vld [tilespmem:s29+$0x0]  }
0x247: {  	vm0 =	vlt.s32 v5, $0x7FF;
	v15 =	vld [tilespmem:s29+$0xFFFFFFF0]  }
0x248: {  	v11 =	vnsel vm0, $0x7FF, v5;
	v16 =	vld [tilespmem:s29+$0xFFFFFFE0]  }
0x249: {  	v11 =	vshll.u32 v11, $0x4;
	v17 =	vld [tilespmem:s29+$0xFFFFFFD0]  }
0x24a: {  	v18 =	vld [tilespmem:s29+$0xFFFFFFC0];
	v22 =	vor.u32 v0, v11;
	vm0 =	vlt.s32 v8, $0x0  }
0x24b: {  	vm1 =	vlt.s32 v9, $0x0;
	v13 =	vxor.u32 $0x7FFFFFFF, v9;
	v14 =	vxor.u32 $0x7FFFFFFF, v8  }
0x24c: {  	vm2 =	vlt.s32 v12, $0x0;
	vm3 =	vlt.s32 v10, $0x0;
	v11 =	vxor.u32 $0x7FFFFFFF, v10  }
0x24d: {  	vm4 =	vlt.s32 v15, $0x0;
	v19 =	vxor.u32 $0x7FFFFFFF, v15;
	v20 =	vxor.u32 $0x7FFFFFFF, v12  }
0x24e: {  	vm5 =	vlt.s32 v17, $0x0;
	vm6 =	vlt.s32 v16, $0x0;
	v21 =	vxor.u32 $0x7FFFFFFF, v16  }
0x24f: {  	vm7 =	vlt.s32 v18, $0x0;
	v23 =	vxor.u32 $0x7FFFFFFF, v18;
	v24 =	vxor.u32 $0x7FFFFFFF, v17  }
0x250: {  	v11 =	vsel vm3, v11, v10;
	v13 =	vsel vm1, v13, v9;
	v14 =	vsel vm0, v14, v8  }
0x251: {  	v8 =	vsel vm6, v21, v16;
	v10 =	vsel vm4, v19, v15;
	v12 =	vsel vm2, v20, v12  }
0x252: {  	v23 =	vsel vm7, v23, v18;
	v9 =	vsel vm5, v24, v17;
	v15 =	vshra.s32 v14, $0x18  }
0x253: {  	v16 =	vshra.s32 v12, $0x18;
	v17 =	vshra.s32 v11, $0x18;
	v18 =	vshra.s32 v13, $0x18  }
0x254: {  	v19 =	vshra.s32 v9, $0x18;
	v20 =	vshra.s32 v8, $0x18;
	v21 =	vshra.s32 v10, $0x18  }
0x255: {  	v62 =	vshra.s32 v23, $0x18;
	v25 =	vadd.s32 $0x80, v18;
	v26 =	vadd.s32 $0x80, v15  }
0x256: {  	v15 =	vadd.s32 $0x80, v62;
	v18 =	vadd.s32 $0x80, v16;
	v63 =	vadd.s32 $0x80, v17  }
0x257: {  	v17 =	vadd.s32 $0x80, v21;
	vm1 =	vge.s32 v15, v6;
	v15 =	vadd.s32 $0x80, v19  }
0x258: {  	v19 =	vadd.s32 $0x80, v20;
	vm4 =	vge.s32 v17, v6;
	vm5 =	vge.s32 v18, v6  }
0x259: {  	vm6 =	vge.s32 v63, v6;
	v16 =	vsel vm1, $0x1, v1;
	vm2 =	vge.s32 v15, v6  }
0x25a: {  	vm3 =	vge.s32 v19, v6;
	v15 =	vadd.s32 v16, v5;
	v5 =	vsel vm2, $0x1, v1  }
0x25b: {  	vm7 =	vge.s32 v25, v6;
	v16 =	vadd.s32 v5, v15;
	v5 =	vsel vm3, $0x1, v1  }
0x25c: {  	vm8 =	vge.s32 v26, v6;
	v17 =	vadd.s32 v5, v16;
	v5 =	vsel vm4, $0x1, v1  }
0x25d: {  	v18 =	vadd.s32 v5, v17;
	v5 =	vsel vm5, $0x1, v1;
	vm9 =	vlt.s32 v17, $0x7FF  }
0x25e: {  	v19 =	vadd.s32 v5, v18;
	v5 =	vsel vm6, $0x1, v1;
	[tilespmem:v22+s21+$0x0] =	vst.idx.msk vm1, v23;
	vm1 =	vlt.s32 v16, $0x7FF  }
0x25f: {  	vm12 =	vlt.s32 v18, $0x7FF;
	v20 =	vadd.s32 v5, v19;
	v5 =	vsel vm7, $0x1, v1  }
0x260: {  	vm10 =	vlt.s32 v19, $0x7FF;
	v21 =	vadd.s32 v5, v20;
	v5 =	vsel vm8, $0x1, v1  }
0x261: {  	s0 =	simm.s32 $0x0;
	vm0 =	vlt.s32 v20, $0x7FF;
	vm11 =	vlt.s32 v21, $0x7FF;
	v5 =	vadd.s32 v5, v21  }
.LBB2_21:
0x262: {  	vm13 =	vlt.s32 v5, $0x7FF;
	vm14 =	vlt.s32 v15, $0x7FF;
	v21 =	vnsel vm11, $0x7FF, v21;
	s29 =	sadd.s32 $0x80, s29  }
0x263: {  	v18 =	vnsel vm12, $0x7FF, v18;
	v19 =	vnsel vm10, $0x7FF, v19;
	v20 =	vnsel vm0, $0x7FF, v20;
	v22 =	vld [tilespmem:s29+$0x30]  }
0x264: {  	v16 =	vnsel vm1, $0x7FF, v16;
	v17 =	vnsel vm9, $0x7FF, v17;
	v15 =	vnsel vm14, $0x7FF, v15;
	v23 =	vld [tilespmem:s29+$0x20]  }
0x265: {  	v24 =	vnsel vm13, $0x7FF, v5;
	v20 =	vshll.u32 v20, $0x4;
	v21 =	vshll.u32 v21, $0x4;
	v25 =	vld [tilespmem:s29+$0x10]  }
0x266: {  	s0 =	sadd.s32 $0x8, s0;
	v17 =	vshll.u32 v17, $0x4;
	v18 =	vshll.u32 v18, $0x4;
	v19 =	vshll.u32 v19, $0x4;
	v26 =	vld [tilespmem:s29+$0x0]  }
0x267: {  	p0 =	slt.u32 s0, $0x7F8;
	v16 =	vshll.u32 v16, $0x4;
	v24 =	vshll.u32 v24, $0x4;
	v15 =	vshll.u32 v15, $0x4;
	v27 =	vld [tilespmem:s29+$0xFFFFFFF0]  }
0x268: {  	v19 =	vor.u32 v0, v19;
	v20 =	vor.u32 v0, v20;
	v21 =	vor.u32 v0, v21;
	v28 =	vld [tilespmem:s29+$0xFFFFFFE0]  }
0x269: {  	v16 =	vor.u32 v0, v16;
	v17 =	vor.u32 v0, v17;
	v18 =	vor.u32 v0, v18;
	v29 =	vld [tilespmem:s29+$0xFFFFFFD0]  }
0x26a: {  	v24 =	vor.u32 v0, v24;
	v15 =	vor.u32 v0, v15;
	vm0 =	vlt.s32 v22, $0x0;
	v30 =	vld [tilespmem:s29+$0xFFFFFFC0]  }
0x26b: {  	v32 =	vxor.u32 $0x7FFFFFFF, v22;
	vm1 =	vlt.s32 v23, $0x0;
	v31 =	vxor.u32 $0x7FFFFFFF, v23  }
0x26c: {  	vm10 =	vlt.s32 v25, $0x0;
	v33 =	vxor.u32 $0x7FFFFFFF, v25;
	vm9 =	vlt.s32 v26, $0x0  }
0x26d: {  	v35 =	vxor.u32 $0x7FFFFFFF, v26;
	vm11 =	vlt.s32 v27, $0x0;
	v34 =	vxor.u32 $0x7FFFFFFF, v27;
	[tilespmem:v21+s21+$0x0] =	vst.idx.msk vm8, v14  }
0x26e: {  	vm12 =	vlt.s32 v28, $0x0;
	v21 =	vxor.u32 $0x7FFFFFFF, v28;
	vm8 =	vlt.s32 v29, $0x0;
	[tilespmem:v20+s21+$0x0] =	vst.idx.msk vm7, v13  }
0x26f: {  	v36 =	vxor.u32 $0x7FFFFFFF, v29;
	vm7 =	vlt.s32 v30, $0x0;
	v20 =	vxor.u32 $0x7FFFFFFF, v30;
	[tilespmem:v19+s21+$0x0] =	vst.idx.msk vm6, v11  }
0x270: {  	v14 =	vsel vm0, v32, v22;
	v13 =	vsel vm1, v31, v23;
	v11 =	vsel vm10, v33, v25  }
0x271: {  	v22 =	vsel vm9, v35, v26;
	v19 =	vsel vm12, v21, v28;
	v21 =	vsel vm11, v34, v27  }
0x272: {  	v23 =	vsel vm8, v36, v29;
	v25 =	vshra.s32 v14, $0x18;
	v20 =	vsel vm7, v20, v30;
	[tilespmem:v18+s21+$0x0] =	vst.idx.msk vm5, v12  }
0x273: {  	v27 =	vshra.s32 v13, $0x18;
	v26 =	vshra.s32 v11, $0x18;
	v18 =	vshra.s32 v22, $0x18;
	v12 =	vmovc v22;
	[tilespmem:v17+s21+$0x0] =	vst.idx.msk vm4, v10;
	v10 =	vmovc v21  }
0x274: {  	v17 =	vshra.s32 v23, $0x18;
	v21 =	vshra.s32 v19, $0x18;
	v22 =	vshra.s32 v10, $0x18;
	[tilespmem:v16+s21+$0x0] =	vst.idx.msk vm3, v8;
	v8 =	vmovc v19  }
0x275: {  	v27 =	vadd.s32 $0x80, v27;
	v25 =	vadd.s32 $0x80, v25;
	v16 =	vshra.s32 v20, $0x18;
	[tilespmem:v15+s21+$0x0] =	vst.idx.msk vm2, v9;
	v9 =	vmovc v23  }
0x276: {  	v18 =	vadd.s32 $0x80, v18;
	v19 =	vadd.s32 $0x80, v26;
	v15 =	vadd.s32 $0x80, v16  }
0x277: {  	vm0 =	vge.s32 v15, v6;
	v15 =	vadd.s32 $0x80, v17;
	v17 =	vadd.s32 $0x80, v22  }
0x278: {  	v21 =	vadd.s32 $0x80, v21;
	v16 =	vsel vm0, $0x1, v1;
	vm2 =	vge.s32 v15, v6  }
0x279: {  	vm3 =	vge.s32 v21, v6;
	v15 =	vadd.s32 v16, v5;
	v5 =	vsel vm2, $0x1, v1  }
0x27a: {  	vm4 =	vge.s32 v17, v6;
	v16 =	vadd.s32 v5, v15;
	v5 =	vsel vm3, $0x1, v1  }
0x27b: {  	vm5 =	vge.s32 v18, v6;
	v17 =	vadd.s32 v5, v16;
	v5 =	vsel vm4, $0x1, v1  }
0x27c: {  	vm6 =	vge.s32 v19, v6;
	v18 =	vadd.s32 v5, v17;
	v5 =	vsel vm5, $0x1, v1  }
.Ltmp19:
0x27d: {  	vm7 =	vge.s32 v27, v6;
	v19 =	vadd.s32 v5, v18;
	v5 =	vsel vm6, $0x1, v1;
	[tilespmem:v24+s21+$0x0] =	vst.idx.msk vm0, v20;
	(pc) =	sbr.rel @p0 .LBB2_21-.Ltmp19, $4  }
0x27e: {  	vm8 =	vge.s32 v25, v6;
	v20 =	vadd.s32 v5, v19;
	v5 =	vsel vm7, $0x1, v1  }
0x27f: {  	vm0 =	vlt.s32 v20, $0x7FF;
	v21 =	vadd.s32 v5, v20;
	v5 =	vsel vm8, $0x1, v1  }
0x280: {  	vm10 =	vlt.s32 v19, $0x7FF;
	vm11 =	vlt.s32 v21, $0x7FF;
	v5 =	vadd.s32 v5, v21  }
0x281: {  	vm1 =	vlt.s32 v16, $0x7FF;
	vm9 =	vlt.s32 v17, $0x7FF;
	vm12 =	vlt.s32 v18, $0x7FF  }
0x282: {  	v22 =	vxor.u32 $0x80000000, v5  }
0x283: {  	(xrf0) =	vmax.scan.msk.u32 $0xffff, v22;
	_ =	sdelay $0x5  }
0x284: {  	v22, _, _ =	vpop (xrf0)  }
0x285: {  	(v2sf) =	vpush v22, $0xF;
	_ =	sdelay $0x6  }
0x286: {  	v21 =	vnsel vm11, $0x7FF, v21  }
0x287: {  	vm15 =	vlt.s32 v15, $0x7FF;
	v20 =	vnsel vm0, $0x7FF, v20;
	v21 =	vshll.u32 v21, $0x4  }
0x288: {  	v19 =	vnsel vm10, $0x7FF, v19;
	v20 =	vshll.u32 v20, $0x4;
	v21 =	vor.u32 v0, v21  }
0x289: {  	v18 =	vnsel vm12, $0x7FF, v18;
	v19 =	vshll.u32 v19, $0x4;
	v20 =	vor.u32 v0, v20  }
0x28a: {  	v17 =	vnsel vm9, $0x7FF, v17;
	v18 =	vshll.u32 v18, $0x4;
	v19 =	vor.u32 v0, v19  }
0x28b: {  	v16 =	vnsel vm1, $0x7FF, v16;
	v17 =	vshll.u32 v17, $0x4;
	v18 =	vor.u32 v0, v18  }
0x28c: {  	v15 =	vnsel vm15, $0x7FF, v15;
	v16 =	vshll.u32 v16, $0x4;
	v17 =	vor.u32 v0, v17  }
0x28d: {  	v15 =	vshll.u32 v15, $0x4;
	v16 =	vor.u32 v0, v16;
	[tilespmem:v21+s21+$0x0] =	vst.idx.msk vm8, v14  }
0x28e: {  	v63 =	vor.u32 v0, v15;
	[tilespmem:v20+s21+$0x0] =	vst.idx.msk vm7, v13;
	s0 =	spop (v2sf)  }
0x28f: {  	[tilespmem:v19+s21+$0x0] =	vst.idx.msk vm6, v11;
	s30 =	sadd.s32 $0x80000007, s0  }
0x290: {  	[tilespmem:v18+s21+$0x0] =	vst.idx.msk vm5, v12;
	s0 =	sshra.s32 s30, $0x1F  }
0x291: {  	[tilespmem:v17+s21+$0x0] =	vst.idx.msk vm4, v10;
	s0 =	sshrl.u32 s0, $0x1D  }
0x292: {  	[tilespmem:v16+s21+$0x0] =	vst.idx.msk vm3, v8;
	s0 =	sadd.s32 s0, s30  }
0x293: {  	[tilespmem:v63+s21+$0x0] =	vst.idx.msk vm2, v9;
	s31 =	sand.u32 $0x7, s30;
	s0 =	sshra.s32 s0, $0x3  }
.LBB2_23:
0x294: {  	s29 =	sadd.s32 $0x1, s28  }
0x295: {  	s1 =	sshll.u32 s29, $0x5  }
0x296: {  	s1 =	sor.u32 s4, s1  }
0x297: {  	s1 =	smin.u32 s1, $0xFF  }
0x298: {  	s2 =	sshll.u32 s1, $0x1;
	s1 =	sshll.u32 s1, $0xD  }
0x299: {  	s1 =	sor.u32 s2, s1  }
0x29a: {  	s1 =	sand.u32 $0x18007E, s1  }
0x29b: {  	s7 =	simm.s32 $0x0;
	s14 =	sadd.s32 s3, s1  }
0x29c: {  	[tilespmem:s7], [sflag:$0x1] =	stream.strided.gather [hbm4b:s14+s15], $0x4000, s16, s15, $0x38;
	[tilespmem:$0x19800] =	vst v63  }
0x29d: {  	s25 =	sadd.s32 s1, s8  }
0x29e: {  	[tilespmem:s17], [sflag:$0x1] =	stream.strided.gather [hbm4b:s25+s15], $0x4000, s16, s15, $0x38;
	[tilespmem:$0x19800] =	vst v63  }
0x29f: {  	p0 =	slt.s32 s30, $0x1;
	p1 =	sne.s32 s31, $0x0;
	s26 =	sadd.s32 s1, s10  }
0x2a0: {  	[tilespmem:s18], [sflag:$0x2] =	stream.strided.gather [hbm4b:s26+s15], $0x4000, s16, s15, $0x38;
	[tilespmem:$0x19800] =	vst v63  }
0x2a1: {  	p0 =	por !p0, !p1;
	s1 =	sadd.s32 s1, s11  }
0x2a2: {  	[tilespmem:s19], [sflag:$0x2] =	stream.strided.gather [hbm4b:s1+s15], $0x4000, s16, s15, $0x38;
	[tilespmem:$0x19800] =	vst v63  }
0x2a3: {  	p0 =	por !p0, !p0;
	s1 =	simm.s32 $0x1  }
0x2a4: {  	s1 =	simm.s32 @!p0 $0x0  }
0x2a5: {  	s0 =	ssub.s32 s0, s1  }
0x2a6: {  	s30 =	sshll.u32 s0, $0x3  }
0x2a7: {  	p0 =	sgt.s32 s30, $0x0  }
.Ltmp20:
0x2a8: {  	_ = 	snop;
	(pc) =	sbr.rel @!p0 .LBB2_24-.Ltmp20, $3  }
0x2a9: {  	_ =	sdelay $0x1  }
0x2aa: {  	v8 =	vshll.u32 v6, $0x8  }
0x2ab: {  	v8 =	vadd.s32 $0xFFFF8000, v8  }
0x2ac: {  	s1 =	simm.s32 $0x10040  }
0x2ad: {  	v10 =	vld [tilespmem:s1+$0x30]  }
0x2ae: {  	s0 =	simm.s32 $0x0;
	v12 =	vld [tilespmem:s1+$0xFFFFFFE0]  }
0x2af: {  	s13 =	simm.s32 $0x1;
	v9 =	vmov s0;
	v15 =	vld [tilespmem:s1+$0xFFFFFFF0]  }
0x2b0: {  	s2 =	simm.s32 $0x2;
	v11 =	vmov s13;
	vm14 =	vlt.s32 v9, v5;
	v9 =	vld [tilespmem:s1+$0xFFFFFFD0]  }
0x2b1: {  	s7 =	simm.s32 $0x3;
	v13 =	vmov s2;
	vm8 =	vlt.s32 v11, v5;
	v11 =	vld [tilespmem:s1+$0x0]  }
0x2b2: {  	v14 =	vmov s7;
	vm5 =	vlt.s32 v13, v5;
	v13 =	vld [tilespmem:s1+$0x10]  }
0x2b3: {  	s14 =	simm.s32 $0x4;
	s25 =	simm.s32 $0x5;
	s26 =	simm.s32 $0x6;
	vm6 =	vlt.s32 v14, v5;
	v14 =	vld [tilespmem:s1+$0x20]  }
0x2b4: {  	v16 =	vmov s14;
	v17 =	vmov s25;
	v18 =	vmov s26  }
0x2b5: {  	s31 =	simm.s32 $0x7;
	vm7 =	vlt.s32 v16, v5;
	vm4 =	vlt.s32 v17, v5;
	vm3 =	vlt.s32 v18, v5  }
0x2b6: {  	v17 =	vmov s31;
	v10 =	vshra.s32 v10, $0x10;
	v12 =	vshra.s32 v12, $0x10  }
0x2b7: {  	v15 =	vshra.s32 v15, $0x10;
	v9 =	vshra.s32 v9, $0x10;
	v10 =	vsub.s32 v10, v8  }
0x2b8: {  	v11 =	vshra.s32 v11, $0x10;
	v13 =	vshra.s32 v13, $0x10;
	v14 =	vshra.s32 v14, $0x10  }
0x2b9: {  	v12 =	vsub.s32 v12, v8;
	v15 =	vsub.s32 v15, v8;
	v9 =	vsub.s32 v9, v8  }
0x2ba: {  	vm0 =	vgt.s32 v10, $0x0;
	vm1 =	vlt.u32 v10, $0x100;
	v11 =	vsub.s32 v11, v8  }
0x2bb: {  	v13 =	vsub.s32 v13, v8;
	v14 =	vsub.s32 v14, v8;
	vm10 =	vgt.s32 v12, $0x0  }
0x2bc: {  	vm11 =	vgt.s32 v15, $0x0;
	vm15 =	vlt.u32 v15, $0x100;
	v62 =	vnsel vm0, $0x0, v10  }
0x2bd: {  	vm0 =	vlt.s32 v17, v5;
	vm9 =	vgt.s32 v9, $0x0;
	vm12 =	vgt.s32 v11, $0x0  }
0x2be: {  	v16 =	vld [tilespmem:s1+$0xFFFFFFC0];
	vm13 =	vgt.s32 v14, $0x0;
	v19 =	vnsel vm10, $0x0, v12;
	v20 =	vnsel vm11, $0x0, v15  }
0x2bf: {  	vm11 =	vlt.u32 v12, $0x100;
	vm2 =	vlt.u32 v11, $0x100;
	v10 =	vmin.u32 v62, $0xFF  }
0x2c0: {  	vm0 =	vmand vm0, vm1;
	v63 =	vnsel vm9, $0x0, v9;
	v21 =	vnsel vm12, $0x0, v11  }
0x2c1: {  	v19 =	vmin.u32 v19, $0xFF;
	v20 =	vmin.u32 v20, $0xFF;
	vm9 =	vlt.u32 v9, $0x100  }
0x2c2: {  	vm12 =	vlt.u32 v13, $0x100;
	v10 =	vshll.u32 v10, $0x4;
	v18 =	vmin.u32 v63, $0xFF  }
0x2c3: {  	v21 =	vmin.u32 v21, $0xFF;
	v17 =	vor.u32 v0, v10;
	v10 =	vshra.s32 v16, $0x10  }
0x2c4: {  	v19 =	vshll.u32 v19, $0x4;
	v20 =	vshll.u32 v20, $0x4;
	v10 =	vsub.s32 v10, v8  }
0x2c5: {  	v18 =	vshll.u32 v18, $0x4;
	v21 =	vshll.u32 v21, $0x4;
	vm1 =	vgt.s32 v10, $0x0  }
0x2c6: {  	v12 =	vor.u32 v0, v20;
	v16 =	vnsel vm1, $0x0, v10;
	vm1 =	vgt.s32 v13, $0x0  }
0x2c7: {  	v11 =	vor.u32 v0, v21;
	v22 =	vnsel vm1, $0x0, v13;
	vm1 =	vlt.u32 v10, $0x100  }
0x2c8: {  	p1 =	sgt.s32 s30, $0x8;
	v10 =	vnsel vm13, $0x0, v14;
	v16 =	vmin.u32 v16, $0xFF;
	v13 =	vor.u32 v0, v19  }
.Ltmp21:
0x2c9: {  	vm13 =	vmand vm8, vm9;
	vm9 =	vmand vm7, vm2;
	v22 =	vmin.u32 v22, $0xFF;
	(pc) =	sbr.rel @!p1 .LBB2_47-.Ltmp21, $4  }
0x2ca: {  	v16 =	vshll.u32 v16, $0x4;
	v10 =	vmin.u32 v10, $0xFF;
	vm10 =	vmand vm14, vm1  }
0x2cb: {  	vm1 =	vlt.u32 v14, $0x100;
	v14 =	vor.u32 v0, v18;
	vm14 =	vmand vm5, vm11  }
0x2cc: {  	[tilespmem:v17+s23+$0x0] =	vst.idx.add.s32.msk vm0, v3;
	vm11 =	vmand vm6, vm15;
	v22 =	vshll.u32 v22, $0x4;
	v10 =	vshll.u32 v10, $0x4  }
0x2cd: {  	s0 =	simm.s32 $0x8;
	s1 =	simm.s32 $0x100C0;
	v15 =	vor.u32 v0, v16;
	v9 =	vor.u32 v0, v22;
	v10 =	vor.u32 v0, v10  }
.LBB2_46:
0x2ce: {  	v17 =	vld [tilespmem:s1+$0x30]  }
0x2cf: {  	v19 =	vld [tilespmem:s1+$0xFFFFFFE0]  }
0x2d0: {  	v22 =	vld [tilespmem:s1+$0xFFFFFFF0]  }
0x2d1: {  	v16 =	vmov s0;
	v52 =	vld [tilespmem:s1+$0x0]  }
0x2d2: {  	s2 =	sadd.s32 $0x1, s0;
	vm15 =	vmand vm4, vm12;
	s7 =	smov.u32 s0;
	v53 =	vld [tilespmem:s1+$0x10];
	vm0 =	vlt.s32 v16, v5;
	v16 =	vimm.s32 $0x0  }
0x2d3: {  	vm12 =	vmand vm3, vm1;
	v55 =	vld [tilespmem:s1+$0xFFFFFFC0];
	s9 =	sadd.s32 $0x2, s7;
	s12 =	sadd.s32 $0x3, s7;
	v18 =	vmov s2;
	s14 =	sadd.s32 $0x4, s7;
	v16 =	vsel vm0, $0xFFFFFFFF, v16  }
0x2d4: {  	[tilespmem:v13+s23+$0x0] =	vst.idx.add.s32.msk vm14, v3;
	s25 =	sadd.s32 $0x5, s7;
	s26 =	sadd.s32 $0x6, s7;
	v20 =	vmov s9;
	v21 =	vmov s12;
	v23 =	vmov s14  }
0x2d5: {  	[tilespmem:v12+s23+$0x0] =	vst.idx.add.s32.msk vm11, v3;
	s31 =	sadd.s32 $0x7, s7;
	v24 =	vmov s25;
	v25 =	vmov s26;
	vm7 =	vlt.s32 v18, v5  }
0x2d6: {  	[tilespmem:v11+s23+$0x0] =	vst.idx.add.s32.msk vm9, v3;
	v56 =	vmov s31;
	vm5 =	vlt.s32 v20, v5;
	vm6 =	vlt.s32 v21, v5  }
0x2d7: {  	vm8 =	vlt.s32 v23, v5;
	vm4 =	vlt.s32 v24, v5;
	vm3 =	vlt.s32 v25, v5  }
0x2d8: {  	[tilespmem:$0x1FFA0] =	vst v16;
	v16 =	vld [tilespmem:s1+$0xFFFFFFD0];
	v17 =	vshra.s32 v17, $0x10;
	v19 =	vshra.s32 v19, $0x10;
	v22 =	vshra.s32 v22, $0x10  }
0x2d9: {  	[tilespmem:v14+s23+$0x0] =	vst.idx.add.s32.msk vm13, v3;
	v14 =	vshra.s32 v52, $0x10;
	v13 =	vshra.s32 v53, $0x10;
	v12 =	vshra.s32 v55, $0x10  }
0x2da: {  	v54 =	vld [tilespmem:s1+$0x20];
	v17 =	vsub.s32 v17, v8;
	v58 =	vsub.s32 v19, v8;
	v59 =	vsub.s32 v22, v8  }
0x2db: {  	v11 =	vsub.s32 v12, v8;
	v12 =	vsub.s32 v14, v8;
	v13 =	vsub.s32 v13, v8  }
0x2dc: {  	[tilespmem:v15+s23+$0x0] =	vst.idx.add.s32.msk vm10, v3;
	vm0 =	vgt.s32 v17, $0x0;
	vm1 =	vlt.u32 v17, $0x100;
	vm10 =	vgt.s32 v58, $0x0  }
0x2dd: {  	[tilespmem:v9+s23+$0x0] =	vst.idx.add.s32.msk vm15, v3;
	vm11 =	vgt.s32 v59, $0x0;
	vm13 =	vgt.s32 v12, $0x0;
	vm15 =	vlt.u32 v59, $0x100  }
0x2de: {  	vm2 =	vlt.u32 v12, $0x100;
	v16 =	vshra.s32 v16, $0x10;
	v57 =	vnsel vm0, $0x0, v17  }
0x2df: {  	vm0 =	vlt.s32 v56, v5;
	v17 =	vshra.s32 v54, $0x10;
	v60 =	vnsel vm13, $0x0, v12  }
0x2e0: {  	v16 =	vsub.s32 v16, v8;
	v15 =	vmin.u32 v57, $0xFF;
	vm0 =	vmand vm0, vm1  }
0x2e1: {  	vm1 =	vgt.s32 v11, $0x0;
	v14 =	vsub.s32 v17, v8;
	v17 =	vnsel vm11, $0x0, v59  }
0x2e2: {  	v20 =	vmin.u32 v60, $0xFF;
	vm11 =	vlt.u32 v58, $0x100;
	v15 =	vshll.u32 v15, $0x4  }
0x2e3: {  	vm9 =	vgt.s32 v16, $0x0;
	v9 =	vnsel vm1, $0x0, v11;
	vm1 =	vgt.s32 v13, $0x0  }
0x2e4: {  	[tilespmem:v10+s23+$0x0] =	vst.idx.add.s32.msk vm12, v3;
	vm12 =	vgt.s32 v14, $0x0;
	v17 =	vmin.u32 v17, $0xFF;
	v20 =	vshll.u32 v20, $0x4  }
0x2e5: {  	vm14 =	vmand vm5, vm11;
	vm11 =	vmand vm6, vm15;
	v15 =	vor.u32 v0, v15  }
0x2e6: {  	v10 =	vnsel vm9, $0x0, v16;
	v61 =	vnsel vm1, $0x0, v13;
	v62 =	vnsel vm12, $0x0, v14  }
0x2e7: {  	v9 =	vmin.u32 v9, $0xFF;
	v17 =	vshll.u32 v17, $0x4;
	v10 =	vmin.u32 v10, $0xFF  }
0x2e8: {  	vm9 =	vlt.u32 v16, $0x100;
	vm12 =	vlt.u32 v13, $0x100;
	v10 =	vshll.u32 v10, $0x4  }
0x2e9: {  	s0 =	sadd.s32 $0x8, s0;
	vm1 =	vlt.u32 v14, $0x100;
	v21 =	vmin.u32 v61, $0xFF;
	v14 =	vor.u32 v0, v10;
	v10 =	vld [tilespmem:$0x1FFA0]  }
0x2ea: {  	p1 =	slt.s32 s0, s30;
	v9 =	vshll.u32 v9, $0x4;
	v22 =	vmin.u32 v62, $0xFF;
	v12 =	vor.u32 v0, v17  }
.Ltmp22:
0x2eb: {  	vm13 =	vmand vm7, vm9;
	vm9 =	vmand vm8, vm2;
	[tilespmem:v15+s23+$0x0] =	vst.idx.add.s32.msk vm0, v3;
	v15 =	vnsel vm10, $0x0, v58;
	(pc) =	sbr.rel @p1 .LBB2_46-.Ltmp22, $4  }
0x2ec: {  	v21 =	vshll.u32 v21, $0x4;
	v22 =	vshll.u32 v22, $0x4;
	v15 =	vmin.u32 v15, $0xFF  }
0x2ed: {  	vm0 =	vlt.u32 v11, $0x100;
	v11 =	vor.u32 v0, v20;
	v63 =	vshll.u32 v15, $0x4  }
0x2ee: {  	v15 =	vor.u32 v0, v9;
	v9 =	vor.u32 v0, v21;
	vm10 =	vnez.u8 v10  }
0x2ef: {  	s1 =	sadd.s32 $0x80, s1;
	v13 =	vor.u32 v0, v63;
	v10 =	vor.u32 v0, v22;
	vm10 =	vmand vm10, vm0  }
.LBB2_47:
0x2f0: {  	_ =	sdelay $0x3  }
0x2f1: {  	vm0 =	vmand vm4, vm12  }
0x2f2: {  	vm1 =	vmand vm3, vm1;
	[tilespmem:v15+s23+$0x0] =	vst.idx.add.s32.msk vm10, v3  }
0x2f3: {  	[tilespmem:v14+s23+$0x0] =	vst.idx.add.s32.msk vm13, v3  }
0x2f4: {  	[tilespmem:v13+s23+$0x0] =	vst.idx.add.s32.msk vm14, v3  }
0x2f5: {  	[tilespmem:v12+s23+$0x0] =	vst.idx.add.s32.msk vm11, v3  }
0x2f6: {  	[tilespmem:v11+s23+$0x0] =	vst.idx.add.s32.msk vm9, v3  }
0x2f7: {  	[tilespmem:v9+s23+$0x0] =	vst.idx.add.s32.msk vm0, v3  }
0x2f8: {  	[tilespmem:v10+s23+$0x0] =	vst.idx.add.s32.msk vm1, v3  }
.LBB2_24:
0x2f9: {  	s1 =	simm.s32 $0x18FF0  }
0x2fa: {  	v9 =	vld [tilespmem:s1+$0x0]  }
0x2fb: {  	v10 =	vld [tilespmem:s1+$0xFFFFFFF0]  }
0x2fc: {  	v11 =	vld [tilespmem:s1+$0xFFFFFFE0]  }
0x2fd: {  	v12 =	vld [tilespmem:s1+$0xFFFFFFD0]  }
0x2fe: {  	v13 =	vimm.s32 $0x0;
	v14 =	vld [tilespmem:s1+$0xFFFFFFC0]  }
0x2ff: {  	v15 =	vadd.s32 v13, v9  }
0x300: {  	v16 =	vadd.s32 v15, v10  }
0x301: {  	v7 =	vsub.s32 $0x40, v7;
	v9 =	vld [tilespmem:s1+$0xFFFFFFB0];
	v20 =	vadd.s32 v16, v11  }
0x302: {  	vm1 =	vmxor vm1, vm1;
	v10 =	vld [tilespmem:s1+$0xFFFFFFA0];
	vm0 =	vge.s32 v15, v7;
	v21 =	vadd.s32 v20, v12  }
0x303: {  	vm5 =	vge.s32 v16, v7;
	vm1 =	vmor vm1, vm0;
	v11 =	vadd.s32 v21, v14;
	v14 =	vld [tilespmem:$0x1FFF0]  }
0x304: {  	vm7 =	vmneg vm1;
	vm8 =	vge.s32 v20, v7;
	vm9 =	vmor vm1, vm5  }
0x305: {  	v17 =	vld [tilespmem:s1+$0xFFFFFF90];
	vm1 =	vge.s32 v21, v7;
	vm5 =	vmand vm5, vm7;
	vm7 =	vmor vm9, vm8  }
0x306: {  	vm9 =	vmneg vm9;
	v9 =	vadd.s32 v11, v9;
	vm4 =	vge.s32 v11, v7  }
0x307: {  	s0 =	simm.s32 $0x18F70;
	vm8 =	vmand vm8, vm9;
	vm9 =	vmneg vm7;
	vm7 =	vmor vm7, vm1  }
0x308: {  	vm6 =	vge.s32 v9, v7;
	v10 =	vadd.s32 v9, v10;
	vm3 =	vnez.u8 v14;
	v14 =	vld [tilespmem:s0+$0x0]  }
0x309: {  	s7 =	simm.s32 $0xFF;
	vm1 =	vmand vm1, vm9;
	vm2 =	vge.s32 v10, v7;
	vm0 =	vmand vm0, vm3  }
0x30a: {  	s2 =	simm.s32 $0xFE;
	v12 =	vadd.s32 v10, v17;
	v17 =	vld [tilespmem:s0+$0xFFFFFFF0];
	v18 =	vsel vm0, s7, v13;
	v13 =	vsel vm0, v13, v13  }
0x30b: {  	s13 =	simm.s32 $0xFD;
	[tilespmem:s1+$0x0] =	vst v1;
	vm3 =	vge.s32 v12, v7;
	v18 =	vsel vm5, s2, v18;
	v15 =	vsel vm5, v15, v13  }
0x30c: {  	[tilespmem:s1+$0xFFFFFFE0] =	vst v1;
	v18 =	vsel vm8, s13, v18;
	v22 =	vsel vm8, v16, v15;
	vm8 =	vmor vm7, vm4  }
0x30d: {  	s14 =	simm.s32 $0xFC;
	v19 =	vld [tilespmem:s0+$0xFFFFFFE0];
	[tilespmem:s1+$0xFFFFFFD0] =	vst v1;
	vm7 =	vmneg vm7;
	v13 =	vadd.s32 v12, v14;
	vm9 =	vmneg vm8  }
0x30e: {  	[tilespmem:s1+$0xFFFFFFC0] =	vst v1;
	vm10 =	vmor vm8, vm6;
	v24 =	vsel vm1, s14, v18;
	vm4 =	vmand vm4, vm7  }
0x30f: {  	[tilespmem:s1+$0xFFFFFFB0] =	vst v1;
	v16 =	vld [tilespmem:s0+$0xFFFFFFD0];
	v22 =	vsel vm1, v20, v22;
	vm0 =	vge.s32 v13, v7;
	v14 =	vadd.s32 v13, v17  }
0x310: {  	[tilespmem:s1+$0xFFFFFFA0] =	vst v1;
	v17 =	vld [tilespmem:s0+$0xFFFFFFC0];
	vm8 =	vmand vm6, vm9;
	vm6 =	vmor vm10, vm2;
	vm13 =	vmneg vm10  }
0x311: {  	v23 =	vld [tilespmem:s0+$0xFFFFFFB0];
	[tilespmem:s1+$0xFFFFFF90] =	vst v1;
	v21 =	vsel vm4, v21, v22;
	vm5 =	vge.s32 v14, v7;
	vm7 =	vmor vm6, vm3  }
0x312: {  	v25 =	vld [tilespmem:s0+$0xFFFFFFA0];
	[tilespmem:s1+$0xFFFFFFF0] =	vst v1;
	v15 =	vadd.s32 v14, v19;
	vm13 =	vmand vm2, vm13;
	vm11 =	vmor vm7, vm0  }
0x313: {  	v26 =	vld [tilespmem:s0+$0xFFFFFF90];
	[tilespmem:s0+$0xFFFFFFE0] =	vst v1;
	vm14 =	vmneg vm7;
	vm9 =	vge.s32 v15, v7;
	vm7 =	vmneg vm6  }
0x314: {  	[tilespmem:s0+$0xFFFFFFB0] =	vst v1;
	vm12 =	vmneg vm11;
	vm10 =	vmor vm11, vm5;
	v16 =	vadd.s32 v15, v16  }
0x315: {  	[tilespmem:s0+$0xFFFFFFA0] =	vst v1;
	vm11 =	vmand vm3, vm7;
	vm14 =	vmand vm0, vm14;
	v19 =	vadd.s32 v16, v17  }
0x316: {  	s25 =	simm.s32 $0xFB;
	[tilespmem:s0+$0xFFFFFF90] =	vst v1;
	vm6 =	vge.s32 v16, v7;
	vm0 =	vmor vm10, vm9;
	v18 =	vadd.s32 v19, v23  }
0x317: {  	s26 =	simm.s32 $0xFA;
	[tilespmem:s0+$0x0] =	vst v1;
	vm3 =	vge.s32 v19, v7;
	v23 =	vsel vm4, s25, v24;
	v17 =	vadd.s32 v18, v25  }
0x318: {  	s9 =	simm.s32 $0xF7;
	s31 =	simm.s32 $0xF9;
	s12 =	simm.s32 $0x18EF0;
	[tilespmem:s0+$0xFFFFFFD0] =	vst v1;
	vm7 =	vge.s32 v18, v7;
	v22 =	vsel vm8, s26, v23;
	v20 =	vadd.s32 v17, v26  }
0x319: {  	s1 =	simm.s32 $0xF7;
	s7 =	simm.s32 $0x8;
	s13 =	simm.s32 $0xF8;
	[tilespmem:s0+$0xFFFFFFC0] =	vst v1;
	vm2 =	vge.s32 v17, v7;
	v22 =	vsel vm13, s31, v22;
	vm4 =	vge.s32 v20, v7  }
.LBB2_25:
0x31a: {  	v23 =	vld [tilespmem:s12+$0x0];
	s7 =	sadd.s32 $0x8, s7;
	[tilespmem:s0+$0xFFFFFFF0] =	vst v1;
	vm1 =	vmand vm5, vm12;
	s9 =	sadd.s32 $0xFFFFFFF8, s9;
	v21 =	vsel vm8, v11, v21;
	v22 =	vsel vm11, s13, v22;
	v11 =	vmovc v19;
	s0 =	smov.u32 s12  }
0x31b: {  	s2 =	sadd.s32 $0xFFFFFFFF, s1;
	vm5 =	vmneg vm10;
	[tilespmem:s12+$0x0] =	vst v1;
	v19 =	vld [tilespmem:s12+$0xFFFFFFF0];
	p1 =	slt.u32 s7, $0xF8;
	v22 =	vsel vm14, s1, v22;
	v21 =	vsel vm13, v9, v21;
	v9 =	vmovc v18  }
0x31c: {  	vm5 =	vmand vm9, vm5;
	v18 =	vld [tilespmem:s12+$0xFFFFFFE0];
	v22 =	vsel vm1, s2, v22;
	v21 =	vsel vm11, v10, v21;
	v10 =	vmovc v17  }
0x31d: {  	vm8 =	vmneg vm0;
	s2 =	sadd.s32 $0xFFFFFFFE, s1;
	[tilespmem:s12+$0xFFFFFFE0] =	vst v1;
	v17 =	vsel vm14, v12, v21;
	v12 =	vmov v20  }
0x31e: {  	v21 =	vsel vm5, s2, v22;
	v17 =	vsel vm1, v13, v17;
	vm1 =	vmor vm0, vm6  }
0x31f: {  	v13 =	vadd.s32 v20, v23;
	v20 =	vsel vm5, v14, v17;
	vm9 =	vmor vm1, vm3  }
0x320: {  	vm0 =	vmand vm6, vm8;
	vm14 =	vge.s32 v13, v7;
	v14 =	vadd.s32 v13, v19  }
0x321: {  	vm6 =	vmneg vm9;
	vm9 =	vmor vm9, vm7;
	vm5 =	vge.s32 v14, v7;
	v17 =	vld [tilespmem:s12+$0xFFFFFFD0]  }
0x322: {  	s2 =	sadd.s32 $0xFFFFFFFD, s1;
	vm1 =	vmneg vm1;
	vm8 =	vmand vm7, vm6;
	vm6 =	vmor vm9, vm2;
	[tilespmem:s12+$0xFFFFFFD0] =	vst v1;
	v19 =	vld [tilespmem:s12+$0xFFFFFFC0]  }
0x323: {  	v21 =	vsel vm0, s2, v21;
	vm1 =	vmand vm3, vm1;
	vm3 =	vmor vm6, vm4;
	[tilespmem:s12+$0xFFFFFFC0] =	vst v1;
	v22 =	vld [tilespmem:s12+$0xFFFFFFB0]  }
0x324: {  	v23 =	vadd.s32 v14, v18;
	vm13 =	vmneg vm9;
	vm7 =	vmor vm3, vm14;
	[tilespmem:s12+$0xFFFFFFB0] =	vst v1;
	v24 =	vld [tilespmem:s12+$0xFFFFFFA0]  }
0x325: {  	vm9 =	vge.s32 v23, v7;
	vm15 =	vmneg vm3;
	vm12 =	vmneg vm7;
	[tilespmem:s12+$0xFFFFFFA0] =	vst v1;
	v25 =	vld [tilespmem:s12+$0xFFFFFF90]  }
0x326: {  	vm3 =	vmneg vm6;
	vm10 =	vmor vm7, vm5;
	v26 =	vadd.s32 v23, v17;
	[tilespmem:s12+$0xFFFFFF90] =	vst v1  }
0x327: {  	vm11 =	vmand vm4, vm3;
	vm6 =	vge.s32 v26, v7;
	v19 =	vadd.s32 v26, v19  }
.Ltmp23:
0x328: {  	vm13 =	vmand vm2, vm13;
	vm3 =	vge.s32 v19, v7;
	v18 =	vadd.s32 v19, v22;
	(pc) =	sbr.rel @p1 .LBB2_25-.Ltmp23, $4  }
0x329: {  	s2 =	sadd.s32 $0xFFFFFFFC, s1;
	v22 =	vsel vm0, v15, v20;
	v15 =	vmovc v23;
	vm7 =	vge.s32 v18, v7;
	v17 =	vadd.s32 v18, v24  }
0x32a: {  	v23 =	vsel vm1, s2, v21;
	s2 =	sadd.s32 $0xFFFFFFFB, s1;
	vm2 =	vge.s32 v17, v7;
	v20 =	vadd.s32 v17, v25  }
0x32b: {  	v21 =	vsel vm1, v16, v22;
	v22 =	vsel vm8, s2, v23;
	s2 =	sadd.s32 $0xFFFFFFFA, s1;
	v16 =	vmovc v26;
	vm4 =	vge.s32 v20, v7  }
0x32c: {  	s13 =	sadd.s32 $0xFFFFFFF9, s1;
	vm14 =	vmand vm14, vm15;
	s12 =	sadd.s32 $0xFFFFFF80, s12;
	vm0 =	vmor vm10, vm9;
	s1 =	smov.u32 s9;
	v22 =	vsel vm13, s2, v22  }
0x32d: {  	vm1 =	vmand vm5, vm12;
	v11 =	vsel vm8, v11, v21;
	v20 =	vsel vm11, s13, v22  }
0x32e: {  	vm12 =	vmneg vm10;
	vm15 =	vmneg vm0;
	v20 =	vsel vm14, s1, v20  }
0x32f: {  	s2 =	sadd.s32 $0xFFFFFFFF, s1;
	v9 =	vsel vm13, v9, v11;
	vm5 =	vmand vm9, vm12;
	vm9 =	vmor vm0, vm6  }
0x330: {  	v11 =	vsel vm1, s2, v20;
	v9 =	vsel vm11, v10, v9;
	vm10 =	vmor vm9, vm3  }
0x331: {  	s12 =	sadd.s32 $0xFFFFFFFE, s1;
	vm11 =	vmand vm6, vm15;
	vm0 =	vmneg vm9;
	v9 =	vsel vm14, v12, v9  }
0x332: {  	v10 =	vsel vm5, s12, v11;
	vm12 =	vmneg vm10;
	vm0 =	vmand vm3, vm0  }
0x333: {  	s13 =	sadd.s32 $0xFFFFFFFD, s1;
	v9 =	vsel vm1, v13, v9;
	vm1 =	vmor vm10, vm7;
	vm6 =	vmand vm7, vm12  }
0x334: {  	s14 =	sadd.s32 $0xFFFFFFFC, s1;
	v10 =	vsel vm11, s13, v10;
	v9 =	vsel vm5, v14, v9;
	vm13 =	vmor vm1, vm2  }
0x335: {  	s25 =	sadd.s32 $0xFFFFFFFB, s1;
	vm1 =	vmneg vm1;
	v10 =	vsel vm0, s14, v10;
	vm14 =	vmneg vm13  }
.Ltmp24:
0x336: {  	s26 =	sadd.s32 $0xFFFFFFFA, s1;
	vm1 =	vmand vm2, vm1;
	v9 =	vsel vm11, v15, v9;
	v10 =	vsel vm6, s25, v10;
	(pc) =	sbr.rel @!p0 .LBB2_30-.Ltmp24, $4  }
0x337: {  	s31 =	sadd.s32 $0xFFFFFFF9, s1;
	vm15 =	vmand vm4, vm14;
	v9 =	vsel vm0, v16, v9;
	v10 =	vsel vm1, s26, v10  }
0x338: {  	v9 =	vsel vm6, v19, v9;
	v10 =	vsel vm15, s31, v10  }
0x339: {  	v9 =	vsel vm1, v18, v9;
	v8 =	vadd.s32 v8, v10  }
0x33a: {  	[tilespmem:s0+$0xFFFFFFF0] =	vst v1;
	v9 =	vsel vm15, v17, v9;
	v8 =	vshll.u32 v8, $0x8  }
0x33b: {  	s1 =	simm.s32 $0x10040  }
0x33c: {  	v11 =	vld [tilespmem:s1+$0x30]  }
0x33d: {  	s0 =	simm.s32 $0x0;
	v13 =	vld [tilespmem:s1+$0xFFFFFFE0]  }
0x33e: {  	s13 =	simm.s32 $0x1;
	v10 =	vmov s0;
	v16 =	vld [tilespmem:s1+$0xFFFFFFF0]  }
0x33f: {  	s2 =	simm.s32 $0x2;
	v12 =	vmov s13;
	vm14 =	vlt.s32 v10, v5;
	v10 =	vld [tilespmem:s1+$0xFFFFFFD0]  }
0x340: {  	s7 =	simm.s32 $0x3;
	v14 =	vmov s2;
	vm8 =	vlt.s32 v12, v5;
	v12 =	vld [tilespmem:s1+$0x0]  }
0x341: {  	v15 =	vmov s7;
	vm5 =	vlt.s32 v14, v5;
	v14 =	vld [tilespmem:s1+$0x10]  }
0x342: {  	s14 =	simm.s32 $0x4;
	s25 =	simm.s32 $0x5;
	s26 =	simm.s32 $0x6;
	vm6 =	vlt.s32 v15, v5;
	v15 =	vld [tilespmem:s1+$0x20]  }
0x343: {  	v17 =	vmov s14;
	v18 =	vmov s25;
	v19 =	vmov s26  }
0x344: {  	s31 =	simm.s32 $0x7;
	vm7 =	vlt.s32 v17, v5;
	vm4 =	vlt.s32 v18, v5;
	vm3 =	vlt.s32 v19, v5  }
0x345: {  	v18 =	vmov s31;
	v11 =	vshra.s32 v11, $0x8;
	v13 =	vshra.s32 v13, $0x8  }
0x346: {  	v16 =	vshra.s32 v16, $0x8;
	v10 =	vshra.s32 v10, $0x8;
	v11 =	vsub.s32 v11, v8  }
0x347: {  	v12 =	vshra.s32 v12, $0x8;
	v14 =	vshra.s32 v14, $0x8;
	v15 =	vshra.s32 v15, $0x8  }
0x348: {  	v13 =	vsub.s32 v13, v8;
	v16 =	vsub.s32 v16, v8;
	v10 =	vsub.s32 v10, v8  }
0x349: {  	vm0 =	vgt.s32 v11, $0x0;
	vm1 =	vlt.u32 v11, $0x100;
	v12 =	vsub.s32 v12, v8  }
0x34a: {  	v14 =	vsub.s32 v14, v8;
	v15 =	vsub.s32 v15, v8;
	vm10 =	vgt.s32 v13, $0x0  }
0x34b: {  	vm11 =	vgt.s32 v16, $0x0;
	vm15 =	vlt.u32 v16, $0x100;
	v19 =	vnsel vm0, $0x0, v11  }
0x34c: {  	vm0 =	vlt.s32 v18, v5;
	vm9 =	vgt.s32 v10, $0x0;
	vm12 =	vgt.s32 v12, $0x0  }
0x34d: {  	v17 =	vld [tilespmem:s1+$0xFFFFFFC0];
	vm13 =	vgt.s32 v15, $0x0;
	v20 =	vnsel vm10, $0x0, v13;
	v21 =	vnsel vm11, $0x0, v16  }
0x34e: {  	vm11 =	vlt.u32 v13, $0x100;
	vm2 =	vlt.u32 v12, $0x100;
	v11 =	vmin.u32 v19, $0xFF  }
0x34f: {  	vm0 =	vmand vm0, vm1;
	v19 =	vnsel vm9, $0x0, v10;
	v22 =	vnsel vm12, $0x0, v12  }
0x350: {  	v20 =	vmin.u32 v20, $0xFF;
	v21 =	vmin.u32 v21, $0xFF;
	vm9 =	vlt.u32 v10, $0x100  }
0x351: {  	vm12 =	vlt.u32 v14, $0x100;
	v11 =	vshll.u32 v11, $0x4;
	v19 =	vmin.u32 v19, $0xFF  }
0x352: {  	v22 =	vmin.u32 v22, $0xFF;
	v18 =	vor.u32 v0, v11;
	v11 =	vshra.s32 v17, $0x8  }
0x353: {  	v20 =	vshll.u32 v20, $0x4;
	v21 =	vshll.u32 v21, $0x4;
	v11 =	vsub.s32 v11, v8  }
0x354: {  	v19 =	vshll.u32 v19, $0x4;
	v22 =	vshll.u32 v22, $0x4;
	vm1 =	vgt.s32 v11, $0x0  }
0x355: {  	v13 =	vor.u32 v0, v21;
	v17 =	vnsel vm1, $0x0, v11;
	vm1 =	vgt.s32 v14, $0x0  }
0x356: {  	v12 =	vor.u32 v0, v22;
	v23 =	vnsel vm1, $0x0, v14;
	vm1 =	vlt.u32 v11, $0x100  }
0x357: {  	p1 =	sgt.s32 s30, $0x8;
	v11 =	vnsel vm13, $0x0, v15;
	v17 =	vmin.u32 v17, $0xFF;
	v14 =	vor.u32 v0, v20  }
.Ltmp25:
0x358: {  	vm13 =	vmand vm8, vm9;
	vm9 =	vmand vm7, vm2;
	v23 =	vmin.u32 v23, $0xFF;
	(pc) =	sbr.rel @!p1 .LBB2_29-.Ltmp25, $4  }
0x359: {  	v17 =	vshll.u32 v17, $0x4;
	v11 =	vmin.u32 v11, $0xFF;
	vm10 =	vmand vm14, vm1  }
0x35a: {  	vm1 =	vlt.u32 v15, $0x100;
	v15 =	vor.u32 v0, v19;
	vm14 =	vmand vm5, vm11  }
0x35b: {  	[tilespmem:v18+s23+$0x0] =	vst.idx.add.s32.msk vm0, v3;
	vm11 =	vmand vm6, vm15;
	v23 =	vshll.u32 v23, $0x4;
	v11 =	vshll.u32 v11, $0x4  }
0x35c: {  	s0 =	simm.s32 $0x8;
	s1 =	simm.s32 $0x100C0;
	v16 =	vor.u32 v0, v17;
	v10 =	vor.u32 v0, v23;
	v11 =	vor.u32 v0, v11  }
.LBB2_28:
0x35d: {  	v18 =	vld [tilespmem:s1+$0x30]  }
0x35e: {  	v20 =	vld [tilespmem:s1+$0xFFFFFFE0]  }
0x35f: {  	v17 =	vmov s0;
	v23 =	vld [tilespmem:s1+$0xFFFFFFF0]  }
0x360: {  	s2 =	sadd.s32 $0x1, s0;
	vm15 =	vmand vm4, vm12;
	s7 =	smov.u32 s0;
	v54 =	vld [tilespmem:s1+$0x10];
	vm0 =	vlt.s32 v17, v5;
	v17 =	vimm.s32 $0x0  }
0x361: {  	vm12 =	vmand vm3, vm1;
	v56 =	vld [tilespmem:s1+$0xFFFFFFC0];
	s9 =	sadd.s32 $0x2, s7;
	s12 =	sadd.s32 $0x3, s7;
	v19 =	vmov s2;
	s14 =	sadd.s32 $0x4, s7;
	v17 =	vsel vm0, $0xFFFFFFFF, v17  }
0x362: {  	[tilespmem:v14+s23+$0x0] =	vst.idx.add.s32.msk vm14, v3;
	s25 =	sadd.s32 $0x5, s7;
	s26 =	sadd.s32 $0x6, s7;
	v21 =	vmov s9;
	v22 =	vmov s12;
	v24 =	vmov s14  }
0x363: {  	[tilespmem:v13+s23+$0x0] =	vst.idx.add.s32.msk vm11, v3;
	s31 =	sadd.s32 $0x7, s7;
	v25 =	vmov s25;
	v26 =	vmov s26;
	vm7 =	vlt.s32 v19, v5  }
0x364: {  	v19 =	vld [tilespmem:s1+$0x0];
	v57 =	vmov s31;
	vm5 =	vlt.s32 v21, v5;
	vm6 =	vlt.s32 v22, v5  }
0x365: {  	v55 =	vld [tilespmem:s1+$0x20];
	vm8 =	vlt.s32 v24, v5;
	vm4 =	vlt.s32 v25, v5;
	vm3 =	vlt.s32 v26, v5  }
0x366: {  	[tilespmem:$0x1FF90] =	vst v17;
	v17 =	vld [tilespmem:s1+$0xFFFFFFD0];
	v18 =	vshra.s32 v18, $0x8;
	v20 =	vshra.s32 v20, $0x8;
	v23 =	vshra.s32 v23, $0x8  }
0x367: {  	[tilespmem:v12+s23+$0x0] =	vst.idx.add.s32.msk vm9, v3;
	v14 =	vshra.s32 v54, $0x8;
	v13 =	vshra.s32 v56, $0x8;
	v18 =	vsub.s32 v18, v8  }
0x368: {  	v59 =	vsub.s32 v23, v8;
	v12 =	vsub.s32 v13, v8;
	v14 =	vsub.s32 v14, v8  }
0x369: {  	[tilespmem:v15+s23+$0x0] =	vst.idx.add.s32.msk vm13, v3;
	vm0 =	vgt.s32 v18, $0x0;
	vm1 =	vlt.u32 v18, $0x100;
	v15 =	vshra.s32 v19, $0x8  }
0x36a: {  	[tilespmem:v10+s23+$0x0] =	vst.idx.add.s32.msk vm15, v3;
	v19 =	vsub.s32 v20, v8;
	vm11 =	vgt.s32 v59, $0x0;
	vm15 =	vlt.u32 v59, $0x100  }
0x36b: {  	v17 =	vshra.s32 v17, $0x8;
	v58 =	vnsel vm0, $0x0, v18;
	vm0 =	vlt.s32 v57, v5  }
0x36c: {  	[tilespmem:v16+s23+$0x0] =	vst.idx.add.s32.msk vm10, v3;
	v18 =	vshra.s32 v55, $0x8;
	v13 =	vsub.s32 v15, v8;
	vm10 =	vgt.s32 v19, $0x0  }
0x36d: {  	v17 =	vsub.s32 v17, v8;
	v16 =	vmin.u32 v58, $0xFF;
	vm0 =	vmand vm0, vm1  }
0x36e: {  	vm1 =	vgt.s32 v12, $0x0;
	v15 =	vsub.s32 v18, v8;
	vm13 =	vgt.s32 v13, $0x0  }
0x36f: {  	v18 =	vnsel vm11, $0x0, v59;
	vm11 =	vlt.u32 v19, $0x100;
	vm2 =	vlt.u32 v13, $0x100  }
0x370: {  	v16 =	vshll.u32 v16, $0x4;
	vm9 =	vgt.s32 v17, $0x0;
	v10 =	vnsel vm1, $0x0, v12  }
0x371: {  	[tilespmem:v11+s23+$0x0] =	vst.idx.add.s32.msk vm12, v3;
	vm1 =	vgt.s32 v14, $0x0;
	vm12 =	vgt.s32 v15, $0x0;
	v60 =	vnsel vm13, $0x0, v13  }
0x372: {  	v18 =	vmin.u32 v18, $0xFF;
	vm14 =	vmand vm5, vm11;
	vm11 =	vmand vm6, vm15  }
0x373: {  	v16 =	vor.u32 v0, v16;
	v11 =	vnsel vm9, $0x0, v17;
	v61 =	vnsel vm1, $0x0, v14  }
0x374: {  	v62 =	vnsel vm12, $0x0, v15;
	v10 =	vmin.u32 v10, $0xFF;
	v21 =	vmin.u32 v60, $0xFF  }
0x375: {  	v18 =	vshll.u32 v18, $0x4;
	vm9 =	vlt.u32 v17, $0x100;
	v11 =	vmin.u32 v11, $0xFF  }
0x376: {  	vm12 =	vlt.u32 v14, $0x100;
	vm1 =	vlt.u32 v15, $0x100;
	v11 =	vshll.u32 v11, $0x4  }
0x377: {  	s0 =	sadd.s32 $0x8, s0;
	v22 =	vmin.u32 v61, $0xFF;
	v10 =	vshll.u32 v10, $0x4;
	v15 =	vor.u32 v0, v11;
	v11 =	vld [tilespmem:$0x1FF90]  }
0x378: {  	p1 =	slt.s32 s0, s30;
	v23 =	vmin.u32 v62, $0xFF;
	v21 =	vshll.u32 v21, $0x4;
	v13 =	vor.u32 v0, v18  }
.Ltmp26:
0x379: {  	vm13 =	vmand vm7, vm9;
	vm9 =	vmand vm8, vm2;
	[tilespmem:v16+s23+$0x0] =	vst.idx.add.s32.msk vm0, v3;
	v16 =	vnsel vm10, $0x0, v19;
	(pc) =	sbr.rel @p1 .LBB2_28-.Ltmp26, $4  }
0x37a: {  	v22 =	vshll.u32 v22, $0x4;
	v23 =	vshll.u32 v23, $0x4;
	v16 =	vmin.u32 v16, $0xFF  }
0x37b: {  	vm0 =	vlt.u32 v12, $0x100;
	v12 =	vor.u32 v0, v21;
	v63 =	vshll.u32 v16, $0x4  }
0x37c: {  	v16 =	vor.u32 v0, v10;
	v10 =	vor.u32 v0, v22;
	vm10 =	vnez.u8 v11  }
0x37d: {  	s1 =	sadd.s32 $0x80, s1;
	v14 =	vor.u32 v0, v63;
	v11 =	vor.u32 v0, v23;
	vm10 =	vmand vm10, vm0  }
.LBB2_29:
0x37e: {  	_ =	sdelay $0x3  }
0x37f: {  	vm0 =	vmand vm4, vm12  }
0x380: {  	vm1 =	vmand vm3, vm1;
	[tilespmem:v16+s23+$0x0] =	vst.idx.add.s32.msk vm10, v3  }
0x381: {  	[tilespmem:v15+s23+$0x0] =	vst.idx.add.s32.msk vm13, v3  }
0x382: {  	[tilespmem:v14+s23+$0x0] =	vst.idx.add.s32.msk vm14, v3  }
0x383: {  	[tilespmem:v13+s23+$0x0] =	vst.idx.add.s32.msk vm11, v3  }
0x384: {  	[tilespmem:v12+s23+$0x0] =	vst.idx.add.s32.msk vm9, v3  }
0x385: {  	[tilespmem:v10+s23+$0x0] =	vst.idx.add.s32.msk vm0, v3  }
0x386: {  	[tilespmem:v11+s23+$0x0] =	vst.idx.add.s32.msk vm1, v3  }
.LBB2_30:
0x387: {  	s1 =	simm.s32 $0x18FF0  }
0x388: {  	v9 =	vsub.s32 v7, v9;
	v7 =	vld [tilespmem:s1+$0x0]  }
0x389: {  	v10 =	vld [tilespmem:s1+$0xFFFFFFF0]  }
0x38a: {  	v11 =	vld [tilespmem:s1+$0xFFFFFFE0]  }
0x38b: {  	v12 =	vld [tilespmem:s1+$0xFFFFFFD0]  }
0x38c: {  	v13 =	vimm.s32 $0x0;
	v14 =	vld [tilespmem:s1+$0xFFFFFFC0]  }
0x38d: {  	v15 =	vadd.s32 v13, v7  }
0x38e: {  	v16 =	vadd.s32 v15, v10  }
0x38f: {  	v7 =	vld [tilespmem:s1+$0xFFFFFFB0];
	v20 =	vadd.s32 v16, v11  }
0x390: {  	vm1 =	vmxor vm1, vm1;
	v10 =	vld [tilespmem:s1+$0xFFFFFFA0];
	vm0 =	vge.s32 v15, v9;
	v21 =	vadd.s32 v20, v12  }
0x391: {  	vm5 =	vge.s32 v16, v9;
	vm1 =	vmor vm1, vm0;
	v11 =	vadd.s32 v21, v14;
	v14 =	vld [tilespmem:$0x1FFF0]  }
0x392: {  	vm7 =	vmneg vm1;
	vm8 =	vge.s32 v20, v9;
	vm9 =	vmor vm1, vm5  }
0x393: {  	v17 =	vld [tilespmem:s1+$0xFFFFFF90];
	vm1 =	vge.s32 v21, v9;
	vm5 =	vmand vm5, vm7;
	vm7 =	vmor vm9, vm8  }
0x394: {  	vm9 =	vmneg vm9;
	v7 =	vadd.s32 v11, v7;
	vm4 =	vge.s32 v11, v9  }
0x395: {  	s0 =	simm.s32 $0x18F70;
	vm8 =	vmand vm8, vm9;
	vm9 =	vmneg vm7;
	vm7 =	vmor vm7, vm1  }
0x396: {  	vm6 =	vge.s32 v7, v9;
	v10 =	vadd.s32 v7, v10;
	vm3 =	vnez.u8 v14;
	v14 =	vld [tilespmem:s0+$0x0]  }
0x397: {  	s7 =	simm.s32 $0xFF;
	vm1 =	vmand vm1, vm9;
	vm2 =	vge.s32 v10, v9;
	vm0 =	vmand vm0, vm3  }
0x398: {  	s2 =	simm.s32 $0xFE;
	v12 =	vadd.s32 v10, v17;
	v17 =	vld [tilespmem:s0+$0xFFFFFFF0];
	v18 =	vsel vm0, s7, v13;
	v13 =	vsel vm0, v13, v13  }
0x399: {  	s13 =	simm.s32 $0xFD;
	[tilespmem:s1+$0x0] =	vst v1;
	vm3 =	vge.s32 v12, v9;
	v18 =	vsel vm5, s2, v18;
	v15 =	vsel vm5, v15, v13  }
0x39a: {  	[tilespmem:s1+$0xFFFFFFE0] =	vst v1;
	v18 =	vsel vm8, s13, v18;
	v22 =	vsel vm8, v16, v15;
	vm8 =	vmor vm7, vm4  }
0x39b: {  	s14 =	simm.s32 $0xFC;
	v19 =	vld [tilespmem:s0+$0xFFFFFFE0];
	[tilespmem:s1+$0xFFFFFFD0] =	vst v1;
	vm7 =	vmneg vm7;
	v13 =	vadd.s32 v12, v14;
	vm9 =	vmneg vm8  }
0x39c: {  	[tilespmem:s1+$0xFFFFFFC0] =	vst v1;
	vm10 =	vmor vm8, vm6;
	v24 =	vsel vm1, s14, v18;
	vm4 =	vmand vm4, vm7  }
0x39d: {  	[tilespmem:s1+$0xFFFFFFB0] =	vst v1;
	v16 =	vld [tilespmem:s0+$0xFFFFFFD0];
	v22 =	vsel vm1, v20, v22;
	vm0 =	vge.s32 v13, v9;
	v14 =	vadd.s32 v13, v17  }
0x39e: {  	[tilespmem:s1+$0xFFFFFFA0] =	vst v1;
	v17 =	vld [tilespmem:s0+$0xFFFFFFC0];
	vm8 =	vmand vm6, vm9;
	vm6 =	vmor vm10, vm2;
	vm13 =	vmneg vm10  }
0x39f: {  	v23 =	vld [tilespmem:s0+$0xFFFFFFB0];
	[tilespmem:s1+$0xFFFFFF90] =	vst v1;
	v21 =	vsel vm4, v21, v22;
	vm5 =	vge.s32 v14, v9;
	vm7 =	vmor vm6, vm3  }
0x3a0: {  	v25 =	vld [tilespmem:s0+$0xFFFFFFA0];
	[tilespmem:s1+$0xFFFFFFF0] =	vst v1;
	v15 =	vadd.s32 v14, v19;
	vm13 =	vmand vm2, vm13;
	vm11 =	vmor vm7, vm0  }
0x3a1: {  	v26 =	vld [tilespmem:s0+$0xFFFFFF90];
	[tilespmem:s0+$0xFFFFFFE0] =	vst v1;
	vm14 =	vmneg vm7;
	vm9 =	vge.s32 v15, v9;
	vm7 =	vmneg vm6  }
0x3a2: {  	[tilespmem:s0+$0xFFFFFFB0] =	vst v1;
	vm12 =	vmneg vm11;
	vm10 =	vmor vm11, vm5;
	v16 =	vadd.s32 v15, v16  }
0x3a3: {  	[tilespmem:s0+$0xFFFFFFA0] =	vst v1;
	vm11 =	vmand vm3, vm7;
	vm14 =	vmand vm0, vm14;
	v19 =	vadd.s32 v16, v17  }
0x3a4: {  	s25 =	simm.s32 $0xFB;
	[tilespmem:s0+$0xFFFFFF90] =	vst v1;
	vm6 =	vge.s32 v16, v9;
	vm0 =	vmor vm10, vm9;
	v18 =	vadd.s32 v19, v23  }
0x3a5: {  	s26 =	simm.s32 $0xFA;
	[tilespmem:s0+$0x0] =	vst v1;
	vm3 =	vge.s32 v19, v9;
	v23 =	vsel vm4, s25, v24;
	v17 =	vadd.s32 v18, v25  }
0x3a6: {  	s9 =	simm.s32 $0xF7;
	s31 =	simm.s32 $0xF9;
	s12 =	simm.s32 $0x18EF0;
	[tilespmem:s0+$0xFFFFFFD0] =	vst v1;
	vm7 =	vge.s32 v18, v9;
	v22 =	vsel vm8, s26, v23;
	v20 =	vadd.s32 v17, v26  }
0x3a7: {  	s1 =	simm.s32 $0xF7;
	s7 =	simm.s32 $0x8;
	s13 =	simm.s32 $0xF8;
	[tilespmem:s0+$0xFFFFFFC0] =	vst v1;
	vm2 =	vge.s32 v17, v9;
	v22 =	vsel vm13, s31, v22;
	vm4 =	vge.s32 v20, v9  }
.LBB2_31:
0x3a8: {  	v23 =	vld [tilespmem:s12+$0x0];
	s7 =	sadd.s32 $0x8, s7;
	[tilespmem:s0+$0xFFFFFFF0] =	vst v1;
	vm1 =	vmand vm5, vm12;
	s9 =	sadd.s32 $0xFFFFFFF8, s9;
	v21 =	vsel vm8, v11, v21;
	v22 =	vsel vm11, s13, v22;
	v11 =	vmovc v19;
	s0 =	smov.u32 s12  }
0x3a9: {  	s2 =	sadd.s32 $0xFFFFFFFF, s1;
	vm5 =	vmneg vm10;
	[tilespmem:s12+$0x0] =	vst v1;
	v19 =	vld [tilespmem:s12+$0xFFFFFFF0];
	p1 =	slt.u32 s7, $0xF8;
	v22 =	vsel vm14, s1, v22;
	v21 =	vsel vm13, v7, v21;
	v7 =	vmovc v18  }
0x3aa: {  	vm5 =	vmand vm9, vm5;
	v18 =	vld [tilespmem:s12+$0xFFFFFFE0];
	v22 =	vsel vm1, s2, v22;
	v21 =	vsel vm11, v10, v21;
	v10 =	vmovc v17  }
0x3ab: {  	vm8 =	vmneg vm0;
	s2 =	sadd.s32 $0xFFFFFFFE, s1;
	[tilespmem:s12+$0xFFFFFFE0] =	vst v1;
	v17 =	vsel vm14, v12, v21;
	v12 =	vmov v20  }
0x3ac: {  	v21 =	vsel vm5, s2, v22;
	v17 =	vsel vm1, v13, v17;
	vm1 =	vmor vm0, vm6  }
0x3ad: {  	v13 =	vadd.s32 v20, v23;
	v20 =	vsel vm5, v14, v17;
	vm9 =	vmor vm1, vm3  }
0x3ae: {  	vm0 =	vmand vm6, vm8;
	vm14 =	vge.s32 v13, v9;
	v14 =	vadd.s32 v13, v19  }
0x3af: {  	vm6 =	vmneg vm9;
	vm9 =	vmor vm9, vm7;
	vm5 =	vge.s32 v14, v9;
	v17 =	vld [tilespmem:s12+$0xFFFFFFD0]  }
0x3b0: {  	s2 =	sadd.s32 $0xFFFFFFFD, s1;
	vm1 =	vmneg vm1;
	vm8 =	vmand vm7, vm6;
	vm6 =	vmor vm9, vm2;
	[tilespmem:s12+$0xFFFFFFD0] =	vst v1;
	v19 =	vld [tilespmem:s12+$0xFFFFFFC0]  }
0x3b1: {  	v21 =	vsel vm0, s2, v21;
	vm1 =	vmand vm3, vm1;
	vm3 =	vmor vm6, vm4;
	[tilespmem:s12+$0xFFFFFFC0] =	vst v1;
	v22 =	vld [tilespmem:s12+$0xFFFFFFB0]  }
0x3b2: {  	v23 =	vadd.s32 v14, v18;
	vm13 =	vmneg vm9;
	vm7 =	vmor vm3, vm14;
	[tilespmem:s12+$0xFFFFFFB0] =	vst v1;
	v24 =	vld [tilespmem:s12+$0xFFFFFFA0]  }
0x3b3: {  	vm9 =	vge.s32 v23, v9;
	vm15 =	vmneg vm3;
	vm12 =	vmneg vm7;
	[tilespmem:s12+$0xFFFFFFA0] =	vst v1;
	v25 =	vld [tilespmem:s12+$0xFFFFFF90]  }
0x3b4: {  	vm3 =	vmneg vm6;
	vm10 =	vmor vm7, vm5;
	v26 =	vadd.s32 v23, v17;
	[tilespmem:s12+$0xFFFFFF90] =	vst v1  }
0x3b5: {  	vm11 =	vmand vm4, vm3;
	vm6 =	vge.s32 v26, v9;
	v19 =	vadd.s32 v26, v19  }
.Ltmp27:
0x3b6: {  	vm13 =	vmand vm2, vm13;
	vm3 =	vge.s32 v19, v9;
	v18 =	vadd.s32 v19, v22;
	(pc) =	sbr.rel @p1 .LBB2_31-.Ltmp27, $4  }
0x3b7: {  	s2 =	sadd.s32 $0xFFFFFFFC, s1;
	v22 =	vsel vm0, v15, v20;
	v15 =	vmovc v23;
	vm7 =	vge.s32 v18, v9;
	v17 =	vadd.s32 v18, v24  }
0x3b8: {  	v23 =	vsel vm1, s2, v21;
	s2 =	sadd.s32 $0xFFFFFFFB, s1;
	vm2 =	vge.s32 v17, v9;
	v20 =	vadd.s32 v17, v25  }
0x3b9: {  	v21 =	vsel vm1, v16, v22;
	v22 =	vsel vm8, s2, v23;
	s2 =	sadd.s32 $0xFFFFFFFA, s1;
	v16 =	vmovc v26;
	vm4 =	vge.s32 v20, v9  }
0x3ba: {  	s13 =	sadd.s32 $0xFFFFFFF9, s1;
	vm14 =	vmand vm14, vm15;
	s12 =	sadd.s32 $0xFFFFFF80, s12;
	vm0 =	vmor vm10, vm9;
	s1 =	smov.u32 s9;
	v22 =	vsel vm13, s2, v22  }
0x3bb: {  	vm1 =	vmand vm5, vm12;
	v11 =	vsel vm8, v11, v21;
	v20 =	vsel vm11, s13, v22  }
0x3bc: {  	vm12 =	vmneg vm10;
	vm15 =	vmneg vm0;
	v20 =	vsel vm14, s1, v20  }
0x3bd: {  	s2 =	sadd.s32 $0xFFFFFFFF, s1;
	v7 =	vsel vm13, v7, v11;
	vm5 =	vmand vm9, vm12;
	vm9 =	vmor vm0, vm6  }
0x3be: {  	v11 =	vsel vm1, s2, v20;
	v7 =	vsel vm11, v10, v7;
	vm10 =	vmor vm9, vm3  }
0x3bf: {  	s12 =	sadd.s32 $0xFFFFFFFE, s1;
	vm11 =	vmand vm6, vm15;
	vm0 =	vmneg vm9;
	v7 =	vsel vm14, v12, v7  }
0x3c0: {  	v10 =	vsel vm5, s12, v11;
	vm12 =	vmneg vm10;
	vm0 =	vmand vm3, vm0  }
0x3c1: {  	s13 =	sadd.s32 $0xFFFFFFFD, s1;
	v7 =	vsel vm1, v13, v7;
	vm1 =	vmor vm10, vm7;
	vm6 =	vmand vm7, vm12  }
0x3c2: {  	s14 =	sadd.s32 $0xFFFFFFFC, s1;
	v10 =	vsel vm11, s13, v10;
	v7 =	vsel vm5, v14, v7;
	vm13 =	vmor vm1, vm2  }
0x3c3: {  	s25 =	sadd.s32 $0xFFFFFFFB, s1;
	vm1 =	vmneg vm1;
	v10 =	vsel vm0, s14, v10;
	vm14 =	vmneg vm13  }
.Ltmp28:
0x3c4: {  	s26 =	sadd.s32 $0xFFFFFFFA, s1;
	vm1 =	vmand vm2, vm1;
	v7 =	vsel vm11, v15, v7;
	v10 =	vsel vm6, s25, v10;
	(pc) =	sbr.rel @!p0 .LBB2_33-.Ltmp28, $4  }
0x3c5: {  	s31 =	sadd.s32 $0xFFFFFFF9, s1;
	vm15 =	vmand vm4, vm14;
	v7 =	vsel vm0, v16, v7;
	v10 =	vsel vm1, s26, v10  }
0x3c6: {  	v7 =	vsel vm6, v19, v7;
	v10 =	vsel vm15, s31, v10  }
0x3c7: {  	v7 =	vsel vm1, v18, v7;
	v10 =	vadd.s32 v8, v10  }
0x3c8: {  	[tilespmem:s0+$0xFFFFFFF0] =	vst v1;
	v8 =	vsel vm15, v17, v7;
	v7 =	vshll.u32 v10, $0x8  }
0x3c9: {  	s0 =	simm.s32 $0x10040  }
0x3ca: {  	v11 =	vld [tilespmem:s0+$0xFFFFFFC0]  }
0x3cb: {  	v10 =	vld [tilespmem:s0+$0xFFFFFFF0]  }
0x3cc: {  	s1 =	simm.s32 $0x1;
	s2 =	simm.s32 $0x2;
	v14 =	vld [tilespmem:s0+$0xFFFFFFD0]  }
0x3cd: {  	s7 =	simm.s32 $0x7;
	s13 =	simm.s32 $0x5;
	s14 =	simm.s32 $0x4;
	v12 =	vmov s1;
	v13 =	vmov s2;
	v18 =	vld [tilespmem:s0+$0x30]  }
0x3ce: {  	s25 =	simm.s32 $0x3;
	s26 =	simm.s32 $0x6;
	v15 =	vmov s7;
	v16 =	vmov s13;
	v17 =	vmov s14;
	v19 =	vld [tilespmem:s0+$0x0]  }
0x3cf: {  	v20 =	vmov s25;
	v21 =	vld [tilespmem:s0+$0x10];
	vm5 =	vlt.s32 v17, v5;
	v17 =	vmov s26  }
0x3d0: {  	s31 =	simm.s32 $0x0;
	vm2 =	vlt.s32 v15, v5;
	vm0 =	vlt.s32 v13, v5;
	vm4 =	vlt.s32 v20, v5  }
0x3d1: {  	vm6 =	vlt.s32 v16, v5;
	v13 =	vmov s31;
	vm13 =	vlt.s32 v12, v5  }
0x3d2: {  	vm3 =	vlt.s32 v17, v5;
	vm1 =	vlt.s32 v13, v5;
	v10 =	vsub.s32 v10, v7  }
0x3d3: {  	v16 =	vsub.s32 v11, v7;
	v14 =	vsub.s32 v14, v7;
	v17 =	vsub.s32 v18, v7  }
0x3d4: {  	v13 =	vsub.s32 v19, v7;
	v18 =	vsub.s32 v21, v7;
	vm10 =	vlt.u32 v16, $0x100  }
0x3d5: {  	v15 =	vld [tilespmem:s0+$0x20];
	vm8 =	vgt.s32 v16, $0x0;
	vm7 =	vlt.u32 v17, $0x100;
	vm9 =	vgt.s32 v14, $0x0  }
0x3d6: {  	v19 =	vld [tilespmem:s0+$0xFFFFFFE0];
	vm12 =	vgt.s32 v17, $0x0;
	vm11 =	vgt.s32 v13, $0x0;
	vm14 =	vlt.u32 v14, $0x100  }
0x3d7: {  	vm15 =	vlt.u32 v18, $0x100;
	v11 =	vnsel vm9, $0x0, v14;
	vm9 =	vgt.s32 v18, $0x0  }
0x3d8: {  	v14 =	vnsel vm11, $0x0, v13;
	vm11 =	vgt.s32 v10, $0x0;
	v12 =	vnsel vm9, $0x0, v18  }
0x3d9: {  	vm10 =	vmand vm1, vm10;
	v14 =	vmin.u32 v14, $0xFF;
	v12 =	vmin.u32 v12, $0xFF  }
0x3da: {  	vm9 =	vlt.u32 v13, $0x100;
	v14 =	vshll.u32 v14, $0x4;
	v13 =	vshll.u32 v12, $0x4  }
0x3db: {  	v12 =	vsub.s32 v15, v7;
	v15 =	vnsel vm11, $0x0, v10;
	v18 =	vsub.s32 v19, v7  }
0x3dc: {  	v19 =	vnsel vm8, $0x0, v16;
	v16 =	vnsel vm12, $0x0, v17;
	vm11 =	vgt.s32 v12, $0x0  }
0x3dd: {  	p0 =	sgt.s32 s30, $0x8;
	v20 =	vmin.u32 v15, $0xFF;
	v15 =	vnsel vm11, $0x0, v12;
	vm11 =	vmand vm6, vm15  }
.Ltmp29:
0x3de: {  	v14 =	vor.u32 v0, v14;
	v13 =	vor.u32 v0, v13;
	v16 =	vmin.u32 v16, $0xFF;
	(pc) =	sbr.rel @!p0 .LBB2_50-.Ltmp29, $4  }
0x3df: {  	vm6 =	vmand vm13, vm14;
	vm13 =	vlt.u32 v18, $0x100;
	vm14 =	vgt.s32 v18, $0x0  }
0x3e0: {  	v15 =	vmin.u32 v15, $0xFF;
	v18 =	vnsel vm14, $0x0, v18;
	vm8 =	vmand vm0, vm13  }
0x3e1: {  	v15 =	vshll.u32 v15, $0x4;
	v17 =	vmin.u32 v18, $0xFF;
	v18 =	vmin.u32 v19, $0xFF  }
0x3e2: {  	s1 =	simm.s32 $0x100C0;
	s0 =	simm.s32 $0x8;
	v17 =	vshll.u32 v17, $0x4;
	v19 =	vshll.u32 v18, $0x4;
	v18 =	vshll.u32 v20, $0x4  }
.LBB2_49:
0x3e3: {  	s2 =	sadd.s32 $0x1, s0;
	s7 =	sadd.s32 $0x2, s0;
	s9 =	sadd.s32 $0x7, s0;
	v19 =	vor.u32 v0, v19;
	vm1 =	vlt.u32 v10, $0x100;
	vm0 =	vmand vm5, vm9;
	[tilespmem:v13+s23+$0x0] =	vst.idx.add.s32.msk vm11, v3  }
0x3e4: {  	v13 =	vld [tilespmem:s1+$0xFFFFFFC0];
	v20 =	vmov s2;
	v10 =	vmov s7;
	v21 =	vmov s9;
	s2 =	smov.u32 s0;
	s0 =	sadd.s32 $0x8, s0  }
0x3e5: {  	v17 =	vor.u32 v0, v17;
	v15 =	vor.u32 v0, v15;
	vm9 =	vmand vm4, vm1;
	v22 =	vld [tilespmem:s1+$0xFFFFFFF0];
	s7 =	sadd.s32 $0x5, s2;
	p0 =	slt.s32 s0, s30  }
0x3e6: {  	v18 =	vor.u32 v0, v18;
	vm1 =	vlt.u32 v12, $0x100;
	v23 =	vld [tilespmem:s1+$0x0];
	v24 =	vmov s7  }
0x3e7: {  	v11 =	vmin.u32 v11, $0xFF;
	v16 =	vshll.u32 v16, $0x4;
	vm13 =	vmand vm3, vm1;
	v12 =	vld [tilespmem:s1+$0x10]  }
0x3e8: {  	v11 =	vshll.u32 v11, $0x4;
	v16 =	vor.u32 v0, v16;
	s9 =	sadd.s32 $0x4, s2;
	vm1 =	vmand vm2, vm7;
	s7 =	sadd.s32 $0x3, s2;
	v25 =	vld [tilespmem:s1+$0xFFFFFFD0]  }
0x3e9: {  	v29 =	vor.u32 v0, v11;
	v27 =	vmov s9;
	v26 =	vmov s7;
	s7 =	sadd.s32 $0x6, s2;
	v28 =	vld [tilespmem:s1+$0x30]  }
0x3ea: {  	vm2 =	vlt.s32 v21, v5;
	vm5 =	vlt.s32 v27, v5;
	v11 =	vmov s7;
	[tilespmem:v14+s23+$0x0] =	vst.idx.add.s32.msk vm0, v3  }
0x3eb: {  	vm12 =	vlt.s32 v10, v5;
	vm4 =	vlt.s32 v26, v5;
	vm3 =	vlt.s32 v11, v5;
	v14 =	vld [tilespmem:s1+$0xFFFFFFE0]  }
0x3ec: {  	vm11 =	vlt.s32 v24, v5;
	v10 =	vsub.s32 v22, v7;
	[tilespmem:v19+s23+$0x0] =	vst.idx.add.s32.msk vm10, v3  }
0x3ed: {  	v11 =	vmov s2;
	v19 =	vsub.s32 v13, v7;
	v13 =	vsub.s32 v25, v7;
	[tilespmem:v15+s23+$0x0] =	vst.idx.add.s32.msk vm13, v3  }
0x3ee: {  	vm10 =	vlt.u32 v19, $0x100;
	vm13 =	vgt.s32 v19, $0x0;
	v15 =	vld [tilespmem:s1+$0x20];
	v21 =	vsub.s32 v28, v7  }
0x3ef: {  	vm0 =	vlt.s32 v11, v5;
	v22 =	vsub.s32 v23, v7;
	vm7 =	vlt.u32 v21, $0x100;
	[tilespmem:v16+s23+$0x0] =	vst.idx.add.s32.msk vm1, v3  }
0x3f0: {  	vm14 =	vgt.s32 v13, $0x0;
	v16 =	vsub.s32 v12, v7;
	vm1 =	vgt.s32 v21, $0x0;
	[tilespmem:v18+s23+$0x0] =	vst.idx.add.s32.msk vm9, v3  }
0x3f1: {  	v11 =	vnsel vm14, $0x0, v13;
	vm14 =	vgt.s32 v22, $0x0;
	vm9 =	vgt.s32 v16, $0x0;
	[tilespmem:v17+s23+$0x0] =	vst.idx.add.s32.msk vm8, v3  }
0x3f2: {  	vm15 =	vlt.u32 v13, $0x100;
	vm8 =	vlt.s32 v20, v5;
	v12 =	vnsel vm9, $0x0, v16;
	[tilespmem:v29+s23+$0x0] =	vst.idx.add.s32.msk vm6, v3  }
0x3f3: {  	vm9 =	vlt.u32 v22, $0x100;
	v17 =	vnsel vm14, $0x0, v22;
	v12 =	vmin.u32 v12, $0xFF  }
0x3f4: {  	vm6 =	vgt.s32 v10, $0x0;
	v13 =	vshll.u32 v12, $0x4;
	v12 =	vsub.s32 v15, v7  }
0x3f5: {  	v15 =	vnsel vm6, $0x0, v10;
	v13 =	vor.u32 v0, v13;
	vm6 =	vgt.s32 v12, $0x0  }
0x3f6: {  	vm14 =	vlt.u32 v16, $0x100;
	v18 =	vmin.u32 v15, $0xFF;
	v15 =	vnsel vm6, $0x0, v12  }
0x3f7: {  	v14 =	vsub.s32 v14, v7;
	vm11 =	vmand vm11, vm14;
	v15 =	vmin.u32 v15, $0xFF  }
0x3f8: {  	vm14 =	vgt.s32 v14, $0x0;
	vm6 =	vmand vm8, vm15;
	vm8 =	vlt.u32 v14, $0x100  }
.Ltmp30:
0x3f9: {  	v16 =	vmin.u32 v17, $0xFF;
	v14 =	vnsel vm14, $0x0, v14;
	v15 =	vshll.u32 v15, $0x4;
	(pc) =	sbr.rel @p0 .LBB2_49-.Ltmp30, $4  }
0x3fa: {  	v17 =	vnsel vm13, $0x0, v19;
	v19 =	vshll.u32 v16, $0x4;
	v16 =	vnsel vm1, $0x0, v21  }
0x3fb: {  	v16 =	vmin.u32 v16, $0xFF;
	vm8 =	vmand vm12, vm8;
	v14 =	vmin.u32 v14, $0xFF  }
0x3fc: {  	v20 =	vmin.u32 v17, $0xFF;
	v17 =	vshll.u32 v14, $0x4;
	v14 =	vor.u32 v0, v19  }
0x3fd: {  	vm10 =	vmand vm0, vm10;
	s1 =	sadd.s32 $0x80, s1;
	v18 =	vshll.u32 v18, $0x4;
	v19 =	vshll.u32 v20, $0x4  }
.LBB2_50:
0x3fe: {  	_ = 	snop  }
0x3ff: {  	v60 =	vor.u32 v0, v19  }
0x400: {  	vm0 =	vmand vm5, vm9;
	vm1 =	vlt.u32 v12, $0x100;
	v63 =	vor.u32 v0, v17  }
0x401: {  	vm14 =	vlt.u32 v10, $0x100;
	v61 =	vshll.u32 v16, $0x4;
	vm2 =	vmand vm2, vm7  }
0x402: {  	v10 =	vor.u32 v0, v15;
	vm1 =	vmand vm3, vm1;
	v15 =	vor.u32 v0, v61  }
0x403: {  	[tilespmem:v13+s23+$0x0] =	vst.idx.add.s32.msk vm11, v3;
	v11 =	vmin.u32 v11, $0xFF;
	vm15 =	vmand vm4, vm14  }
0x404: {  	v62 =	vor.u32 v0, v18;
	v11 =	vshll.u32 v11, $0x4;
	[tilespmem:v60+s23+$0x0] =	vst.idx.add.s32.msk vm10, v3  }
0x405: {  	v11 =	vor.u32 v0, v11;
	[tilespmem:v63+s23+$0x0] =	vst.idx.add.s32.msk vm8, v3  }
0x406: {  	[tilespmem:v14+s23+$0x0] =	vst.idx.add.s32.msk vm0, v3  }
0x407: {  	[tilespmem:v15+s23+$0x0] =	vst.idx.add.s32.msk vm2, v3  }
0x408: {  	[tilespmem:v10+s23+$0x0] =	vst.idx.add.s32.msk vm1, v3  }
0x409: {  	[tilespmem:v62+s23+$0x0] =	vst.idx.add.s32.msk vm15, v3  }
0x40a: {  	[tilespmem:v11+s23+$0x0] =	vst.idx.add.s32.msk vm6, v3  }
.LBB2_33:
0x40b: {  	s1 =	simm.s32 $0x18FF0  }
0x40c: {  	v8 =	vsub.s32 v9, v8;
	v9 =	vld [tilespmem:s1+$0x0]  }
0x40d: {  	v10 =	vld [tilespmem:s1+$0xFFFFFFF0]  }
0x40e: {  	v11 =	vld [tilespmem:s1+$0xFFFFFFE0]  }
0x40f: {  	v12 =	vld [tilespmem:s1+$0xFFFFFFD0]  }
0x410: {  	v13 =	vimm.s32 $0x0;
	v14 =	vld [tilespmem:s1+$0xFFFFFFC0]  }
0x411: {  	v15 =	vadd.s32 v13, v9  }
0x412: {  	v16 =	vadd.s32 v15, v10  }
0x413: {  	v9 =	vld [tilespmem:s1+$0xFFFFFFB0];
	v20 =	vadd.s32 v16, v11  }
0x414: {  	vm1 =	vmxor vm1, vm1;
	v10 =	vld [tilespmem:s1+$0xFFFFFFA0];
	vm0 =	vge.s32 v15, v8;
	v21 =	vadd.s32 v20, v12  }
0x415: {  	vm6 =	vge.s32 v16, v8;
	vm1 =	vmor vm1, vm0;
	v11 =	vadd.s32 v21, v14;
	v14 =	vld [tilespmem:$0x1FFF0]  }
0x416: {  	v17 =	vld [tilespmem:s1+$0xFFFFFF90];
	vm7 =	vmneg vm1;
	vm8 =	vge.s32 v20, v8;
	vm9 =	vmor vm1, vm6  }
0x417: {  	vm4 =	vge.s32 v21, v8;
	vm6 =	vmand vm6, vm7;
	vm7 =	vmor vm9, vm8  }
0x418: {  	vm9 =	vmneg vm9;
	v9 =	vadd.s32 v11, v9;
	vm3 =	vge.s32 v11, v8  }
0x419: {  	s0 =	simm.s32 $0x18F70;
	vm8 =	vmand vm8, vm9;
	vm9 =	vmneg vm7;
	vm5 =	vge.s32 v9, v8  }
0x41a: {  	v10 =	vadd.s32 v9, v10;
	vm13 =	vmand vm4, vm9;
	vm1 =	vnez.u8 v14;
	v14 =	vld [tilespmem:s0+$0x0]  }
0x41b: {  	s7 =	simm.s32 $0xFF;
	vm2 =	vge.s32 v10, v8;
	v12 =	vadd.s32 v10, v17;
	vm0 =	vmand vm0, vm1  }
0x41c: {  	s2 =	simm.s32 $0xFE;
	v17 =	vld [tilespmem:s0+$0xFFFFFFF0];
	vm1 =	vge.s32 v12, v8;
	v18 =	vsel vm0, s7, v13;
	v13 =	vsel vm0, v13, v13  }
0x41d: {  	s13 =	simm.s32 $0xFD;
	[tilespmem:s1+$0x0] =	vst v1;
	v18 =	vsel vm6, s2, v18;
	v15 =	vsel vm6, v15, v13;
	vm6 =	vmor vm7, vm4  }
0x41e: {  	[tilespmem:s1+$0xFFFFFFE0] =	vst v1;
	v18 =	vsel vm8, s13, v18;
	v22 =	vsel vm8, v16, v15;
	vm7 =	vmor vm6, vm3  }
0x41f: {  	s14 =	simm.s32 $0xFC;
	v19 =	vld [tilespmem:s0+$0xFFFFFFE0];
	[tilespmem:s1+$0xFFFFFFD0] =	vst v1;
	vm6 =	vmneg vm6;
	v13 =	vadd.s32 v12, v14;
	vm8 =	vmneg vm7  }
0x420: {  	[tilespmem:s1+$0xFFFFFFC0] =	vst v1;
	vm9 =	vmor vm7, vm5;
	v24 =	vsel vm13, s14, v18;
	vm14 =	vmand vm3, vm6  }
0x421: {  	[tilespmem:s1+$0xFFFFFFB0] =	vst v1;
	v16 =	vld [tilespmem:s0+$0xFFFFFFD0];
	v22 =	vsel vm13, v20, v22;
	vm0 =	vge.s32 v13, v8;
	v14 =	vadd.s32 v13, v17  }
0x422: {  	[tilespmem:s1+$0xFFFFFFA0] =	vst v1;
	v17 =	vld [tilespmem:s0+$0xFFFFFFC0];
	vm7 =	vmand vm5, vm8;
	vm5 =	vmor vm9, vm2;
	vm12 =	vmneg vm9  }
0x423: {  	v23 =	vld [tilespmem:s0+$0xFFFFFFB0];
	[tilespmem:s1+$0xFFFFFF90] =	vst v1;
	v21 =	vsel vm14, v21, v22;
	vm4 =	vge.s32 v14, v8;
	vm3 =	vmor vm5, vm1  }
0x424: {  	v25 =	vld [tilespmem:s0+$0xFFFFFFA0];
	[tilespmem:s1+$0xFFFFFFF0] =	vst v1;
	v15 =	vadd.s32 v14, v19;
	vm12 =	vmand vm2, vm12;
	vm6 =	vmor vm3, vm0  }
0x425: {  	v26 =	vld [tilespmem:s0+$0xFFFFFF90];
	[tilespmem:s0+$0xFFFFFFE0] =	vst v1;
	vm15 =	vmneg vm3;
	vm8 =	vge.s32 v15, v8;
	vm3 =	vmneg vm5  }
0x426: {  	[tilespmem:s0+$0xFFFFFFB0] =	vst v1;
	vm11 =	vmneg vm6;
	vm9 =	vmor vm6, vm4;
	v16 =	vadd.s32 v15, v16  }
0x427: {  	[tilespmem:s0+$0xFFFFFFA0] =	vst v1;
	vm10 =	vmand vm1, vm3;
	vm0 =	vmand vm0, vm15;
	v19 =	vadd.s32 v16, v17  }
0x428: {  	s25 =	simm.s32 $0xFB;
	[tilespmem:s0+$0xFFFFFF90] =	vst v1;
	vm5 =	vge.s32 v16, v8;
	vm13 =	vmor vm9, vm8;
	v18 =	vadd.s32 v19, v23  }
0x429: {  	s26 =	simm.s32 $0xFA;
	[tilespmem:s0+$0x0] =	vst v1;
	vm3 =	vge.s32 v19, v8;
	v23 =	vsel vm14, s25, v24;
	v17 =	vadd.s32 v18, v25  }
0x42a: {  	s9 =	simm.s32 $0xF7;
	s31 =	simm.s32 $0xF9;
	s12 =	simm.s32 $0x18EF0;
	[tilespmem:s0+$0xFFFFFFD0] =	vst v1;
	vm6 =	vge.s32 v18, v8;
	v22 =	vsel vm7, s26, v23;
	v20 =	vadd.s32 v17, v26  }
0x42b: {  	s1 =	simm.s32 $0xF7;
	s7 =	simm.s32 $0x8;
	s13 =	simm.s32 $0xF8;
	[tilespmem:s0+$0xFFFFFFC0] =	vst v1;
	vm1 =	vge.s32 v17, v8;
	v22 =	vsel vm12, s31, v22;
	vm2 =	vge.s32 v20, v8  }
.LBB2_34:
0x42c: {  	v23 =	vld [tilespmem:s12+$0x0];
	s7 =	sadd.s32 $0x8, s7;
	[tilespmem:s0+$0xFFFFFFF0] =	vst v1;
	vm4 =	vmand vm4, vm11;
	s9 =	sadd.s32 $0xFFFFFFF8, s9;
	v21 =	vsel vm7, v11, v21;
	v22 =	vsel vm10, s13, v22;
	v11 =	vmovc v19;
	s0 =	smov.u32 s12  }
0x42d: {  	s2 =	sadd.s32 $0xFFFFFFFF, s1;
	vm7 =	vmneg vm9;
	[tilespmem:s12+$0x0] =	vst v1;
	v19 =	vld [tilespmem:s12+$0xFFFFFFF0];
	p0 =	slt.u32 s7, $0xF8;
	v22 =	vsel vm0, s1, v22;
	v21 =	vsel vm12, v9, v21;
	v9 =	vmovc v18  }
0x42e: {  	vm7 =	vmand vm8, vm7;
	v18 =	vld [tilespmem:s12+$0xFFFFFFE0];
	v22 =	vsel vm4, s2, v22;
	v21 =	vsel vm10, v10, v21;
	v10 =	vmovc v17  }
0x42f: {  	s2 =	sadd.s32 $0xFFFFFFFE, s1;
	[tilespmem:s12+$0xFFFFFFE0] =	vst v1;
	v17 =	vsel vm0, v12, v21;
	vm0 =	vmneg vm13;
	v12 =	vmov v20  }
0x430: {  	vm8 =	vmor vm13, vm5;
	v21 =	vsel vm7, s2, v22;
	v17 =	vsel vm4, v13, v17  }
0x431: {  	v13 =	vadd.s32 v20, v23;
	v20 =	vsel vm7, v14, v17;
	vm7 =	vmor vm8, vm3  }
0x432: {  	vm0 =	vmand vm5, vm0;
	vm13 =	vge.s32 v13, v8;
	v14 =	vadd.s32 v13, v19  }
0x433: {  	vm5 =	vmneg vm7;
	vm9 =	vmor vm7, vm6;
	vm4 =	vge.s32 v14, v8;
	v17 =	vld [tilespmem:s12+$0xFFFFFFD0]  }
0x434: {  	s2 =	sadd.s32 $0xFFFFFFFD, s1;
	vm8 =	vmneg vm8;
	vm7 =	vmand vm6, vm5;
	vm5 =	vmor vm9, vm1;
	[tilespmem:s12+$0xFFFFFFD0] =	vst v1;
	v19 =	vld [tilespmem:s12+$0xFFFFFFC0]  }
0x435: {  	v21 =	vsel vm0, s2, v21;
	vm14 =	vmand vm3, vm8;
	vm3 =	vmor vm5, vm2;
	[tilespmem:s12+$0xFFFFFFC0] =	vst v1;
	v22 =	vld [tilespmem:s12+$0xFFFFFFB0]  }
0x436: {  	v23 =	vadd.s32 v14, v18;
	vm12 =	vmneg vm9;
	vm6 =	vmor vm3, vm13;
	[tilespmem:s12+$0xFFFFFFB0] =	vst v1;
	v24 =	vld [tilespmem:s12+$0xFFFFFFA0]  }
0x437: {  	vm8 =	vge.s32 v23, v8;
	vm15 =	vmneg vm3;
	vm11 =	vmneg vm6;
	[tilespmem:s12+$0xFFFFFFA0] =	vst v1;
	v25 =	vld [tilespmem:s12+$0xFFFFFF90]  }
0x438: {  	vm3 =	vmneg vm5;
	vm9 =	vmor vm6, vm4;
	v26 =	vadd.s32 v23, v17;
	[tilespmem:s12+$0xFFFFFF90] =	vst v1  }
0x439: {  	vm10 =	vmand vm2, vm3;
	vm5 =	vge.s32 v26, v8;
	v19 =	vadd.s32 v26, v19  }
.Ltmp31:
0x43a: {  	vm12 =	vmand vm1, vm12;
	vm3 =	vge.s32 v19, v8;
	v18 =	vadd.s32 v19, v22;
	(pc) =	sbr.rel @p0 .LBB2_34-.Ltmp31, $4  }
0x43b: {  	s2 =	sadd.s32 $0xFFFFFFFC, s1;
	v22 =	vsel vm0, v15, v20;
	v15 =	vmovc v23;
	vm6 =	vge.s32 v18, v8;
	v17 =	vadd.s32 v18, v24  }
0x43c: {  	v23 =	vsel vm14, s2, v21;
	s2 =	sadd.s32 $0xFFFFFFFB, s1;
	vm1 =	vge.s32 v17, v8;
	v20 =	vadd.s32 v17, v25  }
0x43d: {  	v21 =	vsel vm14, v16, v22;
	v22 =	vsel vm7, s2, v23;
	s2 =	sadd.s32 $0xFFFFFFFA, s1;
	v16 =	vmovc v26;
	vm2 =	vge.s32 v20, v8  }
0x43e: {  	s13 =	sadd.s32 $0xFFFFFFF9, s1;
	s12 =	sadd.s32 $0xFFFFFF80, s12;
	vm0 =	vmand vm13, vm15;
	vm13 =	vmor vm9, vm8;
	s1 =	smov.u32 s9;
	v22 =	vsel vm12, s2, v22  }
0x43f: {  	v11 =	vsel vm7, v11, v21;
	v20 =	vsel vm10, s13, v22  }
0x440: {  	vm4 =	vmand vm4, vm11;
	vm14 =	vmneg vm13;
	vm15 =	vmor vm13, vm5  }
0x441: {  	s2 =	sadd.s32 $0xFFFFFFFF, s1;
	v20 =	vsel vm0, s1, v20;
	v9 =	vsel vm12, v9, v11;
	vm12 =	vmneg vm9  }
0x442: {  	vm9 =	vmor vm15, vm3;
	v11 =	vsel vm4, s2, v20;
	v9 =	vsel vm10, v10, v9  }
0x443: {  	s9 =	sadd.s32 $0xFFFFFFFE, s1;
	vm7 =	vmand vm8, vm12;
	vm10 =	vmneg vm9;
	v9 =	vsel vm0, v12, v9  }
0x444: {  	s12 =	sadd.s32 $0xFFFFFFFD, s1;
	v10 =	vsel vm7, s9, v11;
	vm0 =	vmand vm5, vm14;
	vm5 =	vmand vm6, vm10  }
0x445: {  	v9 =	vsel vm4, v13, v9;
	vm4 =	vmneg vm15;
	v10 =	vsel vm0, s12, v10  }
0x446: {  	p0 =	slt.s32 s30, $0x1;
	v9 =	vsel vm7, v14, v9;
	vm7 =	vmor vm9, vm6;
	vm12 =	vmand vm3, vm4  }
.Ltmp32:
0x447: {  	s13 =	sadd.s32 $0xFFFFFFFC, s1;
	vm11 =	vmor vm7, vm1;
	vm13 =	vmneg vm7;
	v9 =	vsel vm0, v15, v9;
	(pc) =	sbr.rel @p0 .LBB2_39-.Ltmp32, $4  }
0x448: {  	s14 =	sadd.s32 $0xFFFFFFFB, s1;
	v10 =	vsel vm12, s13, v10;
	vm14 =	vmneg vm11;
	v9 =	vsel vm12, v16, v9  }
0x449: {  	s25 =	sadd.s32 $0xFFFFFFFA, s1;
	vm15 =	vmand vm1, vm13;
	v10 =	vsel vm5, s14, v10;
	v9 =	vsel vm5, v19, v9  }
0x44a: {  	s26 =	sadd.s32 $0xFFFFFFF9, s1;
	s31 =	sshll.u32 s28, $0x6;
	vm0 =	vmand vm2, vm14;
	v10 =	vsel vm15, s25, v10;
	v11 =	vsel vm15, v18, v9  }
0x44b: {  	[tilespmem:s0+$0xFFFFFFF0] =	vst v1;
	s0 =	sand.u32 $0x40, s31;
	v9 =	vsel vm0, s26, v10;
	v10 =	vsel vm0, v17, v11  }
0x44c: {  	s1 =	simm.s32 $0x10040  }
0x44d: {  	v7 =	vadd.s32 v7, v9;
	v8 =	vsub.s32 v8, v10;
	s2 =	simm.s32 $0x1;
	s9 =	simm.s32 $0x2;
	v10 =	vld [tilespmem:s1+$0xFFFFFFE0]  }
0x44e: {  	v12 =	vimm.s32 $0x0;
	s12 =	simm.s32 $0x3;
	s14 =	simm.s32 $0x5;
	s25 =	simm.s32 $0x6;
	v11 =	vmov s2;
	v13 =	vmov s9;
	v15 =	vld [tilespmem:s1+$0x30]  }
0x44f: {  	s7 =	simm.s32 $0x0;
	v14 =	vmov s12;
	v16 =	vmov s14;
	v17 =	vld [tilespmem:s1+$0xFFFFFFC0];
	v18 =	vmov s25  }
0x450: {  	s13 =	simm.s32 $0x4;
	v19 =	vld [tilespmem:s1+$0xFFFFFFD0];
	v20 =	vmov s7;
	vm9 =	vlt.s32 v12, v8;
	vm4 =	vlt.s32 v11, v5  }
0x451: {  	s26 =	simm.s32 $0x7;
	v11 =	vmov s13;
	vm2 =	vlt.s32 v13, v5;
	vm5 =	vlt.s32 v14, v5;
	v14 =	vld [tilespmem:s1+$0x10]  }
0x452: {  	vm7 =	vlt.s32 v20, v5;
	vm1 =	vlt.s32 v11, v5;
	v11 =	vmov s26  }
0x453: {  	v20 =	vimm.s32 $0x0;
	vm3 =	vlt.s32 v11, v5;
	vm0 =	vgt.s32 v10, v7  }
0x454: {  	vm6 =	veq.s32 v10, v7;
	vm8 =	veq.s32 v15, v7;
	vm10 =	vgt.s32 v17, v7  }
0x455: {  	vm11 =	vgt.s32 v15, v7;
	vm14 =	veq.s32 v19, v7;
	vm0 =	vmand vm2, vm0  }
0x456: {  	v11 =	vld [tilespmem:s1+$0x20];
	vm6 =	vmand vm2, vm6;
	vm2 =	veq.s32 v17, v7;
	vm12 =	vgt.s32 v14, v7  }
0x457: {  	vm13 =	veq.s32 v14, v7;
	vm14 =	vmand vm4, vm14;
	vm15 =	vmand vm7, vm2  }
0x458: {  	vm2 =	vmand vm3, vm8;
	vm7 =	vmand vm7, vm10;
	vm8 =	vlt.s32 v18, v5  }
0x459: {  	v13 =	vld [tilespmem:s1+$0x0];
	v18 =	vimm.s32 $0x0;
	v20 =	vsel vm2, $0xFFFFFFFF, v20;
	vm2 =	vmand vm3, vm11  }
0x45a: {  	v21 =	vsel vm6, $0x1, v1;
	vm11 =	vlt.s32 v16, v5;
	[tilespmem:$0x1FF70] =	vst v20;
	v18 =	vsel vm2, $0xFFFFFFFF, v18  }
0x45b: {  	vm10 =	vgt.s32 v11, v7;
	vm9 =	vmand vm9, vm15;
	vm13 =	vmand vm11, vm13;
	[tilespmem:$0x1FF80] =	vst v18  }
0x45c: {  	vm12 =	vmand vm11, vm12;
	vm11 =	veq.s32 v11, v7;
	vm3 =	vmand vm8, vm10;
	v16 =	vld [tilespmem:s1+$0xFFFFFFF0]  }
0x45d: {  	vm10 =	vmor vm7, vm9;
	v20 =	vsel vm14, $0x1, v1;
	vm11 =	vmand vm8, vm11  }
0x45e: {  	vm8 =	vgt.s32 v19, v7;
	v18 =	vsel vm15, $0x1, v1;
	vm15 =	vgt.s32 v13, v7  }
0x45f: {  	vm4 =	vmand vm4, vm8;
	vm8 =	veq.s32 v13, v7;
	v18 =	vadd.s32 v18, v12  }
0x460: {  	vm15 =	vmand vm1, vm15;
	vm8 =	vmand vm1, vm8;
	vm9 =	vlt.s32 v18, v8  }
0x461: {  	v18 =	vadd.s32 v20, v18;
	vm9 =	vmand vm14, vm9;
	vm1 =	veq.s32 v16, v7  }
0x462: {  	v20 =	vsel vm8, $0x1, v1;
	vm2 =	vmor vm4, vm9;
	vm14 =	vmand vm5, vm1  }
0x463: {  	vm4 =	vlt.s32 v18, v8;
	v18 =	vadd.s32 v21, v18;
	v22 =	vsel vm14, $0x1, v1  }
0x464: {  	vm4 =	vmand vm6, vm4;
	vm6 =	vlt.s32 v18, v8;
	v21 =	vadd.s32 v22, v18  }
0x465: {  	vm9 =	vmor vm0, vm4;
	vm0 =	vlt.s32 v21, v8;
	v18 =	vadd.s32 v20, v21  }
0x466: {  	v20 =	vsel vm13, $0x1, v1;
	v21 =	vsel vm11, $0x1, v1;
	vm0 =	vmand vm8, vm0  }
0x467: {  	vm8 =	vmor vm15, vm0;
	vm0 =	vlt.s32 v18, v8;
	v18 =	vadd.s32 v20, v18  }
0x468: {  	vm0 =	vmand vm13, vm0;
	vm13 =	vgt.s32 v16, v7;
	v21 =	vadd.s32 v21, v18  }
0x469: {  	vm7 =	vmor vm12, vm0;
	vm0 =	vmand vm5, vm13;
	vm5 =	vlt.s32 v18, v8;
	v18 =	vld [tilespmem:$0x1FF70];
	_ =	sdelay $0x3  }
0x46a: {  	vm6 =	vmand vm14, vm6  }
0x46b: {  	vm6 =	vmor vm0, vm6;
	vm0 =	vmand vm11, vm5;
	vm5 =	vnez.u8 v18;
	v18 =	vld [tilespmem:$0x1FF80]  }
0x46c: {  	v23 =	vsel vm10, $0x1, v1  }
0x46d: {  	v23 =	vadd.s32 v23, v12;
	v22 =	vxor.u32 $0x7FFFFFFF, v17  }
0x46e: {  	v20 =	vxor.u32 $0x7FFFFFFF, v15;
	vm1 =	vmor vm3, vm0;
	vm0 =	vlt.s32 v17, $0x0  }
0x46f: {  	vm11 =	vlt.s32 v15, $0x0;
	v24 =	vsel vm0, v22, v17;
	vm0 =	vlt.s32 v21, v8  }
0x470: {  	v15 =	vsel vm11, v20, v15;
	vm0 =	vmand vm5, vm0;
	vm3 =	vnez.u8 v18  }
0x471: {  	v17 =	vxor.u32 $0x7FFFFFFF, v16;
	vm0 =	vmor vm3, vm0;
	vm3 =	vlt.s32 v16, $0x0  }
0x472: {  	v22 =	vxor.u32 $0x7FFFFFFF, v19;
	v18 =	vsel vm3, v17, v16;
	vm3 =	vlt.s32 v19, $0x0  }
0x473: {  	v20 =	vxor.u32 $0x7FFFFFFF, v13;
	v17 =	vsel vm2, $0x1, v1;
	v16 =	vsel vm3, v22, v19  }
0x474: {  	vm3 =	vlt.s32 v13, $0x0;
	v19 =	vsel vm9, $0x1, v1;
	v17 =	vadd.s32 v17, v23  }
0x475: {  	v25 =	vsel vm3, v20, v13;
	v19 =	vadd.s32 v19, v17;
	v13 =	vsel vm6, $0x1, v1  }
0x476: {  	v20 =	vsel vm8, $0x1, v1;
	v13 =	vadd.s32 v13, v19  }
0x477: {  	v9 =	vmov s0;
	v22 =	vsel vm7, $0x1, v1;
	v20 =	vadd.s32 v20, v13  }
0x478: {  	v27 =	vadd.s32 v9, v12;
	v28 =	vsel vm1, $0x1, v1;
	v22 =	vadd.s32 v22, v20  }
0x479: {  	v27 =	vshll.u32 v27, $0x4;
	v28 =	vadd.s32 v28, v22  }
0x47a: {  	v27 =	vor.u32 v0, v27;
	v20 =	vadd.s32 v9, v20;
	v29 =	vadd.s32 v9, v28  }
0x47b: {  	v12 =	vxor.u32 $0x7FFFFFFF, v10;
	v30 =	vshll.u32 v20, $0x4;
	v20 =	vshll.u32 v29, $0x4  }
0x47c: {  	v26 =	vsel vm5, $0x1, v1;
	v62 =	vsel vm0, $0x1, v1;
	v20 =	vor.u32 v0, v20  }
0x47d: {  	vm3 =	vlt.s32 v10, $0x0;
	v17 =	vadd.s32 v9, v17;
	v13 =	vadd.s32 v9, v13  }
0x47e: {  	v19 =	vadd.s32 v9, v19;
	v17 =	vshll.u32 v17, $0x4;
	v13 =	vshll.u32 v13, $0x4  }
0x47f: {  	p0 =	sgt.s32 s30, $0x8;
	v19 =	vshll.u32 v19, $0x4;
	v22 =	vadd.s32 v9, v22;
	v32 =	vor.u32 v0, v13  }
.Ltmp33:
0x480: {  	v31 =	vshll.u32 v22, $0x4;
	v13 =	vadd.s32 v62, v28;
	v22 =	vadd.s32 v9, v23;
	(pc) =	sbr.rel @!p0 .LBB2_38-.Ltmp33, $4  }
0x481: {  	v23 =	vxor.u32 $0x7FFFFFFF, v11;
	[tilespmem:v20+s24+$0x0] =	vst.idx.msk vm0, v15;
	v20 =	vor.u32 v0, v17;
	v17 =	vor.u32 v0, v30  }
0x482: {  	v63 =	vshll.u32 v22, $0x4;
	v22 =	vor.u32 v0, v19;
	v19 =	vadd.s32 v26, v21  }
0x483: {  	[tilespmem:v27+s24+$0x0] =	vst.idx.msk vm10, v24;
	v21 =	vor.u32 v0, v63;
	vm0 =	vlt.s32 v14, $0x0;
	v15 =	vxor.u32 $0x7FFFFFFF, v14  }
0x484: {  	s31 =	simm.s32 $0x100C0;
	s1 =	simm.s32 $0x8;
	[tilespmem:v32+s24+$0x0] =	vst.idx.msk vm8, v25;
	v14 =	vsel vm0, v15, v14;
	vm0 =	vlt.s32 v11, $0x0;
	v15 =	vor.u32 v0, v31  }
.LBB2_37:
0x485: {  	v12 =	vsel vm3, v12, v10  }
0x486: {  	v23 =	vsel vm0, v23, v11;
	[tilespmem:v17+s24+$0x0] =	vst.idx.msk vm7, v14;
	v14 =	vadd.s32 v9, v13  }
0x487: {  	s2 =	sadd.s32 $0x1, s1;
	s7 =	sadd.s32 $0x2, s1;
	v41 =	vimm.s32 $0x0;
	v28 =	vimm.s32 $0x0;
	v43 =	vimm.s32 $0x0  }
0x488: {  	s9 =	sadd.s32 $0x3, s1;
	v10 =	vld [tilespmem:s31+$0xFFFFFFE0];
	s12 =	smov.u32 s1;
	[tilespmem:v22+s24+$0x0] =	vst.idx.msk vm6, v18;
	v30 =	vimm.s32 $0x0;
	v11 =	vmov s2;
	v24 =	vmov s7  }
0x489: {  	v18 =	vld [tilespmem:s31+$0x30];
	v25 =	vmov s9;
	s13 =	sadd.s32 $0x4, s12;
	s14 =	sadd.s32 $0x5, s12;
	s25 =	sadd.s32 $0x6, s12;
	[tilespmem:v20+s24+$0x0] =	vst.idx.msk vm9, v12;
	v20 =	vmov s12;
	vm14 =	vlt.s32 v11, v5  }
0x48a: {  	s26 =	sadd.s32 $0x7, s12;
	v11 =	vmov s13;
	v22 =	vmov s14;
	v26 =	vmov s25  }
0x48b: {  	[tilespmem:v21+s24+$0x0] =	vst.idx.msk vm2, v16;
	v21 =	vld [tilespmem:s31+$0xFFFFFFC0];
	v12 =	vmov s26;
	vm0 =	vlt.s32 v24, v5;
	vm8 =	vlt.s32 v20, v5  }
0x48c: {  	v16 =	vld [tilespmem:s31+$0xFFFFFFF0];
	vm11 =	vlt.s32 v11, v5;
	vm5 =	vlt.s32 v12, v5;
	v12 =	vimm.s32 $0x0  }
0x48d: {  	v11 =	vld [tilespmem:s31+$0x20];
	[tilespmem:v15+s24+$0x0] =	vst.idx.msk vm1, v23;
	v15 =	vimm.s32 $0x0;
	v23 =	vimm.s32 $0x0;
	vm1 =	vgt.s32 v10, v7  }
0x48e: {  	v20 =	vld [tilespmem:s31+$0x0];
	vm2 =	vlt.s32 v10, $0x0;
	vm4 =	veq.s32 v10, v7;
	vm6 =	vgt.s32 v18, v7  }
0x48f: {  	vm3 =	vlt.s32 v18, $0x0;
	v12 =	vsel vm2, $0xFFFFFFFF, v12;
	vm2 =	vlt.s32 v25, v5  }
0x490: {  	vm1 =	vmand vm0, vm1;
	vm13 =	vmand vm0, vm4;
	vm0 =	vlt.s32 v19, v8  }
0x491: {  	vm12 =	veq.s32 v16, v7;
	vm4 =	vgt.s32 v21, v7;
	v25 =	vsel vm3, $0xFFFFFFFF, v41  }
0x492: {  	v17 =	vld [tilespmem:s31+$0xFFFFFFD0];
	v15 =	vsel vm2, $0xFFFFFFFF, v15;
	vm2 =	veq.s32 v18, v7;
	v23 =	vsel vm0, $0xFFFFFFFF, v23  }
0x493: {  	vm0 =	veq.s32 v21, v7;
	v40 =	vsel vm13, $0x1, v1;
	vm15 =	veq.s32 v20, v7  }
0x494: {  	vm10 =	vmand vm8, vm4;
	vm9 =	vgt.s32 v20, v7;
	[tilespmem:$0x1FEF0] =	vst v15;
	v15 =	vimm.s32 $0x0  }
0x495: {  	[tilespmem:$0x1FF00] =	vst v23;
	v23 =	vxor.u32 $0x7FFFFFFF, v18;
	vm3 =	vmand vm8, vm0;
	vm0 =	vmand vm5, vm2  }
0x496: {  	vm2 =	vlt.s32 v26, v5;
	vm8 =	vlt.s32 v22, v5;
	v15 =	vsel vm1, $0xFFFFFFFF, v15  }
0x497: {  	vm4 =	veq.s32 v11, v7;
	vm15 =	vmand vm11, vm15;
	vm1 =	veq.s32 v17, v7;
	[tilespmem:$0x1FF10] =	vst v15;
	v15 =	vld [tilespmem:s31+$0x10]  }
0x498: {  	v28 =	vsel vm0, $0xFFFFFFFF, v28;
	vm0 =	vmand vm5, vm6;
	v44 =	vsel vm3, $0x1, v1;
	v31 =	vld [tilespmem:$0x1FEF0]  }
0x499: {  	vm5 =	vgt.s32 v11, v7;
	v46 =	vsel vm15, $0x1, v1;
	vm4 =	vmand vm2, vm4;
	v32 =	vld [tilespmem:$0x1FF00]  }
0x49a: {  	vm7 =	vmand vm14, vm1;
	v26 =	vsel vm0, $0xFFFFFFFF, v43;
	vm0 =	vgt.s32 v16, v7  }
0x49b: {  	v19 =	vadd.s32 v44, v19;
	v56 =	vsel vm4, $0x1, v1;
	v30 =	vsel vm0, $0xFFFFFFFF, v30  }
0x49c: {  	vm0 =	vgt.s32 v17, v7;
	vm1 =	vgt.s32 v15, v7;
	vm6 =	veq.s32 v15, v7  }
0x49d: {  	vm6 =	vmand vm8, vm6;
	vm8 =	vmand vm8, vm1;
	vm1 =	vmand vm2, vm5  }
0x49e: {  	vm2 =	vmand vm14, vm0;
	vm14 =	vnez.u8 v31;
	vm0 =	vnez.u8 v32  }
0x49f: {  	v27 =	vsel vm7, $0x1, v1;
	v51 =	vld [tilespmem:$0x1FF10];
	vm5 =	vmand vm14, vm12;
	vm3 =	vmand vm0, vm3  }
0x4a0: {  	vm0 =	vmand vm11, vm9;
	vm9 =	vlt.s32 v19, v8;
	v19 =	vadd.s32 v27, v19  }
0x4a1: {  	v48 =	vsel vm5, $0x1, v1;
	vm3 =	vmor vm10, vm3;
	vm7 =	vmand vm7, vm9  }
0x4a2: {  	[tilespmem:$0x1FF20] =	vst v30;
	vm9 =	vlt.s32 v19, v8;
	v19 =	vadd.s32 v40, v19;
	vm2 =	vmor vm2, vm7  }
0x4a3: {  	v54 =	vld [tilespmem:$0x1FF20];
	vm7 =	vmand vm13, vm9;
	vm10 =	vlt.s32 v19, v8;
	v49 =	vsel vm3, $0x1, v1  }
0x4a4: {  	vm9 =	vnez.u8 v51;
	v24 =	vadd.s32 v49, v13;
	v13 =	vadd.s32 v48, v19  }
0x4a5: {  	vm9 =	vmor vm9, vm7;
	vm7 =	vlt.s32 v13, v8;
	v13 =	vadd.s32 v46, v13  }
0x4a6: {  	vm5 =	vmand vm5, vm10;
	vm7 =	vmand vm15, vm7;
	vm10 =	vlt.s32 v13, v8  }
0x4a7: {  	[tilespmem:$0x1FF30] =	vst v25;
	v47 =	vsel vm6, $0x1, v1;
	vm13 =	vmor vm0, vm7;
	vm0 =	vmand vm6, vm10  }
0x4a8: {  	v59 =	vld [tilespmem:$0x1FF30];
	v50 =	vsel vm2, $0x1, v1;
	vm7 =	vmor vm8, vm0;
	vm0 =	vnez.u8 v54  }
0x4a9: {  	v19 =	vsel vm9, $0x1, v1;
	v52 =	vadd.s32 v50, v24;
	vm0 =	vmand vm14, vm0  }
0x4aa: {  	v19 =	vadd.s32 v19, v52;
	v13 =	vadd.s32 v47, v13;
	vm6 =	vmor vm0, vm5  }
0x4ab: {  	v31 =	vadd.s32 v56, v13;
	vm8 =	vlt.s32 v13, v8;
	v57 =	vsel vm6, $0x1, v1  }
0x4ac: {  	v53 =	vsel vm13, $0x1, v1;
	vm0 =	vmand vm4, vm8;
	v13 =	vadd.s32 v57, v19  }
0x4ad: {  	vm4 =	vnez.u8 v59;
	v33 =	vadd.s32 v9, v13;
	v13 =	vadd.s32 v53, v13  }
0x4ae: {  	[tilespmem:$0x1FF40] =	vst v28;
	v27 =	vsel vm4, v23, v18;
	v18 =	vadd.s32 v9, v13  }
0x4af: {  	v14 =	vshll.u32 v14, $0x4;
	v23 =	vshll.u32 v18, $0x4;
	v18 =	vld [tilespmem:$0x1FF40]  }
0x4b0: {  	v14 =	vor.u32 v0, v14  }
0x4b1: {  	v42 =	vxor.u32 $0x7FFFFFFF, v21;
	v45 =	vxor.u32 $0x7FFFFFFF, v16;
	[tilespmem:$0x1FF60] =	vst v12;
	v12 =	vxor.u32 $0x7FFFFFFF, v10  }
0x4b2: {  	v29 =	vxor.u32 $0x7FFFFFFF, v20;
	v22 =	vxor.u32 $0x7FFFFFFF, v17;
	vm11 =	vlt.s32 v20, $0x0  }
0x4b3: {  	[tilespmem:$0x1FF50] =	vst v26;
	v63 =	vxor.u32 $0x7FFFFFFF, v15;
	v29 =	vsel vm11, v29, v20;
	v20 =	vadd.s32 v9, v52  }
0x4b4: {  	vm1 =	vmor vm1, vm0;
	vm0 =	vlt.s32 v21, $0x0;
	vm5 =	vnez.u8 v18;
	v18 =	vld [tilespmem:$0x1FF50]  }
0x4b5: {  	vm12 =	vlt.s32 v16, $0x0;
	v20 =	vshll.u32 v20, $0x4;
	v25 =	vsel vm0, v42, v21  }
0x4b6: {  	v20 =	vor.u32 v0, v20;
	v55 =	vsel vm7, $0x1, v1;
	vm4 =	vlt.s32 v31, v8;
	[tilespmem:v14+s24+$0x0] =	vst.idx.msk vm3, v25;
	v14 =	vld [tilespmem:$0x1FF60]  }
0x4b7: {  	v58 =	vsel vm1, $0x1, v1;
	v19 =	vadd.s32 v9, v19;
	v13 =	vadd.s32 v55, v13  }
0x4b8: {  	v60 =	vshll.u32 v33, $0x4;
	v30 =	vadd.s32 v58, v13;
	v13 =	vadd.s32 v9, v13  }
0x4b9: {  	vm4 =	vmand vm5, vm4;
	vm0 =	vnez.u8 v18;
	v18 =	vadd.s32 v9, v30  }
0x4ba: {  	v62 =	vor.u32 v0, v60;
	vm0 =	vmor vm0, vm4;
	v18 =	vshll.u32 v18, $0x4  }
0x4bb: {  	s1 =	sadd.s32 $0x8, s1;
	v61 =	vshll.u32 v13, $0x4;
	vm3 =	vnez.u8 v14;
	v34 =	vor.u32 v0, v18  }
0x4bc: {  	p0 =	slt.s32 s1, s30;
	vm4 =	vlt.s32 v17, $0x0;
	v21 =	vsel vm0, $0x1, v1;
	v18 =	vsel vm12, v45, v16  }
.Ltmp34:
0x4bd: {  	v16 =	vsel vm4, v22, v17;
	v17 =	vadd.s32 v9, v24;
	v13 =	vadd.s32 v21, v30;
	(pc) =	sbr.rel @p0 .LBB2_37-.Ltmp34, $4  }
0x4be: {  	v21 =	vshll.u32 v17, $0x4;
	v17 =	vshll.u32 v19, $0x4;
	v19 =	vsel vm5, $0x1, v1  }
0x4bf: {  	v22 =	vor.u32 v0, v17;
	v19 =	vadd.s32 v19, v31;
	v17 =	vor.u32 v0, v23  }
0x4c0: {  	v23 =	vxor.u32 $0x7FFFFFFF, v11;
	v21 =	vor.u32 v0, v21;
	[tilespmem:v34+s24+$0x0] =	vst.idx.msk vm0, v27;
	vm0 =	vlt.s32 v15, $0x0  }
0x4c1: {  	s31 =	sadd.s32 $0x80, s31;
	[tilespmem:v62+s24+$0x0] =	vst.idx.msk vm13, v29;
	v14 =	vsel vm0, v63, v15;
	vm0 =	vlt.s32 v11, $0x0;
	v15 =	vor.u32 v0, v61  }
.Ltmp35:
0x4c2: {  	_ = 	snop;
	(pc) =	sbr.rel .LBB2_38-.Ltmp35, $1  }
0x4c3: {  	_ =	sdelay $0x3  }
.LBB2_41:
0x4c4: {  	_ =	sfence.sel $0x180000  }
0x4c5: {  	[bflag:$0x0] =	sbarrier.arrive $0xFFFF  }
0x4c6: {  	_ =	strace $0x9000004A  }
0x4c7: {  	s0 =	stileid.u32;
	[bflag:$0x2] =	sbarrier.arrive $0xFFFF  }
0x4c8: {  	p0 =	sne.s32 s0, $0x0;
	s0 =	rddreg [dreg:$0x1]  }
0x4c9: {  	s0 =	sadd.s32 @!p0 $0x100000, s0  }
0x4ca: {  	[sflag:s0] =	ssyncadd.tile.s32 @!p0 $0x1;
	_ =	shalt  }
.Lfunc_end2:
_tile_overlayer_lowered:
.L_overlay_start_2:
0x4cb: {  	(tag) =	ssettag $0x2  }
0x4cc: {  	s0 =	rddreg [dreg:$0x0];
	s2 =	stileid.u32  }
0x4cd: {  	s1 =	rddreg [dreg:$0x1];
	p0 =	sne.s32 s2, $0x0  }
0x4ce: {  	s3 =	rddreg [dreg:$0x2];
	[bflag:$0x3] =	sbarrier.arrive $0xFFFF;
	s2 =	simm.s32 @!p0 $0x1C04  }
0x4cf: {  	[timem:s3], [sflag:s2] =	dma.local @!p0 [hbm:s0], s1  }
0x4d0: {  	s0 =	simm.s32 @!p0 $0x4  }
0x4d1: {  	_ =	swait.ge @!p0 [sflag:s0], s1  }
0x4d2: {  	s1 =	ssub.s32 @!p0 $0x0, s1;
	[sflag:s0] =	ssyncset.done @!p0 $0x0  }
0x4d3: {  	[sflag:s0] =	ssyncadd.s32 @!p0 s1  }
0x4d4: {  	[bflag:$0x3] =	sbarrier.arrive $0xFFFF  }
0x4d5: {  	_ =	shalt  }

// kernel: sparse-core-data-format-call.cloned.1.call-start
scs
called_computation_lowered:
.L_overlay_start_0:
0x0: {  	s2 =	sld [smem:$0x3FD9]  }
0x1: {  	s3 =	sld [smem:$0x3FFE];
	_ =	sdelay $0x1  }
0x2: {  	s1 =	srdreg.scid  }
0x3: {  	s0 =	sand.u32 $0x1, s1  }
0x4: {  	s18 =	sshll.u32 s0, $0xA;
	s2 =	sadd.s32 s3, s2  }
0x5: {  	s2 =	sadd.s32 s2, s18  }
0x6: {  	[smem:$0x3FC7] =	sst s2  }
0x7: {  	_ = 	snop  }
0x8: {  	s2 =	sld [smem:$0x3FC9];
	(tm) =	ssettm $0x1  }
0x9: {  	s19 =	sld [smem:$0x3FFB];
	_ =	sdelay $0x3  }
0xa: {  	_ =	strace s19  }
0xb: {  	s3 =	sld [smem:$0x3FFC];
	_ =	sdelay $0x3  }
0xc: {  	_ =	strace s3  }
0xd: {  	s3 =	sld [smem:$0x3FFD];
	_ =	sdelay $0x3  }
0xe: {  	_ =	strace s3  }
0xf: {  	_ =	strace $0x8FFFFFFF  }
0x10: {  	s20 =	sld [smem:$0x3FDB];
	_ =	sdelay $0x1  }
0x11: {  	s4 =	simm.s32 $_scs_section_size  }
0x12: {  	s5 =	simm.s32 $_size__tile_overlayer_lowered;
	s6 =	simm.s32 $_tile_overlayer_lowered  }
0x13: {  	s23 =	simm.s32 $0x1BFF;
	s22 =	sshll.u32 s6, $0x1;
	s3 =	sadd.s32 s4, s20  }
0x14: {  	s7 =	simm.s32 $0x0;
	s21 =	sshll.u32 s5, $0x1;
	s5 =	sadd.s32 s22, s3  }
0x15: {  	[timem:s7], [sflag:s23] =	dma.local [hbm:s5], s21  }
0x16: {  	_ =	swait.ge [sflag:s23], s21  }
0x17: {  	s4 =	ssub.s32 $0x0, s21;
	[sflag:s23] =	ssyncset.done $0x0  }
0x18: {  	[sflag:s23] =	ssyncadd.s32 s4;
	_ =	sdelay $0x1  }
0x19: {  	s24 =	simm.s32 $0x1B8B  }
0x1a: {  	_ =	swait.ge [sflag:s24], $0x1  }
0x1b: {  	[sflag:s24] =	ssyncset.done $0x0  }
0x1c: {  	s26 =	simm.s32 $0x1B8E;
	s25 =	sld [smem:$0x3FFE];
	[sflag:s24] =	ssyncadd.s32 $0xFFFFFFFF  }
0x1d: {  	s27 =	simm.s32 $execute0_lowered;
	[smem:$0x3FD2] =	sst s26  }
0x1e: {  	s5 =	sshll.u32 s27, $0x1;
	_ =	strace $0x80000046;
	[dreg:$0x1] =	wrdreg $0xFFFFFFFF  }
0x1f: {  	s28 =	simm.s32 $_size_execute0_lowered;
	s3 =	sadd.s32 s3, s5;
	[dreg:$0x0] =	wrdreg $0x0  }
0x20: {  	s5 =	sshll.u32 s28, $0x1;
	[dreg:$0x2] =	wrdreg s3  }
0x21: {  	[dreg:$0x3] =	wrdreg s5  }
0x22: {  	[dreg:$0x4] =	wrdreg $0xC0  }
0x23: {  	_ =	task [dreg:s7], $0x5FFFF  }
0x24: {  	[dreg:$0x1] =	wrdreg $0xFFFFFFFF  }
0x25: {  	[dreg:$0x0] =	wrdreg $0x60  }
0x26: {  	[dreg:$0x2] =	wrdreg s2  }
0x27: {  	[dreg:$0x3] =	wrdreg s25  }
0x28: {  	[dreg:$0x4] =	wrdreg $0x9  }
0x29: {  	_ =	task.clear_ibuf [dreg:s7], $0x5FFFF;
	_ =	strace $0x90000046  }
0x2a: {  	s29 =	simm.s32 $0x9;
	_ =	strace $0x80000048  }
0x2b: {  	_ =	swait.ge [sflag:s29], $0x1  }
0x2c: {  	[sflag:s29] =	ssyncadd.s32 $0xFFFFFFFF  }
0x2d: {  	_ =	strace $0x90000048  }
0x2e: {  	_ =	sfence  }
0x2f: {  	s30 =	sld [smem:$0x0];
	_ =	sdelay $0x2  }
0x30: {  	s31 =	sshll.u32 s1, $0xD;
	s1 =	sshrl.u32 s1, $0x2  }
0x31: {  	s3 =	sand.u32 $0x4000, s31;
	s1 =	sadd.s32 s1, s30  }
0x32: {  	s0 =	sor.u32 s3, s0;
	s1 =	sshll.u32 s1, $0x11  }
0x33: {  	s0 =	sor.u32 s1, s0  }
0x34: {  	s0 =	sadd.s32 $0x8F2B, s0  }
0x35: {  	[sflag:s0] =	ssyncadd.remote.s32 $0x1  }
0x36: {  	_ =	sfence.sel $0xFFFF  }
0x37: {  	[dreg:$0x0] =	wrdreg $0xFFFFFFFF;
	(pc) =	sbr.abs _section_cstart, $3  }
0x38: {  	[dreg:$0x1] =	wrdreg $0xFFFFFFFF  }
0x39: {  	_ =	task.clear_ibuf [dreg:s7], $0x2FFFF;
	_ =	strace $0x9FFFFFFF  }
0x3a: {  	(tm) =	ssettm $0x7FFFFFFF  }
0x3b: {  	_ =	shalt  }
tec
execute0_lowered:
.L_overlay_start_1:
0x0: {  	(tag) =	ssettag $0x1  }
0x1: {  	s0 =	srdreg.scid  }
0x2: {  	s1 =	sshll.u32 s0, $0x4  }
0x3: {  	s2 =	rddreg [dreg:$0x0];
	s0 =	stileid.u32;
	s1 =	sand.u32 $0x10, s1  }
0x4: {  	s4 =	rddreg [dreg:$0x1];
	s7 =	simm.s32 $0x1;
	s1 =	sor.u32 s0, s1  }
0x5: {  	s8 =	simm.s32 $0x2;
	s9 =	simm.s32 $0x0;
	s3 =	sshll.u32 s1, $0x1  }
0x6: {  	s12 =	simm.s32 $0x0;
	s11 =	simm.s32 $0x0;
	s6 =	ssub.s32 $0x800, s3  }
.Ltmp0:
0x7: {  	s4 =	sadd.s32 $0x800, s4;
	s5 =	sand.u32 $0x3E, s6;
	(pc) =	sbr.rel .LBB1_1-.Ltmp0, $4  }
0x8: {  	s1 =	rddreg [dreg:$0x2];
	_ =	strace $0x80000047;
	p0 =	sne.s32 s5, $0x0  }
0x9: {  	s6 =	sshrl.u32 s6, $0x6;
	s5 =	simm.s32 $0x1;
	s7 =	simm.s32 @!p0 $0x0  }
0xa: {  	s10 =	smov.u32 s3;
	[sflag:s5] =	ssyncpa.u1 $0x0;
	s6 =	sadd.s32 s7, s6  }
0xb: {  	[sflag:s8] =	ssyncpa.u1 $0x0;
	s8 =	simm.s32 $0x0;
	s7 =	sadd.s32 $0x1, s6  }
.LBB1_9:
0xc: {  	s14 =	sadd.s32 $0x40, s10  }
0xd: {  	p1 =	sgt.s32 s14, $0x7FF  }
0xe: {  	s14 =	smov.u32 @p1 s3;
	p1 =	sne.s32 s11, s7  }
.Ltmp1:
0xf: {  	p0 =	slt.u32 s11, $0x2;
	(pc) =	sbr.rel @!p1 .LBB1_10-.Ltmp1, $4  }
0x10: {  	s13 =	simm.s32 @!p0 $0x2  }
0x11: {  	s15 =	sadd.s32 $0x1, s11;
	_ =	swait.ge @!p0 [sflag:s13], $0x4000  }
0x12: {  	s12 =	smov.u32 s10;
	s9 =	sadd.s32 $0x4000, s9;
	[sflag:s13] =	ssyncset.done @!p0 $0x0  }
0x13: {  	s11 =	smov.u32 s15;
	s10 =	smov.u32 s14;
	[sflag:s13] =	ssyncadd.s32 @!p0 $0xFFFFC000  }
.LBB1_1:
0x14: {  	p0 =	sge.u32 s11, s6  }
0x15: {  	s13 =	sxor.u32 @!p0 $0xFFFFFFFF, s11  }
0x16: {  	s31 =	sadd.s32 $0xFFFFFFFF, s11;
	s14 =	sshll.u32 @!p0 s10, $0xA;
	s13 =	sshll.u32 @!p0 s13, $0xE  }
0x17: {  	s15 =	simm.s32 @!p0 $0x0;
	s14 =	sadd.s32 @!p0 s2, s14;
	s13 =	sand.u32 @!p0 $0x4000, s13  }
0x18: {  	[tilespmem:s13], [sflag:$0x1] =	stream.linear.gather @!p0 [hbm4b:s14+s15], $0x4000, $0x38;
	[tilespmem:$0x10000] =	vst v63  }
0x19: {  	p0 =	sge.u32 s31, s6  }
.Ltmp2:
0x1a: {  	_ = 	snop;
	(pc) =	sbr.rel @p0 .LBB1_9-.Ltmp2, $1  }
0x1b: {  	_ =	sdelay $0x3  }
0x1c: {  	s13 =	sshll.u32 s9, $0x2  }
0x1d: {  	_ =	swait.ge [sflag:s5], $0x4000;
	s14 =	sshll.u32 s11, $0xE;
	s16 =	simm.s32 $0x0  }
0x1e: {  	p1 =	por $0x1, $0x1;
	s13 =	sand.u32 $0x10000, s13;
	[sflag:s5] =	ssyncset.done $0x0  }
0x1f: {  	s14 =	sand.u32 $0x4000, s14;
	s15 =	sshrl.u32 s13, $0x2;
	[sflag:s5] =	ssyncadd.s32 $0xFFFFC000  }
0x20: {  	s13 =	sor.u32 $0x8000, s14;
	s14 =	sadd.s32 $0x8040, s15;
	s15 =	sadd.s32 $0x40, s15  }
.LBB1_3:
0x21: {  	s16 =	sshll.u32 s16, $0x2  }
0x22: {  	p0 =	por p1, p1;
	s17 =	sshra.s32 s16, $0x2  }
0x23: {  	s18 =	simm.s32 $0x0;
	s16 =	sadd.s32 s17, s14;
	s17 =	sadd.s32 s17, s15  }
.LBB1_4:
0x24: {  	v0 =	vmov s17;
	_ =	sdelay $0x3  }
0x25: {  	s20 =	simm.s32 $0x0  }
0x26: {  	v6 =	vld.idx.msk [tilespmem:v0+s20+$0x30 ss:$0x1], $0xffff  }
0x27: {  	v7 =	vld.idx.msk [tilespmem:v0+s20+$0xFFFFFFC0 ss:$0x1], $0xffff  }
0x28: {  	v5 =	vld.idx.msk [tilespmem:v0+s20+$0xFFFFFFD0 ss:$0x1], $0xffff  }
0x29: {  	v4 =	vld.idx.msk [tilespmem:v0+s20+$0xFFFFFFE0 ss:$0x1], $0xffff  }
0x2a: {  	v3 =	vld.idx.msk [tilespmem:v0+s20+$0xFFFFFFF0 ss:$0x1], $0xffff  }
0x2b: {  	v1 =	vld.idx.msk [tilespmem:v0+s20+$0x0 ss:$0x1], $0xffff  }
0x2c: {  	v2 =	vld.idx.msk [tilespmem:v0+s20+$0x10 ss:$0x1], $0xffff;
	[tilespmem:s16+$0x30] =	vst v6  }
0x2d: {  	s19 =	simm.s32 $0x80;
	s21 =	simm.s32 $0x400;
	[tilespmem:s16+$0xFFFFFFC0] =	vst v7;
	v6 =	vld.idx.msk [tilespmem:v0+s20+$0x20 ss:$0x1], $0xffff;
	s20 =	smov.u32 s16  }
.LBB1_5:
0x2e: {  	p1 =	sne.s32 s21, $0xE00;
	v7 =	vld.idx.msk [tilespmem:v0+s19+$0x30 ss:$0x1], $0xffff;
	[tilespmem:s20+$0xFFFFFFD0] =	vst v5  }
0x2f: {  	v8 =	vld.idx.msk [tilespmem:v0+s19+$0xFFFFFFC0 ss:$0x1], $0xffff;
	[tilespmem:s20+$0xFFFFFFE0] =	vst v4  }
0x30: {  	v5 =	vld.idx.msk [tilespmem:v0+s19+$0xFFFFFFD0 ss:$0x1], $0xffff;
	[tilespmem:s20+$0xFFFFFFF0] =	vst v3  }
.Ltmp3:
0x31: {  	v4 =	vld.idx.msk [tilespmem:v0+s19+$0xFFFFFFE0 ss:$0x1], $0xffff;
	[tilespmem:s20+$0x0] =	vst v1;
	(pc) =	sbr.rel @p1 .LBB1_5-.Ltmp3, $4  }
0x32: {  	v3 =	vld.idx.msk [tilespmem:v0+s19+$0xFFFFFFF0 ss:$0x1], $0xffff;
	[tilespmem:s20+$0x10] =	vst v2  }
0x33: {  	v1 =	vld.idx.msk [tilespmem:v0+s19+$0x0 ss:$0x1], $0xffff;
	[tilespmem:s20+$0x20] =	vst v6;
	s20 =	sadd.s32 $0x400, s20  }
0x34: {  	v2 =	vld.idx.msk [tilespmem:v0+s19+$0x10 ss:$0x1], $0xffff;
	[tilespmem:s20+$0x30] =	vst v7  }
0x35: {  	[tilespmem:s20+$0xFFFFFFC0] =	vst v8;
	v6 =	vld.idx.msk [tilespmem:v0+s19+$0x20 ss:$0x1], $0xffff;
	s19 =	sshra.s32 s21, $0x2;
	s21 =	sadd.s32 $0x200, s21  }
0x36: {  	_ =	sdelay $0x2  }
0x37: {  	[tilespmem:s20+$0xFFFFFFD0] =	vst v5  }
0x38: {  	v56 =	vld.idx.msk [tilespmem:v0+s19+$0x30 ss:$0x1], $0xffff;
	[tilespmem:s20+$0xFFFFFFE0] =	vst v4  }
0x39: {  	v57 =	vld.idx.msk [tilespmem:v0+s19+$0xFFFFFFC0 ss:$0x1], $0xffff;
	[tilespmem:s20+$0xFFFFFFF0] =	vst v3  }
0x3a: {  	v58 =	vld.idx.msk [tilespmem:v0+s19+$0xFFFFFFD0 ss:$0x1], $0xffff;
	[tilespmem:s20+$0x0] =	vst v1  }
0x3b: {  	v59 =	vld.idx.msk [tilespmem:v0+s19+$0xFFFFFFE0 ss:$0x1], $0xffff;
	[tilespmem:s20+$0x10] =	vst v2  }
0x3c: {  	v60 =	vld.idx.msk [tilespmem:v0+s19+$0xFFFFFFF0 ss:$0x1], $0xffff;
	s31 =	sadd.s32 $0x400, s20;
	[tilespmem:s20+$0x20] =	vst v6  }
0x3d: {  	v61 =	vld.idx.msk [tilespmem:v0+s19+$0x0 ss:$0x1], $0xffff;
	[tilespmem:s31+$0x30] =	vst v56  }
0x3e: {  	v62 =	vld.idx.msk [tilespmem:v0+s19+$0x10 ss:$0x1], $0xffff;
	s18 =	sadd.s32 $0x1, s18;
	[tilespmem:s31+$0xFFFFFFC0] =	vst v57  }
0x3f: {  	v63 =	vld.idx.msk [tilespmem:v0+s19+$0x20 ss:$0x1], $0xffff;
	p1 =	sne.s32 s18, $0x8;
	[tilespmem:s31+$0xFFFFFFD0] =	vst v58  }
.Ltmp4:
0x40: {  	[tilespmem:s31+$0xFFFFFFE0] =	vst v59;
	(pc) =	sbr.rel @p1 .LBB1_4-.Ltmp4, $4  }
0x41: {  	[tilespmem:s31+$0xFFFFFFF0] =	vst v60  }
0x42: {  	[tilespmem:s31+$0x0] =	vst v61  }
0x43: {  	[tilespmem:s31+$0x10] =	vst v62  }
0x44: {  	s16 =	sadd.s32 $0x80, s16;
	s17 =	sadd.s32 $0x400, s17;
	[tilespmem:s31+$0x20] =	vst v63  }
.Ltmp5:
0x45: {  	(pc) =	sbr.rel @p0 .LBB1_3-.Ltmp5, $2  }
0x46: {  	_ =	sdelay $0x2  }
0x47: {  	s16 =	simm.s32 $0x2000;
	p1 =	por $0x0, $0x0  }
.Ltmp6:
0x48: {  	(pc) =	sbr.rel .LBB1_9-.Ltmp6, $4  }
0x49: {  	_ = 	snop  }
0x4a: {  	s12 =	sshll.u32 s12, $0xA  }
0x4b: {  	s12 =	sadd.s32 s4, s12  }
0x4c: {  	[hbm4b:s12+s8] =	stream.linear.scatter [tilespmem:s13], [sflag:$0x2], $0x4000, $0x38;
	[tilespmem:$0x10000] =	vst v63  }
.LBB1_10:
0x4d: {  	_ =	sfence.sel $0x180000  }
0x4e: {  	s2 =	simm.s32 $0x1;
	[bflag:$0x0] =	sbarrier.arrive $0xFFFF  }
0x4f: {  	s31 =	simm.s32 $0x2;
	[sflag:s2] =	ssyncpa.u1 $0x1  }
0x50: {  	[sflag:s31] =	ssyncpa.u1 $0x1  }
0x51: {  	p0 =	sne.s32 s0, $0x0;
	_ =	strace $0x90000047  }
0x52: {  	s0 =	sadd.s32 @!p0 $0x100000, s1;
	[bflag:$0x2] =	sbarrier.arrive $0xFFFF  }
0x53: {  	[sflag:s0] =	ssyncadd.tile.s32 @!p0 $0x1;
	_ =	shalt  }
.Lfunc_end1:
_tile_overlayer_lowered:
.L_overlay_start_2:
0x54: {  	(tag) =	ssettag $0x2  }
0x55: {  	s0 =	rddreg [dreg:$0x0];
	s2 =	stileid.u32  }
0x56: {  	s1 =	rddreg [dreg:$0x1];
	p0 =	sne.s32 s2, $0x0  }
0x57: {  	s3 =	rddreg [dreg:$0x2];
	[bflag:$0x3] =	sbarrier.arrive $0xFFFF;
	s2 =	simm.s32 @!p0 $0x1C01  }
0x58: {  	[timem:s3], [sflag:s2] =	dma.local @!p0 [hbm:s0], s1  }
0x59: {  	s0 =	simm.s32 @!p0 $0x1  }
0x5a: {  	_ =	swait.ge @!p0 [sflag:s0], s1  }
0x5b: {  	s1 =	ssub.s32 @!p0 $0x0, s1;
	[sflag:s0] =	ssyncset.done @!p0 $0x0  }
0x5c: {  	[sflag:s0] =	ssyncadd.s32 @!p0 s1  }
0x5d: {  	[bflag:$0x3] =	sbarrier.arrive $0xFFFF  }
0x5e: {  	_ =	shalt  }

</sc_bundles>
